<compile_context>
chip_gen: v7x
topology: tpu7x:2x2x1
jax: 0.10.2.dev20260603
libtpu: 0.0.44.dev20260713+nightly
codegen_flags: <defaults>
</compile_context>

<pallas_src>
import functools

import jax
import jax.numpy as jnp
from jax import lax
from jax.experimental import pallas as pl
from jax.experimental.pallas import tpu as pltpu
from jax.experimental.pallas import tpu_sc as plsc

N_USER = 50000
N_ITEM = 50000
D_FEAT = 512
N_EMBD = 512

_NC = 2
_NS = 16
_NW = _NC * _NS

_QUOTA = 1568
_CHUNK = 112
_NCHUNKS = _QUOTA // _CHUNK


def _item_gather_body(ids_hbm, emb_hbm, out_hbm, idx_v, rows_a, rows_b, sem_a, sem_b):
    wid = lax.axis_index("s") * _NC + lax.axis_index("c")
    base = wid * _QUOTA
    load_base = jnp.minimum(base, N_ITEM - _QUOTA)
    pltpu.sync_copy(ids_hbm.at[pl.ds(load_base, _QUOTA)], idx_v)

    def start_of(c):
        return jnp.minimum(base + c * _CHUNK, N_ITEM - _CHUNK)

    def gather(c, buf, sem):
        off = start_of(c) - load_base
        return pltpu.async_copy(emb_hbm.at[idx_v.at[pl.ds(off, _CHUNK)]], buf, sem)

    bufs = (rows_a, rows_b)
    sems = (sem_a, sem_b)

    handles = [gather(0, bufs[0], sems[0]), None]
    for c in range(_NCHUNKS):
        handles[c % 2].wait()
        if c + 1 < _NCHUNKS:
            handles[(c + 1) % 2] = gather(c + 1, bufs[(c + 1) % 2], sems[(c + 1) % 2])
        pltpu.sync_copy(bufs[c % 2], out_hbm.at[pl.ds(start_of(c), _CHUNK)])


@functools.cache
def _item_gather():
    return pl.kernel(
        _item_gather_body,
        out_type=jax.ShapeDtypeStruct((N_ITEM, N_EMBD), jnp.float32),
        mesh=plsc.VectorSubcoreMesh(
            core_axis_name="c", subcore_axis_name="s", num_cores=_NC, num_subcores=_NS
        ),
        scratch_types=[
            pltpu.VMEM((_QUOTA,), jnp.int32),
            pltpu.VMEM((_CHUNK, N_EMBD), jnp.float32),
            pltpu.VMEM((_CHUNK, N_EMBD), jnp.float32),
            pltpu.SemaphoreType.DMA,
            pltpu.SemaphoreType.DMA,
        ],
    )


_BM = 2000


def _user_body(x_ref, w_ref, b_ref, e_ref, o_ref):
    xb = x_ref[...].astype(jnp.bfloat16)
    wb = w_ref[...].astype(jnp.bfloat16)
    acc = lax.dot_general(
        xb, wb, (((1,), (1,)), ((), ())), preferred_element_type=jnp.float32
    )
    o_ref[...] = acc + b_ref[...] + e_ref[...]


def _user_linear(x_user, W_user, b_user, emb_user):
    return pl.pallas_call(
        _user_body,
        grid=(N_USER // _BM,),
        in_specs=[
            pl.BlockSpec((_BM, D_FEAT), lambda i: (i, 0)),
            pl.BlockSpec((N_EMBD, D_FEAT), lambda i: (0, 0)),
            pl.BlockSpec((1, N_EMBD), lambda i: (0, 0)),
            pl.BlockSpec((_BM, N_EMBD), lambda i: (i, 0)),
        ],
        out_specs=pl.BlockSpec((_BM, N_EMBD), lambda i: (i, 0)),
        out_shape=jax.ShapeDtypeStruct((N_USER, N_EMBD), jnp.float32),
    )(x_user, W_user, b_user.reshape(1, N_EMBD), emb_user)


def kernel(x_user, node_id_user, node_id_item, W_user, b_user, emb_user, emb_item):
    del node_id_user
    x_i = _item_gather()(node_id_item, emb_item)
    x_u = _user_linear(x_user, W_user, b_user, emb_user)
    return (x_u, x_i)

# --- scband reference (transcript-rebuilt; emitter-appended) ---
"""Pipeline reference for scband-hetero-input-layer-29171417874766 (READ-ONLY COPY).

The authoritative reference and input builder live on the scoring server;
editing this copy changes nothing except your own understanding.
"""

import jax, jax.numpy as jnp
import numpy as np

N_USER = 50000
N_ITEM = 50000
D_FEAT = 512
N_EMBD = 512

def setup_inputs(seed: int = 0) -> dict:
    key = jax.random.key(seed)
    k1, k2, k3, k4, k5 = jax.random.split(key, 5)
    x_user = jax.random.normal(k1, (N_USER, D_FEAT), dtype=jnp.float32)
    node_id_user = jnp.arange(N_USER, dtype=jnp.int64 if jax.config.jax_enable_x64 else jnp.int32)
    node_id_item = jnp.arange(N_ITEM, dtype=jnp.int64 if jax.config.jax_enable_x64 else jnp.int32)
    # parameters
    bound = 1.0 / np.sqrt(D_FEAT)
    W_user = jax.random.uniform(k2, (N_EMBD, D_FEAT), minval=-bound, maxval=bound, dtype=jnp.float32)
    b_user = jax.random.uniform(k3, (N_EMBD,), minval=-bound, maxval=bound, dtype=jnp.float32)
    emb_user = jax.random.normal(k4, (N_USER, N_EMBD), dtype=jnp.float32)
    emb_item = jax.random.normal(k5, (N_ITEM, N_EMBD), dtype=jnp.float32)
    return {"x_user": x_user, "node_id_user": node_id_user, "node_id_item": node_id_item,
            "W_user": W_user, "b_user": b_user, "emb_user": emb_user, "emb_item": emb_item}

def reference(x_user, node_id_user, node_id_item, W_user, b_user, emb_user, emb_item):
    # node type 'user': has features -> Linear(x) + Embedding(node_id)
    x_u = x_user @ W_user.T + b_user + jnp.take(emb_user, node_id_user, axis=0)
    # node type 'item': featureless -> Embedding(node_id) only
    x_i = jnp.take(emb_item, node_id_item, axis=0)
    return (x_u, x_i)

if __name__ == "__main__":
    import jax
    _d = setup_inputs()
    print(jax.jit(kernel)(*tuple(_d.values())))

</pallas_src>

<mosaic_0001>
#map = affine_map<(d0, d1) -> (0)>
#map1 = affine_map<(d0, d1) -> (0, 0)>
module attributes {stable_mosaic.version = 14 : i64} {
  func.func @_item_gather_body(%arg0: i32, %arg1: i32, %arg2: memref<50000xi32, #tpu.memory_space<hbm>>, %arg3: memref<50000x512xf32, #tpu.memory_space<hbm>>, %arg4: memref<50000x512xf32, #tpu.memory_space<hbm>>, %arg5: memref<1568xi32, #tpu.memory_space<vmem>>, %arg6: memref<112x512xf32, #tpu.memory_space<vmem>>, %arg7: memref<112x512xf32, #tpu.memory_space<vmem>>, %arg8: memref<!tpu.dma_semaphore, #tpu.memory_space<semaphore_mem>>, %arg9: memref<!tpu.dma_semaphore, #tpu.memory_space<semaphore_mem>>) attributes {dimension_semantics = [#tpu.dimension_semantics<core_parallel>, #tpu.dimension_semantics<subcore_parallel>], iteration_bounds = array<i64: 2, 16>, scalar_prefetch = 0 : i64, scratch_operands = 5 : i64, tpu.core_type = #tpu.core_type<sc_vector_subcore>, window_params = [{transform_indices = #map}, {transform_indices = #map1}, {transform_indices = #map1}]} {
    %mul3A = arith.constant 2 : i32
    %mul3A_0 = arith.muli %arg1, %mul3A : i32
    %add3A = arith.addi %mul3A_0, %arg0 : i32
    %mul3A_1 = arith.constant 1568 : i32
    %mul3A_2 = arith.muli %add3A, %mul3A_1 : i32
    %min3A = arith.constant 48432 : i32
    %min3A_3 = arith.minsi %mul3A_2, %min3A : i32
    "tpu.region"() ({
      %run_scoped3A = tpu.sem_alloc : memref<!tpu.dma_semaphore, #tpu.memory_space<semaphore_mem>>
      %dma_start3A_239 = tpu.memref_slice %arg2[%min3A_3] : memref<50000xi32, #tpu.memory_space<hbm>> -> memref<1568xi32, #tpu.memory_space<hbm>>
      %dma_start3A_240 = tpu.memref_slice %arg2[%min3A_3] : memref<50000xi32, #tpu.memory_space<hbm>> -> memref<1568xi32, #tpu.memory_space<hbm>>
      tpu.enqueue_dma source(%dma_start3A_240 : memref<1568xi32, #tpu.memory_space<hbm>>) target(%arg5 : memref<1568xi32, #tpu.memory_space<vmem>>) target_semaphore(%run_scoped3A : memref<!tpu.dma_semaphore, #tpu.memory_space<semaphore_mem>>)
      %dma_wait3A_241 = tpu.memref_slice %arg2[%min3A_3] : memref<50000xi32, #tpu.memory_space<hbm>> -> memref<1568xi32, #tpu.memory_space<hbm>>
      %dma_wait3A_242 = tpu.memref_slice %arg2[%min3A_3] : memref<50000xi32, #tpu.memory_space<hbm>> -> memref<1568xi32, #tpu.memory_space<hbm>>
      tpu.wait_dma2 semaphore(%run_scoped3A : memref<!tpu.dma_semaphore, #tpu.memory_space<semaphore_mem>>) src(%dma_wait3A_242 : memref<1568xi32, #tpu.memory_space<hbm>>) dst(%arg5 : memref<1568xi32, #tpu.memory_space<vmem>>)
      tpu.yield
    }) : () -> ()
    %add3A_4 = arith.constant 0 : i32
    %add3A_5 = arith.addi %mul3A_2, %add3A_4 : i32
    %min3A_6 = arith.constant 49888 : i32
    %min3A_7 = arith.minsi %add3A_5, %min3A_6 : i32
    %sub3A = arith.subi %min3A_7, %min3A_3 : i32
    %dma_start3A = tpu.memref_slice %arg5[%sub3A] : memref<1568xi32, #tpu.memory_space<vmem>> -> memref<112xi32, #tpu.memory_space<vmem>>
    %dma_start3A_8 = arith.constant 0 : i32
    %dma_start3A_9 = arith.constant 0 : i32
    %dma_start3A_10 = tpu.memref_slice %arg3[%dma_start3A_8, %dma_start3A_9] : memref<50000x512xf32, #tpu.memory_space<hbm>> -> memref<50000x512xf32, #tpu.memory_space<hbm>>
    tpu.enqueue_indirect_dma source(%dma_start3A_10 : memref<50000x512xf32, #tpu.memory_space<hbm>>) target(%arg6 : memref<112x512xf32, #tpu.memory_space<vmem>>) offsets(%dma_start3A : memref<112xi32, #tpu.memory_space<vmem>>) semaphore(%arg8 : memref<!tpu.dma_semaphore, #tpu.memory_space<semaphore_mem>>)
    %dma_wait3A = tpu.memref_slice %arg5[%sub3A] : memref<1568xi32, #tpu.memory_space<vmem>> -> memref<112xi32, #tpu.memory_space<vmem>>
    %dma_wait3A_11 = arith.constant 0 : i32
    %dma_wait3A_12 = arith.constant 0 : i32
    %dma_wait3A_13 = tpu.memref_slice %arg3[%dma_wait3A_11, %dma_wait3A_12] : memref<50000x512xf32, #tpu.memory_space<hbm>> -> memref<50000x512xf32, #tpu.memory_space<hbm>>
    tpu.wait_indirect_dma semaphore(%arg8 : memref<!tpu.dma_semaphore, #tpu.memory_space<semaphore_mem>>) src(%dma_wait3A_13 : memref<50000x512xf32, #tpu.memory_space<hbm>>) dst(%arg6 : memref<112x512xf32, #tpu.memory_space<vmem>>)
    %add3A_14 = arith.constant 112 : i32
    %add3A_15 = arith.addi %mul3A_2, %add3A_14 : i32
    %min3A_16 = arith.constant 49888 : i32
    %min3A_17 = arith.minsi %add3A_15, %min3A_16 : i32
    %sub3A_18 = arith.subi %min3A_17, %min3A_3 : i32
    %dma_start3A_19 = tpu.memref_slice %arg5[%sub3A_18] : memref<1568xi32, #tpu.memory_space<vmem>> -> memref<112xi32, #tpu.memory_space<vmem>>
    %dma_start3A_20 = arith.constant 0 : i32
    %dma_start3A_21 = arith.constant 0 : i32
    %dma_start3A_22 = tpu.memref_slice %arg3[%dma_start3A_20, %dma_start3A_21] : memref<50000x512xf32, #tpu.memory_space<hbm>> -> memref<50000x512xf32, #tpu.memory_space<hbm>>
    tpu.enqueue_indirect_dma source(%dma_start3A_22 : memref<50000x512xf32, #tpu.memory_space<hbm>>) target(%arg7 : memref<112x512xf32, #tpu.memory_space<vmem>>) offsets(%dma_start3A_19 : memref<112xi32, #tpu.memory_space<vmem>>) semaphore(%arg9 : memref<!tpu.dma_semaphore, #tpu.memory_space<semaphore_mem>>)
    %add3A_23 = arith.constant 0 : i32
    %add3A_24 = arith.addi %mul3A_2, %add3A_23 : i32
    %min3A_25 = arith.constant 49888 : i32
    %min3A_26 = arith.minsi %add3A_24, %min3A_25 : i32
    "tpu.region"() ({
      %run_scoped3A = tpu.sem_alloc : memref<!tpu.dma_semaphore, #tpu.memory_space<semaphore_mem>>
      %dma_start3A_239 = arith.constant 0 : i32
      %dma_start3A_240 = tpu.memref_slice %arg4[%min3A_26, %dma_start3A_239] : memref<50000x512xf32, #tpu.memory_space<hbm>> -> memref<112x512xf32, #tpu.memory_space<hbm>>
      %dma_start3A_241 = arith.constant 0 : i32
      %dma_start3A_242 = tpu.memref_slice %arg4[%min3A_26, %dma_start3A_241] : memref<50000x512xf32, #tpu.memory_space<hbm>> -> memref<112x512xf32, #tpu.memory_space<hbm>>
      tpu.enqueue_dma source(%arg6 : memref<112x512xf32, #tpu.memory_space<vmem>>) target(%dma_start3A_242 : memref<112x512xf32, #tpu.memory_space<hbm>>) target_semaphore(%run_scoped3A : memref<!tpu.dma_semaphore, #tpu.memory_space<semaphore_mem>>)
      %dma_wait3A_243 = arith.constant 0 : i32
      %dma_wait3A_244 = tpu.memref_slice %arg4[%min3A_26, %dma_wait3A_243] : memref<50000x512xf32, #tpu.memory_space<hbm>> -> memref<112x512xf32, #tpu.memory_space<hbm>>
      %dma_wait3A_245 = arith.constant 0 : i32
      %dma_wait3A_246 = tpu.memref_slice %arg4[%min3A_26, %dma_wait3A_245] : memref<50000x512xf32, #tpu.memory_space<hbm>> -> memref<112x512xf32, #tpu.memory_space<hbm>>
      tpu.wait_dma2 semaphore(%run_scoped3A : memref<!tpu.dma_semaphore, #tpu.memory_space<semaphore_mem>>) src(%arg6 : memref<112x512xf32, #tpu.memory_space<vmem>>) dst(%dma_wait3A_246 : memref<112x512xf32, #tpu.memory_space<hbm>>)
      tpu.yield
    }) : () -> ()
    %dma_wait3A_27 = tpu.memref_slice %arg5[%sub3A_18] : memref<1568xi32, #tpu.memory_space<vmem>> -> memref<112xi32, #tpu.memory_space<vmem>>
    %dma_wait3A_28 = arith.constant 0 : i32
    %dma_wait3A_29 = arith.constant 0 : i32
    %dma_wait3A_30 = tpu.memref_slice %arg3[%dma_wait3A_28, %dma_wait3A_29] : memref<50000x512xf32, #tpu.memory_space<hbm>> -> memref<50000x512xf32, #tpu.memory_space<hbm>>
    tpu.wait_indirect_dma semaphore(%arg9 : memref<!tpu.dma_semaphore, #tpu.memory_space<semaphore_mem>>) src(%dma_wait3A_30 : memref<50000x512xf32, #tpu.memory_space<hbm>>) dst(%arg7 : memref<112x512xf32, #tpu.memory_space<vmem>>)
    %add3A_31 = arith.constant 224 : i32
    %add3A_32 = arith.addi %mul3A_2, %add3A_31 : i32
    %min3A_33 = arith.constant 49888 : i32
    %min3A_34 = arith.minsi %add3A_32, %min3A_33 : i32
    %sub3A_35 = arith.subi %min3A_34, %min3A_3 : i32
    %dma_start3A_36 = tpu.memref_slice %arg5[%sub3A_35] : memref<1568xi32, #tpu.memory_space<vmem>> -> memref<112xi32, #tpu.memory_space<vmem>>
    %dma_start3A_37 = arith.constant 0 : i32
    %dma_start3A_38 = arith.constant 0 : i32
    %dma_start3A_39 = tpu.memref_slice %arg3[%dma_start3A_37, %dma_start3A_38] : memref<50000x512xf32, #tpu.memory_space<hbm>> -> memref<50000x512xf32, #tpu.memory_space<hbm>>
    tpu.enqueue_indirect_dma source(%dma_start3A_39 : memref<50000x512xf32, #tpu.memory_space<hbm>>) target(%arg6 : memref<112x512xf32, #tpu.memory_space<vmem>>) offsets(%dma_start3A_36 : memref<112xi32, #tpu.memory_space<vmem>>) semaphore(%arg8 : memref<!tpu.dma_semaphore, #tpu.memory_space<semaphore_mem>>)
    %add3A_40 = arith.constant 112 : i32
    %add3A_41 = arith.addi %mul3A_2, %add3A_40 : i32
    %min3A_42 = arith.constant 49888 : i32
    %min3A_43 = arith.minsi %add3A_41, %min3A_42 : i32
    "tpu.region"() ({
      %run_scoped3A = tpu.sem_alloc : memref<!tpu.dma_semaphore, #tpu.memory_space<semaphore_mem>>
      %dma_start3A_239 = arith.constant 0 : i32
      %dma_start3A_240 = tpu.memref_slice %arg4[%min3A_43, %dma_start3A_239] : memref<50000x512xf32, #tpu.memory_space<hbm>> -> memref<112x512xf32, #tpu.memory_space<hbm>>
      %dma_start3A_241 = arith.constant 0 : i32
      %dma_start3A_242 = tpu.memref_slice %arg4[%min3A_43, %dma_start3A_241] : memref<50000x512xf32, #tpu.memory_space<hbm>> -> memref<112x512xf32, #tpu.memory_space<hbm>>
      tpu.enqueue_dma source(%arg7 : memref<112x512xf32, #tpu.memory_space<vmem>>) target(%dma_start3A_242 : memref<112x512xf32, #tpu.memory_space<hbm>>) target_semaphore(%run_scoped3A : memref<!tpu.dma_semaphore, #tpu.memory_space<semaphore_mem>>)
      %dma_wait3A_243 = arith.constant 0 : i32
      %dma_wait3A_244 = tpu.memref_slice %arg4[%min3A_43, %dma_wait3A_243] : memref<50000x512xf32, #tpu.memory_space<hbm>> -> memref<112x512xf32, #tpu.memory_space<hbm>>
      %dma_wait3A_245 = arith.constant 0 : i32
      %dma_wait3A_246 = tpu.memref_slice %arg4[%min3A_43, %dma_wait3A_245] : memref<50000x512xf32, #tpu.memory_space<hbm>> -> memref<112x512xf32, #tpu.memory_space<hbm>>
      tpu.wait_dma2 semaphore(%run_scoped3A : memref<!tpu.dma_semaphore, #tpu.memory_space<semaphore_mem>>) src(%arg7 : memref<112x512xf32, #tpu.memory_space<vmem>>) dst(%dma_wait3A_246 : memref<112x512xf32, #tpu.memory_space<hbm>>)
      tpu.yield
    }) : () -> ()
    %dma_wait3A_44 = tpu.memref_slice %arg5[%sub3A_35] : memref<1568xi32, #tpu.memory_space<vmem>> -> memref<112xi32, #tpu.memory_space<vmem>>
    %dma_wait3A_45 = arith.constant 0 : i32
    %dma_wait3A_46 = arith.constant 0 : i32
    %dma_wait3A_47 = tpu.memref_slice %arg3[%dma_wait3A_45, %dma_wait3A_46] : memref<50000x512xf32, #tpu.memory_space<hbm>> -> memref<50000x512xf32, #tpu.memory_space<hbm>>
    tpu.wait_indirect_dma semaphore(%arg8 : memref<!tpu.dma_semaphore, #tpu.memory_space<semaphore_mem>>) src(%dma_wait3A_47 : memref<50000x512xf32, #tpu.memory_space<hbm>>) dst(%arg6 : memref<112x512xf32, #tpu.memory_space<vmem>>)
    %add3A_48 = arith.constant 336 : i32
    %add3A_49 = arith.addi %mul3A_2, %add3A_48 : i32
    %min3A_50 = arith.constant 49888 : i32
    %min3A_51 = arith.minsi %add3A_49, %min3A_50 : i32
    %sub3A_52 = arith.subi %min3A_51, %min3A_3 : i32
    %dma_start3A_53 = tpu.memref_slice %arg5[%sub3A_52] : memref<1568xi32, #tpu.memory_space<vmem>> -> memref<112xi32, #tpu.memory_space<vmem>>
    %dma_start3A_54 = arith.constant 0 : i32
    %dma_start3A_55 = arith.constant 0 : i32
    %dma_start3A_56 = tpu.memref_slice %arg3[%dma_start3A_54, %dma_start3A_55] : memref<50000x512xf32, #tpu.memory_space<hbm>> -> memref<50000x512xf32, #tpu.memory_space<hbm>>
    tpu.enqueue_indirect_dma source(%dma_start3A_56 : memref<50000x512xf32, #tpu.memory_space<hbm>>) target(%arg7 : memref<112x512xf32, #tpu.memory_space<vmem>>) offsets(%dma_start3A_53 : memref<112xi32, #tpu.memory_space<vmem>>) semaphore(%arg9 : memref<!tpu.dma_semaphore, #tpu.memory_space<semaphore_mem>>)
    %add3A_57 = arith.constant 224 : i32
    %add3A_58 = arith.addi %mul3A_2, %add3A_57 : i32
    %min3A_59 = arith.constant 49888 : i32
    %min3A_60 = arith.minsi %add3A_58, %min3A_59 : i32
    "tpu.region"() ({
      %run_scoped3A = tpu.sem_alloc : memref<!tpu.dma_semaphore, #tpu.memory_space<semaphore_mem>>
      %dma_start3A_239 = arith.constant 0 : i32
      %dma_start3A_240 = tpu.memref_slice %arg4[%min3A_60, %dma_start3A_239] : memref<50000x512xf32, #tpu.memory_space<hbm>> -> memref<112x512xf32, #tpu.memory_space<hbm>>
      %dma_start3A_241 = arith.constant 0 : i32
      %dma_start3A_242 = tpu.memref_slice %arg4[%min3A_60, %dma_start3A_241] : memref<50000x512xf32, #tpu.memory_space<hbm>> -> memref<112x512xf32, #tpu.memory_space<hbm>>
      tpu.enqueue_dma source(%arg6 : memref<112x512xf32, #tpu.memory_space<vmem>>) target(%dma_start3A_242 : memref<112x512xf32, #tpu.memory_space<hbm>>) target_semaphore(%run_scoped3A : memref<!tpu.dma_semaphore, #tpu.memory_space<semaphore_mem>>)
      %dma_wait3A_243 = arith.constant 0 : i32
      %dma_wait3A_244 = tpu.memref_slice %arg4[%min3A_60, %dma_wait3A_243] : memref<50000x512xf32, #tpu.memory_space<hbm>> -> memref<112x512xf32, #tpu.memory_space<hbm>>
      %dma_wait3A_245 = arith.constant 0 : i32
      %dma_wait3A_246 = tpu.memref_slice %arg4[%min3A_60, %dma_wait3A_245] : memref<50000x512xf32, #tpu.memory_space<hbm>> -> memref<112x512xf32, #tpu.memory_space<hbm>>
      tpu.wait_dma2 semaphore(%run_scoped3A : memref<!tpu.dma_semaphore, #tpu.memory_space<semaphore_mem>>) src(%arg6 : memref<112x512xf32, #tpu.memory_space<vmem>>) dst(%dma_wait3A_246 : memref<112x512xf32, #tpu.memory_space<hbm>>)
      tpu.yield
    }) : () -> ()
    %dma_wait3A_61 = tpu.memref_slice %arg5[%sub3A_52] : memref<1568xi32, #tpu.memory_space<vmem>> -> memref<112xi32, #tpu.memory_space<vmem>>
    %dma_wait3A_62 = arith.constant 0 : i32
    %dma_wait3A_63 = arith.constant 0 : i32
    %dma_wait3A_64 = tpu.memref_slice %arg3[%dma_wait3A_62, %dma_wait3A_63] : memref<50000x512xf32, #tpu.memory_space<hbm>> -> memref<50000x512xf32, #tpu.memory_space<hbm>>
    tpu.wait_indirect_dma semaphore(%arg9 : memref<!tpu.dma_semaphore, #tpu.memory_space<semaphore_mem>>) src(%dma_wait3A_64 : memref<50000x512xf32, #tpu.memory_space<hbm>>) dst(%arg7 : memref<112x512xf32, #tpu.memory_space<vmem>>)
    %add3A_65 = arith.constant 448 : i32
    %add3A_66 = arith.addi %mul3A_2, %add3A_65 : i32
    %min3A_67 = arith.constant 49888 : i32
    %min3A_68 = arith.minsi %add3A_66, %min3A_67 : i32
    %sub3A_69 = arith.subi %min3A_68, %min3A_3 : i32
    %dma_start3A_70 = tpu.memref_slice %arg5[%sub3A_69] : memref<1568xi32, #tpu.memory_space<vmem>> -> memref<112xi32, #tpu.memory_space<vmem>>
    %dma_start3A_71 = arith.constant 0 : i32
    %dma_start3A_72 = arith.constant 0 : i32
    %dma_start3A_73 = tpu.memref_slice %arg3[%dma_start3A_71, %dma_start3A_72] : memref<50000x512xf32, #tpu.memory_space<hbm>> -> memref<50000x512xf32, #tpu.memory_space<hbm>>
    tpu.enqueue_indirect_dma source(%dma_start3A_73 : memref<50000x512xf32, #tpu.memory_space<hbm>>) target(%arg6 : memref<112x512xf32, #tpu.memory_space<vmem>>) offsets(%dma_start3A_70 : memref<112xi32, #tpu.memory_space<vmem>>) semaphore(%arg8 : memref<!tpu.dma_semaphore, #tpu.memory_space<semaphore_mem>>)
    %add3A_74 = arith.constant 336 : i32
    %add3A_75 = arith.addi %mul3A_2, %add3A_74 : i32
    %min3A_76 = arith.constant 49888 : i32
    %min3A_77 = arith.minsi %add3A_75, %min3A_76 : i32
    "tpu.region"() ({
      %run_scoped3A = tpu.sem_alloc : memref<!tpu.dma_semaphore, #tpu.memory_space<semaphore_mem>>
      %dma_start3A_239 = arith.constant 0 : i32
      %dma_start3A_240 = tpu.memref_slice %arg4[%min3A_77, %dma_start3A_239] : memref<50000x512xf32, #tpu.memory_space<hbm>> -> memref<112x512xf32, #tpu.memory_space<hbm>>
      %dma_start3A_241 = arith.constant 0 : i32
      %dma_start3A_242 = tpu.memref_slice %arg4[%min3A_77, %dma_start3A_241] : memref<50000x512xf32, #tpu.memory_space<hbm>> -> memref<112x512xf32, #tpu.memory_space<hbm>>
      tpu.enqueue_dma source(%arg7 : memref<112x512xf32, #tpu.memory_space<vmem>>) target(%dma_start3A_242 : memref<112x512xf32, #tpu.memory_space<hbm>>) target_semaphore(%run_scoped3A : memref<!tpu.dma_semaphore, #tpu.memory_space<semaphore_mem>>)
      %dma_wait3A_243 = arith.constant 0 : i32
      %dma_wait3A_244 = tpu.memref_slice %arg4[%min3A_77, %dma_wait3A_243] : memref<50000x512xf32, #tpu.memory_space<hbm>> -> memref<112x512xf32, #tpu.memory_space<hbm>>
      %dma_wait3A_245 = arith.constant 0 : i32
      %dma_wait3A_246 = tpu.memref_slice %arg4[%min3A_77, %dma_wait3A_245] : memref<50000x512xf32, #tpu.memory_space<hbm>> -> memref<112x512xf32, #tpu.memory_space<hbm>>
      tpu.wait_dma2 semaphore(%run_scoped3A : memref<!tpu.dma_semaphore, #tpu.memory_space<semaphore_mem>>) src(%arg7 : memref<112x512xf32, #tpu.memory_space<vmem>>) dst(%dma_wait3A_246 : memref<112x512xf32, #tpu.memory_space<hbm>>)
      tpu.yield
    }) : () -> ()
    %dma_wait3A_78 = tpu.memref_slice %arg5[%sub3A_69] : memref<1568xi32, #tpu.memory_space<vmem>> -> memref<112xi32, #tpu.memory_space<vmem>>
    %dma_wait3A_79 = arith.constant 0 : i32
    %dma_wait3A_80 = arith.constant 0 : i32
    %dma_wait3A_81 = tpu.memref_slice %arg3[%dma_wait3A_79, %dma_wait3A_80] : memref<50000x512xf32, #tpu.memory_space<hbm>> -> memref<50000x512xf32, #tpu.memory_space<hbm>>
    tpu.wait_indirect_dma semaphore(%arg8 : memref<!tpu.dma_semaphore, #tpu.memory_space<semaphore_mem>>) src(%dma_wait3A_81 : memref<50000x512xf32, #tpu.memory_space<hbm>>) dst(%arg6 : memref<112x512xf32, #tpu.memory_space<vmem>>)
    %add3A_82 = arith.constant 560 : i32
    %add3A_83 = arith.addi %mul3A_2, %add3A_82 : i32
    %min3A_84 = arith.constant 49888 : i32
    %min3A_85 = arith.minsi %add3A_83, %min3A_84 : i32
    %sub3A_86 = arith.subi %min3A_85, %min3A_3 : i32
    %dma_start3A_87 = tpu.memref_slice %arg5[%sub3A_86] : memref<1568xi32, #tpu.memory_space<vmem>> -> memref<112xi32, #tpu.memory_space<vmem>>
    %dma_start3A_88 = arith.constant 0 : i32
    %dma_start3A_89 = arith.constant 0 : i32
    %dma_start3A_90 = tpu.memref_slice %arg3[%dma_start3A_88, %dma_start3A_89] : memref<50000x512xf32, #tpu.memory_space<hbm>> -> memref<50000x512xf32, #tpu.memory_space<hbm>>
    tpu.enqueue_indirect_dma source(%dma_start3A_90 : memref<50000x512xf32, #tpu.memory_space<hbm>>) target(%arg7 : memref<112x512xf32, #tpu.memory_space<vmem>>) offsets(%dma_start3A_87 : memref<112xi32, #tpu.memory_space<vmem>>) semaphore(%arg9 : memref<!tpu.dma_semaphore, #tpu.memory_space<semaphore_mem>>)
    %add3A_91 = arith.constant 448 : i32
    %add3A_92 = arith.addi %mul3A_2, %add3A_91 : i32
    %min3A_93 = arith.constant 49888 : i32
    %min3A_94 = arith.minsi %add3A_92, %min3A_93 : i32
    "tpu.region"() ({
      %run_scoped3A = tpu.sem_alloc : memref<!tpu.dma_semaphore, #tpu.memory_space<semaphore_mem>>
      %dma_start3A_239 = arith.constant 0 : i32
      %dma_start3A_240 = tpu.memref_slice %arg4[%min3A_94, %dma_start3A_239] : memref<50000x512xf32, #tpu.memory_space<hbm>> -> memref<112x512xf32, #tpu.memory_space<hbm>>
      %dma_start3A_241 = arith.constant 0 : i32
      %dma_start3A_242 = tpu.memref_slice %arg4[%min3A_94, %dma_start3A_241] : memref<50000x512xf32, #tpu.memory_space<hbm>> -> memref<112x512xf32, #tpu.memory_space<hbm>>
      tpu.enqueue_dma source(%arg6 : memref<112x512xf32, #tpu.memory_space<vmem>>) target(%dma_start3A_242 : memref<112x512xf32, #tpu.memory_space<hbm>>) target_semaphore(%run_scoped3A : memref<!tpu.dma_semaphore, #tpu.memory_space<semaphore_mem>>)
      %dma_wait3A_243 = arith.constant 0 : i32
      %dma_wait3A_244 = tpu.memref_slice %arg4[%min3A_94, %dma_wait3A_243] : memref<50000x512xf32, #tpu.memory_space<hbm>> -> memref<112x512xf32, #tpu.memory_space<hbm>>
      %dma_wait3A_245 = arith.constant 0 : i32
      %dma_wait3A_246 = tpu.memref_slice %arg4[%min3A_94, %dma_wait3A_245] : memref<50000x512xf32, #tpu.memory_space<hbm>> -> memref<112x512xf32, #tpu.memory_space<hbm>>
      tpu.wait_dma2 semaphore(%run_scoped3A : memref<!tpu.dma_semaphore, #tpu.memory_space<semaphore_mem>>) src(%arg6 : memref<112x512xf32, #tpu.memory_space<vmem>>) dst(%dma_wait3A_246 : memref<112x512xf32, #tpu.memory_space<hbm>>)
      tpu.yield
    }) : () -> ()
    %dma_wait3A_95 = tpu.memref_slice %arg5[%sub3A_86] : memref<1568xi32, #tpu.memory_space<vmem>> -> memref<112xi32, #tpu.memory_space<vmem>>
    %dma_wait3A_96 = arith.constant 0 : i32
    %dma_wait3A_97 = arith.constant 0 : i32
    %dma_wait3A_98 = tpu.memref_slice %arg3[%dma_wait3A_96, %dma_wait3A_97] : memref<50000x512xf32, #tpu.memory_space<hbm>> -> memref<50000x512xf32, #tpu.memory_space<hbm>>
    tpu.wait_indirect_dma semaphore(%arg9 : memref<!tpu.dma_semaphore, #tpu.memory_space<semaphore_mem>>) src(%dma_wait3A_98 : memref<50000x512xf32, #tpu.memory_space<hbm>>) dst(%arg7 : memref<112x512xf32, #tpu.memory_space<vmem>>)
    %add3A_99 = arith.constant 672 : i32
    %add3A_100 = arith.addi %mul3A_2, %add3A_99 : i32
    %min3A_101 = arith.constant 49888 : i32
    %min3A_102 = arith.minsi %add3A_100, %min3A_101 : i32
    %sub3A_103 = arith.subi %min3A_102, %min3A_3 : i32
    %dma_start3A_104 = tpu.memref_slice %arg5[%sub3A_103] : memref<1568xi32, #tpu.memory_space<vmem>> -> memref<112xi32, #tpu.memory_space<vmem>>
    %dma_start3A_105 = arith.constant 0 : i32
    %dma_start3A_106 = arith.constant 0 : i32
    %dma_start3A_107 = tpu.memref_slice %arg3[%dma_start3A_105, %dma_start3A_106] : memref<50000x512xf32, #tpu.memory_space<hbm>> -> memref<50000x512xf32, #tpu.memory_space<hbm>>
    tpu.enqueue_indirect_dma source(%dma_start3A_107 : memref<50000x512xf32, #tpu.memory_space<hbm>>) target(%arg6 : memref<112x512xf32, #tpu.memory_space<vmem>>) offsets(%dma_start3A_104 : memref<112xi32, #tpu.memory_space<vmem>>) semaphore(%arg8 : memref<!tpu.dma_semaphore, #tpu.memory_space<semaphore_mem>>)
    %add3A_108 = arith.constant 560 : i32
    %add3A_109 = arith.addi %mul3A_2, %add3A_108 : i32
    %min3A_110 = arith.constant 49888 : i32
    %min3A_111 = arith.minsi %add3A_109, %min3A_110 : i32
    "tpu.region"() ({
      %run_scoped3A = tpu.sem_alloc : memref<!tpu.dma_semaphore, #tpu.memory_space<semaphore_mem>>
      %dma_start3A_239 = arith.constant 0 : i32
      %dma_start3A_240 = tpu.memref_slice %arg4[%min3A_111, %dma_start3A_239] : memref<50000x512xf32, #tpu.memory_space<hbm>> -> memref<112x512xf32, #tpu.memory_space<hbm>>
      %dma_start3A_241 = arith.constant 0 : i32
      %dma_start3A_242 = tpu.memref_slice %arg4[%min3A_111, %dma_start3A_241] : memref<50000x512xf32, #tpu.memory_space<hbm>> -> memref<112x512xf32, #tpu.memory_space<hbm>>
      tpu.enqueue_dma source(%arg7 : memref<112x512xf32, #tpu.memory_space<vmem>>) target(%dma_start3A_242 : memref<112x512xf32, #tpu.memory_space<hbm>>) target_semaphore(%run_scoped3A : memref<!tpu.dma_semaphore, #tpu.memory_space<semaphore_mem>>)
      %dma_wait3A_243 = arith.constant 0 : i32
      %dma_wait3A_244 = tpu.memref_slice %arg4[%min3A_111, %dma_wait3A_243] : memref<50000x512xf32, #tpu.memory_space<hbm>> -> memref<112x512xf32, #tpu.memory_space<hbm>>
      %dma_wait3A_245 = arith.constant 0 : i32
      %dma_wait3A_246 = tpu.memref_slice %arg4[%min3A_111, %dma_wait3A_245] : memref<50000x512xf32, #tpu.memory_space<hbm>> -> memref<112x512xf32, #tpu.memory_space<hbm>>
      tpu.wait_dma2 semaphore(%run_scoped3A : memref<!tpu.dma_semaphore, #tpu.memory_space<semaphore_mem>>) src(%arg7 : memref<112x512xf32, #tpu.memory_space<vmem>>) dst(%dma_wait3A_246 : memref<112x512xf32, #tpu.memory_space<hbm>>)
      tpu.yield
    }) : () -> ()
    %dma_wait3A_112 = tpu.memref_slice %arg5[%sub3A_103] : memref<1568xi32, #tpu.memory_space<vmem>> -> memref<112xi32, #tpu.memory_space<vmem>>
    %dma_wait3A_113 = arith.constant 0 : i32
    %dma_wait3A_114 = arith.constant 0 : i32
    %dma_wait3A_115 = tpu.memref_slice %arg3[%dma_wait3A_113, %dma_wait3A_114] : memref<50000x512xf32, #tpu.memory_space<hbm>> -> memref<50000x512xf32, #tpu.memory_space<hbm>>
    tpu.wait_indirect_dma semaphore(%arg8 : memref<!tpu.dma_semaphore, #tpu.memory_space<semaphore_mem>>) src(%dma_wait3A_115 : memref<50000x512xf32, #tpu.memory_space<hbm>>) dst(%arg6 : memref<112x512xf32, #tpu.memory_space<vmem>>)
    %add3A_116 = arith.constant 784 : i32
    %add3A_117 = arith.addi %mul3A_2, %add3A_116 : i32
    %min3A_118 = arith.constant 49888 : i32
    %min3A_119 = arith.minsi %add3A_117, %min3A_118 : i32
    %sub3A_120 = arith.subi %min3A_119, %min3A_3 : i32
    %dma_start3A_121 = tpu.memref_slice %arg5[%sub3A_120] : memref<1568xi32, #tpu.memory_space<vmem>> -> memref<112xi32, #tpu.memory_space<vmem>>
    %dma_start3A_122 = arith.constant 0 : i32
    %dma_start3A_123 = arith.constant 0 : i32
    %dma_start3A_124 = tpu.memref_slice %arg3[%dma_start3A_122, %dma_start3A_123] : memref<50000x512xf32, #tpu.memory_space<hbm>> -> memref<50000x512xf32, #tpu.memory_space<hbm>>
    tpu.enqueue_indirect_dma source(%dma_start3A_124 : memref<50000x512xf32, #tpu.memory_space<hbm>>) target(%arg7 : memref<112x512xf32, #tpu.memory_space<vmem>>) offsets(%dma_start3A_121 : memref<112xi32, #tpu.memory_space<vmem>>) semaphore(%arg9 : memref<!tpu.dma_semaphore, #tpu.memory_space<semaphore_mem>>)
    %add3A_125 = arith.constant 672 : i32
    %add3A_126 = arith.addi %mul3A_2, %add3A_125 : i32
    %min3A_127 = arith.constant 49888 : i32
    %min3A_128 = arith.minsi %add3A_126, %min3A_127 : i32
    "tpu.region"() ({
      %run_scoped3A = tpu.sem_alloc : memref<!tpu.dma_semaphore, #tpu.memory_space<semaphore_mem>>
      %dma_start3A_239 = arith.constant 0 : i32
      %dma_start3A_240 = tpu.memref_slice %arg4[%min3A_128, %dma_start3A_239] : memref<50000x512xf32, #tpu.memory_space<hbm>> -> memref<112x512xf32, #tpu.memory_space<hbm>>
      %dma_start3A_241 = arith.constant 0 : i32
      %dma_start3A_242 = tpu.memref_slice %arg4[%min3A_128, %dma_start3A_241] : memref<50000x512xf32, #tpu.memory_space<hbm>> -> memref<112x512xf32, #tpu.memory_space<hbm>>
      tpu.enqueue_dma source(%arg6 : memref<112x512xf32, #tpu.memory_space<vmem>>) target(%dma_start3A_242 : memref<112x512xf32, #tpu.memory_space<hbm>>) target_semaphore(%run_scoped3A : memref<!tpu.dma_semaphore, #tpu.memory_space<semaphore_mem>>)
      %dma_wait3A_243 = arith.constant 0 : i32
      %dma_wait3A_244 = tpu.memref_slice %arg4[%min3A_128, %dma_wait3A_243] : memref<50000x512xf32, #tpu.memory_space<hbm>> -> memref<112x512xf32, #tpu.memory_space<hbm>>
      %dma_wait3A_245 = arith.constant 0 : i32
      %dma_wait3A_246 = tpu.memref_slice %arg4[%min3A_128, %dma_wait3A_245] : memref<50000x512xf32, #tpu.memory_space<hbm>> -> memref<112x512xf32, #tpu.memory_space<hbm>>
      tpu.wait_dma2 semaphore(%run_scoped3A : memref<!tpu.dma_semaphore, #tpu.memory_space<semaphore_mem>>) src(%arg6 : memref<112x512xf32, #tpu.memory_space<vmem>>) dst(%dma_wait3A_246 : memref<112x512xf32, #tpu.memory_space<hbm>>)
      tpu.yield
    }) : () -> ()
    %dma_wait3A_129 = tpu.memref_slice %arg5[%sub3A_120] : memref<1568xi32, #tpu.memory_space<vmem>> -> memref<112xi32, #tpu.memory_space<vmem>>
    %dma_wait3A_130 = arith.constant 0 : i32
    %dma_wait3A_131 = arith.constant 0 : i32
    %dma_wait3A_132 = tpu.memref_slice %arg3[%dma_wait3A_130, %dma_wait3A_131] : memref<50000x512xf32, #tpu.memory_space<hbm>> -> memref<50000x512xf32, #tpu.memory_space<hbm>>
    tpu.wait_indirect_dma semaphore(%arg9 : memref<!tpu.dma_semaphore, #tpu.memory_space<semaphore_mem>>) src(%dma_wait3A_132 : memref<50000x512xf32, #tpu.memory_space<hbm>>) dst(%arg7 : memref<112x512xf32, #tpu.memory_space<vmem>>)
    %add3A_133 = arith.constant 896 : i32
    %add3A_134 = arith.addi %mul3A_2, %add3A_133 : i32
    %min3A_135 = arith.constant 49888 : i32
    %min3A_136 = arith.minsi %add3A_134, %min3A_135 : i32
    %sub3A_137 = arith.subi %min3A_136, %min3A_3 : i32
    %dma_start3A_138 = tpu.memref_slice %arg5[%sub3A_137] : memref<1568xi32, #tpu.memory_space<vmem>> -> memref<112xi32, #tpu.memory_space<vmem>>
    %dma_start3A_139 = arith.constant 0 : i32
    %dma_start3A_140 = arith.constant 0 : i32
    %dma_start3A_141 = tpu.memref_slice %arg3[%dma_start3A_139, %dma_start3A_140] : memref<50000x512xf32, #tpu.memory_space<hbm>> -> memref<50000x512xf32, #tpu.memory_space<hbm>>
    tpu.enqueue_indirect_dma source(%dma_start3A_141 : memref<50000x512xf32, #tpu.memory_space<hbm>>) target(%arg6 : memref<112x512xf32, #tpu.memory_space<vmem>>) offsets(%dma_start3A_138 : memref<112xi32, #tpu.memory_space<vmem>>) semaphore(%arg8 : memref<!tpu.dma_semaphore, #tpu.memory_space<semaphore_mem>>)
    %add3A_142 = arith.constant 784 : i32
    %add3A_143 = arith.addi %mul3A_2, %add3A_142 : i32
    %min3A_144 = arith.constant 49888 : i32
    %min3A_145 = arith.minsi %add3A_143, %min3A_144 : i32
    "tpu.region"() ({
      %run_scoped3A = tpu.sem_alloc : memref<!tpu.dma_semaphore, #tpu.memory_space<semaphore_mem>>
      %dma_start3A_239 = arith.constant 0 : i32
      %dma_start3A_240 = tpu.memref_slice %arg4[%min3A_145, %dma_start3A_239] : memref<50000x512xf32, #tpu.memory_space<hbm>> -> memref<112x512xf32, #tpu.memory_space<hbm>>
      %dma_start3A_241 = arith.constant 0 : i32
      %dma_start3A_242 = tpu.memref_slice %arg4[%min3A_145, %dma_start3A_241] : memref<50000x512xf32, #tpu.memory_space<hbm>> -> memref<112x512xf32, #tpu.memory_space<hbm>>
      tpu.enqueue_dma source(%arg7 : memref<112x512xf32, #tpu.memory_space<vmem>>) target(%dma_start3A_242 : memref<112x512xf32, #tpu.memory_space<hbm>>) target_semaphore(%run_scoped3A : memref<!tpu.dma_semaphore, #tpu.memory_space<semaphore_mem>>)
      %dma_wait3A_243 = arith.constant 0 : i32
      %dma_wait3A_244 = tpu.memref_slice %arg4[%min3A_145, %dma_wait3A_243] : memref<50000x512xf32, #tpu.memory_space<hbm>> -> memref<112x512xf32, #tpu.memory_space<hbm>>
      %dma_wait3A_245 = arith.constant 0 : i32
      %dma_wait3A_246 = tpu.memref_slice %arg4[%min3A_145, %dma_wait3A_245] : memref<50000x512xf32, #tpu.memory_space<hbm>> -> memref<112x512xf32, #tpu.memory_space<hbm>>
      tpu.wait_dma2 semaphore(%run_scoped3A : memref<!tpu.dma_semaphore, #tpu.memory_space<semaphore_mem>>) src(%arg7 : memref<112x512xf32, #tpu.memory_space<vmem>>) dst(%dma_wait3A_246 : memref<112x512xf32, #tpu.memory_space<hbm>>)
      tpu.yield
    }) : () -> ()
    %dma_wait3A_146 = tpu.memref_slice %arg5[%sub3A_137] : memref<1568xi32, #tpu.memory_space<vmem>> -> memref<112xi32, #tpu.memory_space<vmem>>
    %dma_wait3A_147 = arith.constant 0 : i32
    %dma_wait3A_148 = arith.constant 0 : i32
    %dma_wait3A_149 = tpu.memref_slice %arg3[%dma_wait3A_147, %dma_wait3A_148] : memref<50000x512xf32, #tpu.memory_space<hbm>> -> memref<50000x512xf32, #tpu.memory_space<hbm>>
    tpu.wait_indirect_dma semaphore(%arg8 : memref<!tpu.dma_semaphore, #tpu.memory_space<semaphore_mem>>) src(%dma_wait3A_149 : memref<50000x512xf32, #tpu.memory_space<hbm>>) dst(%arg6 : memref<112x512xf32, #tpu.memory_space<vmem>>)
    %add3A_150 = arith.constant 1008 : i32
    %add3A_151 = arith.addi %mul3A_2, %add3A_150 : i32
    %min3A_152 = arith.constant 49888 : i32
    %min3A_153 = arith.minsi %add3A_151, %min3A_152 : i32
    %sub3A_154 = arith.subi %min3A_153, %min3A_3 : i32
    %dma_start3A_155 = tpu.memref_slice %arg5[%sub3A_154] : memref<1568xi32, #tpu.memory_space<vmem>> -> memref<112xi32, #tpu.memory_space<vmem>>
    %dma_start3A_156 = arith.constant 0 : i32
    %dma_start3A_157 = arith.constant 0 : i32
    %dma_start3A_158 = tpu.memref_slice %arg3[%dma_start3A_156, %dma_start3A_157] : memref<50000x512xf32, #tpu.memory_space<hbm>> -> memref<50000x512xf32, #tpu.memory_space<hbm>>
    tpu.enqueue_indirect_dma source(%dma_start3A_158 : memref<50000x512xf32, #tpu.memory_space<hbm>>) target(%arg7 : memref<112x512xf32, #tpu.memory_space<vmem>>) offsets(%dma_start3A_155 : memref<112xi32, #tpu.memory_space<vmem>>) semaphore(%arg9 : memref<!tpu.dma_semaphore, #tpu.memory_space<semaphore_mem>>)
    %add3A_159 = arith.constant 896 : i32
    %add3A_160 = arith.addi %mul3A_2, %add3A_159 : i32
    %min3A_161 = arith.constant 49888 : i32
    %min3A_162 = arith.minsi %add3A_160, %min3A_161 : i32
    "tpu.region"() ({
      %run_scoped3A = tpu.sem_alloc : memref<!tpu.dma_semaphore, #tpu.memory_space<semaphore_mem>>
      %dma_start3A_239 = arith.constant 0 : i32
      %dma_start3A_240 = tpu.memref_slice %arg4[%min3A_162, %dma_start3A_239] : memref<50000x512xf32, #tpu.memory_space<hbm>> -> memref<112x512xf32, #tpu.memory_space<hbm>>
      %dma_start3A_241 = arith.constant 0 : i32
      %dma_start3A_242 = tpu.memref_slice %arg4[%min3A_162, %dma_start3A_241] : memref<50000x512xf32, #tpu.memory_space<hbm>> -> memref<112x512xf32, #tpu.memory_space<hbm>>
      tpu.enqueue_dma source(%arg6 : memref<112x512xf32, #tpu.memory_space<vmem>>) target(%dma_start3A_242 : memref<112x512xf32, #tpu.memory_space<hbm>>) target_semaphore(%run_scoped3A : memref<!tpu.dma_semaphore, #tpu.memory_space<semaphore_mem>>)
      %dma_wait3A_243 = arith.constant 0 : i32
      %dma_wait3A_244 = tpu.memref_slice %arg4[%min3A_162, %dma_wait3A_243] : memref<50000x512xf32, #tpu.memory_space<hbm>> -> memref<112x512xf32, #tpu.memory_space<hbm>>
      %dma_wait3A_245 = arith.constant 0 : i32
      %dma_wait3A_246 = tpu.memref_slice %arg4[%min3A_162, %dma_wait3A_245] : memref<50000x512xf32, #tpu.memory_space<hbm>> -> memref<112x512xf32, #tpu.memory_space<hbm>>
      tpu.wait_dma2 semaphore(%run_scoped3A : memref<!tpu.dma_semaphore, #tpu.memory_space<semaphore_mem>>) src(%arg6 : memref<112x512xf32, #tpu.memory_space<vmem>>) dst(%dma_wait3A_246 : memref<112x512xf32, #tpu.memory_space<hbm>>)
      tpu.yield
    }) : () -> ()
    %dma_wait3A_163 = tpu.memref_slice %arg5[%sub3A_154] : memref<1568xi32, #tpu.memory_space<vmem>> -> memref<112xi32, #tpu.memory_space<vmem>>
    %dma_wait3A_164 = arith.constant 0 : i32
    %dma_wait3A_165 = arith.constant 0 : i32
    %dma_wait3A_166 = tpu.memref_slice %arg3[%dma_wait3A_164, %dma_wait3A_165] : memref<50000x512xf32, #tpu.memory_space<hbm>> -> memref<50000x512xf32, #tpu.memory_space<hbm>>
    tpu.wait_indirect_dma semaphore(%arg9 : memref<!tpu.dma_semaphore, #tpu.memory_space<semaphore_mem>>) src(%dma_wait3A_166 : memref<50000x512xf32, #tpu.memory_space<hbm>>) dst(%arg7 : memref<112x512xf32, #tpu.memory_space<vmem>>)
    %add3A_167 = arith.constant 1120 : i32
    %add3A_168 = arith.addi %mul3A_2, %add3A_167 : i32
    %min3A_169 = arith.constant 49888 : i32
    %min3A_170 = arith.minsi %add3A_168, %min3A_169 : i32
    %sub3A_171 = arith.subi %min3A_170, %min3A_3 : i32
    %dma_start3A_172 = tpu.memref_slice %arg5[%sub3A_171] : memref<1568xi32, #tpu.memory_space<vmem>> -> memref<112xi32, #tpu.memory_space<vmem>>
    %dma_start3A_173 = arith.constant 0 : i32
    %dma_start3A_174 = arith.constant 0 : i32
    %dma_start3A_175 = tpu.memref_slice %arg3[%dma_start3A_173, %dma_start3A_174] : memref<50000x512xf32, #tpu.memory_space<hbm>> -> memref<50000x512xf32, #tpu.memory_space<hbm>>
    tpu.enqueue_indirect_dma source(%dma_start3A_175 : memref<50000x512xf32, #tpu.memory_space<hbm>>) target(%arg6 : memref<112x512xf32, #tpu.memory_space<vmem>>) offsets(%dma_start3A_172 : memref<112xi32, #tpu.memory_space<vmem>>) semaphore(%arg8 : memref<!tpu.dma_semaphore, #tpu.memory_space<semaphore_mem>>)
    %add3A_176 = arith.constant 1008 : i32
    %add3A_177 = arith.addi %mul3A_2, %add3A_176 : i32
    %min3A_178 = arith.constant 49888 : i32
    %min3A_179 = arith.minsi %add3A_177, %min3A_178 : i32
    "tpu.region"() ({
      %run_scoped3A = tpu.sem_alloc : memref<!tpu.dma_semaphore, #tpu.memory_space<semaphore_mem>>
      %dma_start3A_239 = arith.constant 0 : i32
      %dma_start3A_240 = tpu.memref_slice %arg4[%min3A_179, %dma_start3A_239] : memref<50000x512xf32, #tpu.memory_space<hbm>> -> memref<112x512xf32, #tpu.memory_space<hbm>>
      %dma_start3A_241 = arith.constant 0 : i32
      %dma_start3A_242 = tpu.memref_slice %arg4[%min3A_179, %dma_start3A_241] : memref<50000x512xf32, #tpu.memory_space<hbm>> -> memref<112x512xf32, #tpu.memory_space<hbm>>
      tpu.enqueue_dma source(%arg7 : memref<112x512xf32, #tpu.memory_space<vmem>>) target(%dma_start3A_242 : memref<112x512xf32, #tpu.memory_space<hbm>>) target_semaphore(%run_scoped3A : memref<!tpu.dma_semaphore, #tpu.memory_space<semaphore_mem>>)
      %dma_wait3A_243 = arith.constant 0 : i32
      %dma_wait3A_244 = tpu.memref_slice %arg4[%min3A_179, %dma_wait3A_243] : memref<50000x512xf32, #tpu.memory_space<hbm>> -> memref<112x512xf32, #tpu.memory_space<hbm>>
      %dma_wait3A_245 = arith.constant 0 : i32
      %dma_wait3A_246 = tpu.memref_slice %arg4[%min3A_179, %dma_wait3A_245] : memref<50000x512xf32, #tpu.memory_space<hbm>> -> memref<112x512xf32, #tpu.memory_space<hbm>>
      tpu.wait_dma2 semaphore(%run_scoped3A : memref<!tpu.dma_semaphore, #tpu.memory_space<semaphore_mem>>) src(%arg7 : memref<112x512xf32, #tpu.memory_space<vmem>>) dst(%dma_wait3A_246 : memref<112x512xf32, #tpu.memory_space<hbm>>)
      tpu.yield
    }) : () -> ()
    %dma_wait3A_180 = tpu.memref_slice %arg5[%sub3A_171] : memref<1568xi32, #tpu.memory_space<vmem>> -> memref<112xi32, #tpu.memory_space<vmem>>
    %dma_wait3A_181 = arith.constant 0 : i32
    %dma_wait3A_182 = arith.constant 0 : i32
    %dma_wait3A_183 = tpu.memref_slice %arg3[%dma_wait3A_181, %dma_wait3A_182] : memref<50000x512xf32, #tpu.memory_space<hbm>> -> memref<50000x512xf32, #tpu.memory_space<hbm>>
    tpu.wait_indirect_dma semaphore(%arg8 : memref<!tpu.dma_semaphore, #tpu.memory_space<semaphore_mem>>) src(%dma_wait3A_183 : memref<50000x512xf32, #tpu.memory_space<hbm>>) dst(%arg6 : memref<112x512xf32, #tpu.memory_space<vmem>>)
    %add3A_184 = arith.constant 1232 : i32
    %add3A_185 = arith.addi %mul3A_2, %add3A_184 : i32
    %min3A_186 = arith.constant 49888 : i32
    %min3A_187 = arith.minsi %add3A_185, %min3A_186 : i32
    %sub3A_188 = arith.subi %min3A_187, %min3A_3 : i32
    %dma_start3A_189 = tpu.memref_slice %arg5[%sub3A_188] : memref<1568xi32, #tpu.memory_space<vmem>> -> memref<112xi32, #tpu.memory_space<vmem>>
    %dma_start3A_190 = arith.constant 0 : i32
    %dma_start3A_191 = arith.constant 0 : i32
    %dma_start3A_192 = tpu.memref_slice %arg3[%dma_start3A_190, %dma_start3A_191] : memref<50000x512xf32, #tpu.memory_space<hbm>> -> memref<50000x512xf32, #tpu.memory_space<hbm>>
    tpu.enqueue_indirect_dma source(%dma_start3A_192 : memref<50000x512xf32, #tpu.memory_space<hbm>>) target(%arg7 : memref<112x512xf32, #tpu.memory_space<vmem>>) offsets(%dma_start3A_189 : memref<112xi32, #tpu.memory_space<vmem>>) semaphore(%arg9 : memref<!tpu.dma_semaphore, #tpu.memory_space<semaphore_mem>>)
    %add3A_193 = arith.constant 1120 : i32
    %add3A_194 = arith.addi %mul3A_2, %add3A_193 : i32
    %min3A_195 = arith.constant 49888 : i32
    %min3A_196 = arith.minsi %add3A_194, %min3A_195 : i32
    "tpu.region"() ({
      %run_scoped3A = tpu.sem_alloc : memref<!tpu.dma_semaphore, #tpu.memory_space<semaphore_mem>>
      %dma_start3A_239 = arith.constant 0 : i32
      %dma_start3A_240 = tpu.memref_slice %arg4[%min3A_196, %dma_start3A_239] : memref<50000x512xf32, #tpu.memory_space<hbm>> -> memref<112x512xf32, #tpu.memory_space<hbm>>
      %dma_start3A_241 = arith.constant 0 : i32
      %dma_start3A_242 = tpu.memref_slice %arg4[%min3A_196, %dma_start3A_241] : memref<50000x512xf32, #tpu.memory_space<hbm>> -> memref<112x512xf32, #tpu.memory_space<hbm>>
      tpu.enqueue_dma source(%arg6 : memref<112x512xf32, #tpu.memory_space<vmem>>) target(%dma_start3A_242 : memref<112x512xf32, #tpu.memory_space<hbm>>) target_semaphore(%run_scoped3A : memref<!tpu.dma_semaphore, #tpu.memory_space<semaphore_mem>>)
      %dma_wait3A_243 = arith.constant 0 : i32
      %dma_wait3A_244 = tpu.memref_slice %arg4[%min3A_196, %dma_wait3A_243] : memref<50000x512xf32, #tpu.memory_space<hbm>> -> memref<112x512xf32, #tpu.memory_space<hbm>>
      %dma_wait3A_245 = arith.constant 0 : i32
      %dma_wait3A_246 = tpu.memref_slice %arg4[%min3A_196, %dma_wait3A_245] : memref<50000x512xf32, #tpu.memory_space<hbm>> -> memref<112x512xf32, #tpu.memory_space<hbm>>
      tpu.wait_dma2 semaphore(%run_scoped3A : memref<!tpu.dma_semaphore, #tpu.memory_space<semaphore_mem>>) src(%arg6 : memref<112x512xf32, #tpu.memory_space<vmem>>) dst(%dma_wait3A_246 : memref<112x512xf32, #tpu.memory_space<hbm>>)
      tpu.yield
    }) : () -> ()
    %dma_wait3A_197 = tpu.memref_slice %arg5[%sub3A_188] : memref<1568xi32, #tpu.memory_space<vmem>> -> memref<112xi32, #tpu.memory_space<vmem>>
    %dma_wait3A_198 = arith.constant 0 : i32
    %dma_wait3A_199 = arith.constant 0 : i32
    %dma_wait3A_200 = tpu.memref_slice %arg3[%dma_wait3A_198, %dma_wait3A_199] : memref<50000x512xf32, #tpu.memory_space<hbm>> -> memref<50000x512xf32, #tpu.memory_space<hbm>>
    tpu.wait_indirect_dma semaphore(%arg9 : memref<!tpu.dma_semaphore, #tpu.memory_space<semaphore_mem>>) src(%dma_wait3A_200 : memref<50000x512xf32, #tpu.memory_space<hbm>>) dst(%arg7 : memref<112x512xf32, #tpu.memory_space<vmem>>)
    %add3A_201 = arith.constant 1344 : i32
    %add3A_202 = arith.addi %mul3A_2, %add3A_201 : i32
    %min3A_203 = arith.constant 49888 : i32
    %min3A_204 = arith.minsi %add3A_202, %min3A_203 : i32
    %sub3A_205 = arith.subi %min3A_204, %min3A_3 : i32
    %dma_start3A_206 = tpu.memref_slice %arg5[%sub3A_205] : memref<1568xi32, #tpu.memory_space<vmem>> -> memref<112xi32, #tpu.memory_space<vmem>>
    %dma_start3A_207 = arith.constant 0 : i32
    %dma_start3A_208 = arith.constant 0 : i32
    %dma_start3A_209 = tpu.memref_slice %arg3[%dma_start3A_207, %dma_start3A_208] : memref<50000x512xf32, #tpu.memory_space<hbm>> -> memref<50000x512xf32, #tpu.memory_space<hbm>>
    tpu.enqueue_indirect_dma source(%dma_start3A_209 : memref<50000x512xf32, #tpu.memory_space<hbm>>) target(%arg6 : memref<112x512xf32, #tpu.memory_space<vmem>>) offsets(%dma_start3A_206 : memref<112xi32, #tpu.memory_space<vmem>>) semaphore(%arg8 : memref<!tpu.dma_semaphore, #tpu.memory_space<semaphore_mem>>)
    %add3A_210 = arith.constant 1232 : i32
    %add3A_211 = arith.addi %mul3A_2, %add3A_210 : i32
    %min3A_212 = arith.constant 49888 : i32
    %min3A_213 = arith.minsi %add3A_211, %min3A_212 : i32
    "tpu.region"() ({
      %run_scoped3A = tpu.sem_alloc : memref<!tpu.dma_semaphore, #tpu.memory_space<semaphore_mem>>
      %dma_start3A_239 = arith.constant 0 : i32
      %dma_start3A_240 = tpu.memref_slice %arg4[%min3A_213, %dma_start3A_239] : memref<50000x512xf32, #tpu.memory_space<hbm>> -> memref<112x512xf32, #tpu.memory_space<hbm>>
      %dma_start3A_241 = arith.constant 0 : i32
      %dma_start3A_242 = tpu.memref_slice %arg4[%min3A_213, %dma_start3A_241] : memref<50000x512xf32, #tpu.memory_space<hbm>> -> memref<112x512xf32, #tpu.memory_space<hbm>>
      tpu.enqueue_dma source(%arg7 : memref<112x512xf32, #tpu.memory_space<vmem>>) target(%dma_start3A_242 : memref<112x512xf32, #tpu.memory_space<hbm>>) target_semaphore(%run_scoped3A : memref<!tpu.dma_semaphore, #tpu.memory_space<semaphore_mem>>)
      %dma_wait3A_243 = arith.constant 0 : i32
      %dma_wait3A_244 = tpu.memref_slice %arg4[%min3A_213, %dma_wait3A_243] : memref<50000x512xf32, #tpu.memory_space<hbm>> -> memref<112x512xf32, #tpu.memory_space<hbm>>
      %dma_wait3A_245 = arith.constant 0 : i32
      %dma_wait3A_246 = tpu.memref_slice %arg4[%min3A_213, %dma_wait3A_245] : memref<50000x512xf32, #tpu.memory_space<hbm>> -> memref<112x512xf32, #tpu.memory_space<hbm>>
      tpu.wait_dma2 semaphore(%run_scoped3A : memref<!tpu.dma_semaphore, #tpu.memory_space<semaphore_mem>>) src(%arg7 : memref<112x512xf32, #tpu.memory_space<vmem>>) dst(%dma_wait3A_246 : memref<112x512xf32, #tpu.memory_space<hbm>>)
      tpu.yield
    }) : () -> ()
    %dma_wait3A_214 = tpu.memref_slice %arg5[%sub3A_205] : memref<1568xi32, #tpu.memory_space<vmem>> -> memref<112xi32, #tpu.memory_space<vmem>>
    %dma_wait3A_215 = arith.constant 0 : i32
    %dma_wait3A_216 = arith.constant 0 : i32
    %dma_wait3A_217 = tpu.memref_slice %arg3[%dma_wait3A_215, %dma_wait3A_216] : memref<50000x512xf32, #tpu.memory_space<hbm>> -> memref<50000x512xf32, #tpu.memory_space<hbm>>
    tpu.wait_indirect_dma semaphore(%arg8 : memref<!tpu.dma_semaphore, #tpu.memory_space<semaphore_mem>>) src(%dma_wait3A_217 : memref<50000x512xf32, #tpu.memory_space<hbm>>) dst(%arg6 : memref<112x512xf32, #tpu.memory_space<vmem>>)
    %add3A_218 = arith.constant 1456 : i32
    %add3A_219 = arith.addi %mul3A_2, %add3A_218 : i32
    %min3A_220 = arith.constant 49888 : i32
    %min3A_221 = arith.minsi %add3A_219, %min3A_220 : i32
    %sub3A_222 = arith.subi %min3A_221, %min3A_3 : i32
    %dma_start3A_223 = tpu.memref_slice %arg5[%sub3A_222] : memref<1568xi32, #tpu.memory_space<vmem>> -> memref<112xi32, #tpu.memory_space<vmem>>
    %dma_start3A_224 = arith.constant 0 : i32
    %dma_start3A_225 = arith.constant 0 : i32
    %dma_start3A_226 = tpu.memref_slice %arg3[%dma_start3A_224, %dma_start3A_225] : memref<50000x512xf32, #tpu.memory_space<hbm>> -> memref<50000x512xf32, #tpu.memory_space<hbm>>
    tpu.enqueue_indirect_dma source(%dma_start3A_226 : memref<50000x512xf32, #tpu.memory_space<hbm>>) target(%arg7 : memref<112x512xf32, #tpu.memory_space<vmem>>) offsets(%dma_start3A_223 : memref<112xi32, #tpu.memory_space<vmem>>) semaphore(%arg9 : memref<!tpu.dma_semaphore, #tpu.memory_space<semaphore_mem>>)
    %add3A_227 = arith.constant 1344 : i32
    %add3A_228 = arith.addi %mul3A_2, %add3A_227 : i32
    %min3A_229 = arith.constant 49888 : i32
    %min3A_230 = arith.minsi %add3A_228, %min3A_229 : i32
    "tpu.region"() ({
      %run_scoped3A = tpu.sem_alloc : memref<!tpu.dma_semaphore, #tpu.memory_space<semaphore_mem>>
      %dma_start3A_239 = arith.constant 0 : i32
      %dma_start3A_240 = tpu.memref_slice %arg4[%min3A_230, %dma_start3A_239] : memref<50000x512xf32, #tpu.memory_space<hbm>> -> memref<112x512xf32, #tpu.memory_space<hbm>>
      %dma_start3A_241 = arith.constant 0 : i32
      %dma_start3A_242 = tpu.memref_slice %arg4[%min3A_230, %dma_start3A_241] : memref<50000x512xf32, #tpu.memory_space<hbm>> -> memref<112x512xf32, #tpu.memory_space<hbm>>
      tpu.enqueue_dma source(%arg6 : memref<112x512xf32, #tpu.memory_space<vmem>>) target(%dma_start3A_242 : memref<112x512xf32, #tpu.memory_space<hbm>>) target_semaphore(%run_scoped3A : memref<!tpu.dma_semaphore, #tpu.memory_space<semaphore_mem>>)
      %dma_wait3A_243 = arith.constant 0 : i32
      %dma_wait3A_244 = tpu.memref_slice %arg4[%min3A_230, %dma_wait3A_243] : memref<50000x512xf32, #tpu.memory_space<hbm>> -> memref<112x512xf32, #tpu.memory_space<hbm>>
      %dma_wait3A_245 = arith.constant 0 : i32
      %dma_wait3A_246 = tpu.memref_slice %arg4[%min3A_230, %dma_wait3A_245] : memref<50000x512xf32, #tpu.memory_space<hbm>> -> memref<112x512xf32, #tpu.memory_space<hbm>>
      tpu.wait_dma2 semaphore(%run_scoped3A : memref<!tpu.dma_semaphore, #tpu.memory_space<semaphore_mem>>) src(%arg6 : memref<112x512xf32, #tpu.memory_space<vmem>>) dst(%dma_wait3A_246 : memref<112x512xf32, #tpu.memory_space<hbm>>)
      tpu.yield
    }) : () -> ()
    %dma_wait3A_231 = tpu.memref_slice %arg5[%sub3A_222] : memref<1568xi32, #tpu.memory_space<vmem>> -> memref<112xi32, #tpu.memory_space<vmem>>
    %dma_wait3A_232 = arith.constant 0 : i32
    %dma_wait3A_233 = arith.constant 0 : i32
    %dma_wait3A_234 = tpu.memref_slice %arg3[%dma_wait3A_232, %dma_wait3A_233] : memref<50000x512xf32, #tpu.memory_space<hbm>> -> memref<50000x512xf32, #tpu.memory_space<hbm>>
    tpu.wait_indirect_dma semaphore(%arg9 : memref<!tpu.dma_semaphore, #tpu.memory_space<semaphore_mem>>) src(%dma_wait3A_234 : memref<50000x512xf32, #tpu.memory_space<hbm>>) dst(%arg7 : memref<112x512xf32, #tpu.memory_space<vmem>>)
    %add3A_235 = arith.constant 1456 : i32
    %add3A_236 = arith.addi %mul3A_2, %add3A_235 : i32
    %min3A_237 = arith.constant 49888 : i32
    %min3A_238 = arith.minsi %add3A_236, %min3A_237 : i32
    "tpu.region"() ({
      %run_scoped3A = tpu.sem_alloc : memref<!tpu.dma_semaphore, #tpu.memory_space<semaphore_mem>>
      %dma_start3A_239 = arith.constant 0 : i32
      %dma_start3A_240 = tpu.memref_slice %arg4[%min3A_238, %dma_start3A_239] : memref<50000x512xf32, #tpu.memory_space<hbm>> -> memref<112x512xf32, #tpu.memory_space<hbm>>
      %dma_start3A_241 = arith.constant 0 : i32
      %dma_start3A_242 = tpu.memref_slice %arg4[%min3A_238, %dma_start3A_241] : memref<50000x512xf32, #tpu.memory_space<hbm>> -> memref<112x512xf32, #tpu.memory_space<hbm>>
      tpu.enqueue_dma source(%arg7 : memref<112x512xf32, #tpu.memory_space<vmem>>) target(%dma_start3A_242 : memref<112x512xf32, #tpu.memory_space<hbm>>) target_semaphore(%run_scoped3A : memref<!tpu.dma_semaphore, #tpu.memory_space<semaphore_mem>>)
      %dma_wait3A_243 = arith.constant 0 : i32
      %dma_wait3A_244 = tpu.memref_slice %arg4[%min3A_238, %dma_wait3A_243] : memref<50000x512xf32, #tpu.memory_space<hbm>> -> memref<112x512xf32, #tpu.memory_space<hbm>>
      %dma_wait3A_245 = arith.constant 0 : i32
      %dma_wait3A_246 = tpu.memref_slice %arg4[%min3A_238, %dma_wait3A_245] : memref<50000x512xf32, #tpu.memory_space<hbm>> -> memref<112x512xf32, #tpu.memory_space<hbm>>
      tpu.wait_dma2 semaphore(%run_scoped3A : memref<!tpu.dma_semaphore, #tpu.memory_space<semaphore_mem>>) src(%arg7 : memref<112x512xf32, #tpu.memory_space<vmem>>) dst(%dma_wait3A_246 : memref<112x512xf32, #tpu.memory_space<hbm>>)
      tpu.yield
    }) : () -> ()
    return
  }
}

module attributes {stable_mosaic.version = 14 : i64} {
  func.func @_user_body(%arg0: i32, %arg1: memref<2000x512xf32, #tpu.memory_space<vmem>>, %arg2: memref<512x512xf32, #tpu.memory_space<vmem>>, %arg3: memref<1x512xf32, #tpu.memory_space<vmem>>, %arg4: memref<2000x512xf32, #tpu.memory_space<vmem>>, %arg5: memref<2000x512xf32, #tpu.memory_space<vmem>>) attributes {dimension_semantics = [#tpu.dimension_semantics<arbitrary>], iteration_bounds = array<i64: 25>, scalar_prefetch = 0 : i64, scratch_operands = 0 : i64, tpu.core_type = #tpu.core_type<tc>, window_params = [{transform_indices = @transform_0, window_bounds = array<i64: 2000, 512>}, {pipeline_mode = #tpu.pipeline_mode<synchronous>, transform_indices = @transform_1, window_bounds = array<i64: 512, 512>}, {pipeline_mode = #tpu.pipeline_mode<synchronous>, transform_indices = @transform_2, window_bounds = array<i64: 1, 512>}, {transform_indices = @transform_3, window_bounds = array<i64: 2000, 512>}, {transform_indices = @transform_4, window_bounds = array<i64: 2000, 512>}]} {
    %get3A = arith.constant 0 : index
    %get3A_0 = arith.constant 0 : index
    %get3A_1 = vector.load %arg1[%get3A, %get3A_0] : memref<2000x512xf32, #tpu.memory_space<vmem>>, vector<2000x512xf32>
    %convert_element_type3A = arith.truncf %get3A_1 : vector<2000x512xf32> to vector<2000x512xbf16>
    %get3A_2 = arith.constant 0 : index
    %get3A_3 = arith.constant 0 : index
    %get3A_4 = vector.load %arg2[%get3A_2, %get3A_3] : memref<512x512xf32, #tpu.memory_space<vmem>>, vector<512x512xf32>
    %convert_element_type3A_5 = arith.truncf %get3A_4 : vector<512x512xf32> to vector<512x512xbf16>
    %dot_general3A = arith.constant dense<0.000000e+00> : vector<2000x512xf32>
    %dot_general3A_6 = tpu.matmul %convert_element_type3A, %convert_element_type3A_5, %dot_general3A {dimension_numbers = #tpu.dot_dimension_numbers<[1], [1], [0], [0], [0, 0, 1, 0], [], []>, transpose_lhs_hint = false} : vector<2000x512xbf16>, vector<512x512xbf16>, vector<2000x512xf32> -> vector<2000x512xf32>
    %get3A_7 = arith.constant 0 : index
    %get3A_8 = arith.constant 0 : index
    %get3A_9 = vector.load %arg3[%get3A_7, %get3A_8] : memref<1x512xf32, #tpu.memory_space<vmem>>, vector<1x512xf32>
    %add3A = vector.broadcast %get3A_9 : vector<1x512xf32> to vector<2000x512xf32>
    %add3A_10 = arith.addf %dot_general3A_6, %add3A : vector<2000x512xf32>
    %get3A_11 = arith.constant 0 : index
    %get3A_12 = arith.constant 0 : index
    %get3A_13 = vector.load %arg4[%get3A_11, %get3A_12] : memref<2000x512xf32, #tpu.memory_space<vmem>>, vector<2000x512xf32>
    %add3A_14 = arith.addf %add3A_10, %get3A_13 : vector<2000x512xf32>
    %swap3A = arith.constant 0 : index
    %swap3A_15 = arith.constant 0 : index
    %swap3A_16 = vector.load %arg5[%swap3A, %swap3A_15] : memref<2000x512xf32, #tpu.memory_space<vmem>>, vector<2000x512xf32>
    tpu.vector_store %arg5[%swap3A, %swap3A_15], %add3A_14 {strides = array<i32>} : memref<2000x512xf32, #tpu.memory_space<vmem>>, vector<2000x512xf32>,
    return
  }
  func.func @transform_0(%arg0: i32) -> (i32, i32) {
    %c0_i32 = arith.constant 0 : i32
    %c0_i32_0 = arith.constant 0 : i32
    return %arg0, %c0_i32 : i32, i32
  }
  func.func @transform_1(%arg0: i32) -> (i32, i32) {
    %c0_i32 = arith.constant 0 : i32
    %c0_i32_0 = arith.constant 0 : i32
    %c0_i32_1 = arith.constant 0 : i32
    return %c0_i32, %c0_i32_0 : i32, i32
  }
  func.func @transform_2(%arg0: i32) -> (i32, i32) {
    %c0_i32 = arith.constant 0 : i32
    %c0_i32_0 = arith.constant 0 : i32
    %c0_i32_1 = arith.constant 0 : i32
    return %c0_i32, %c0_i32_0 : i32, i32
  }
  func.func @transform_3(%arg0: i32) -> (i32, i32) {
    %c0_i32 = arith.constant 0 : i32
    %c0_i32_0 = arith.constant 0 : i32
    return %arg0, %c0_i32 : i32, i32
  }
  func.func @transform_4(%arg0: i32) -> (i32, i32) {
    %c0_i32 = arith.constant 0 : i32
    %c0_i32_0 = arith.constant 0 : i32
    return %arg0, %c0_i32 : i32, i32
  }
}

</mosaic_0001>

<sc_bundles>
// kernel: kernel.4.cloned.1.call-start
scs
__scs_entry_jumppad:
0x0: {  	(pc) =	sbr.rel $0x88, $3  }
0x1: {  	(tag) =	ssettag $0x0;
	lr =	simm.s32 $0x1  }
0x2: {  	[smem:$0x3F9B] =	sst lr;
	_ =	strace $0xD0000000  }
0x3: {  	_ = 	snop  }
0x4: {  	_ = 	snop  }
0x5: {  	_ = 	snop  }
0x6: {  	_ = 	snop  }
0x7: {  	_ = 	snop  }
__scs_overlays_trampoline_lowered:
0x8: {  	[smem:$0x3FAA] =	sst s0  }
0x9: {  	[smem:$0x3FAB] =	sst s1  }
0xa: {  	[smem:$0x3FAC] =	sst s2  }
0xb: {  	[smem:$0x3FAD] =	sst s3  }
0xc: {  	[smem:$0x3FAE] =	sst s4  }
0xd: {  	[smem:$0x3FAF] =	sst s5  }
0xe: {  	[smem:$0x3FB0] =	sst s6  }
0xf: {  	[smem:$0x3FB1] =	sst s7  }
0x10: {  	[smem:$0x3FB2] =	sst s8  }
0x11: {  	[smem:$0x3FB3] =	sst s9;
	s0 =	simm.s32 @!p0 $0x0  }
0x12: {  	s1 =	sld [smem:$0x3F99];
	s0 =	simm.s32 @p0 $0x1  }
0x13: {  	[smem:$0x3FB4] =	sst s0;
	s0 =	simm.s32 @!p1 $0x0  }
0x14: {  	s2 =	sld [smem:$0x3F98];
	s0 =	simm.s32 @p1 $0x1  }
0x15: {  	[smem:$0x3FB5] =	sst s0;
	s0 =	simm.s32 @!p2 $0x0  }
0x16: {  	s3 =	sld [smem:$0x3FDB];
	s0 =	simm.s32 @p2 $0x1  }
0x17: {  	s4 =	simm.s32 $0x1BF5;
	[smem:$0x3FB7] =	sst s0  }
0x18: {  	s0 =	sld [smem:$0x3F9A];
	_ =	swait.ge [sflag:s4], $0x0  }
0x19: {  	s7 =	sld [smem:$0x3F9B]  }
0x1a: {  	s8 =	sadd.s32 $0xFFFFE003, lr  }
0x1b: {  	s9 =	sadd.s32 $0xFFFFFEF7, lr;
	s5 =	simm.s32 $0xFFFFFFFF;
	p2 =	slt.u32 s8, $0xFFFFF086  }
0x1c: {  	p1 =	slt.u32 s9, $0xF7A;
	s5 =	simm.s32 @!p2 $0x0  }
0x1d: {  	s5 =	simm.s32 @p1 $0x1;
	p0 =	seq.s32 s7, s2  }
0x1e: {  	s7 =	smul.u32 @!p0 $0xF7A, s2;
	p2 =	seq.s32 @!p0 s5, $0x0  }
0x1f: {  	s9 =	smul.u32 $0xF7A, s1;
	s8 =	simm.s32 @!p0 $0x1BF5;
	p2 =	por !p2, p0  }
0x20: {  	[sflag:s8] =	ssyncset.s32 @!p0 $0xFFFFF086;
	s6 =	sadd.s32 @!p0 s3, s7;
	s7 =	simm.s32 @!p0 $0x108  }
0x21: {  	s3 =	sadd.s32 s3, s9;
	s6 =	sadd.s32 @!p0 $0x88, s6;
	s7 =	simm.s32 @p2 $0x1082  }
0x22: {  	[simem:s7], [sflag:s8] =	dma.local @!p0 [hbm:s6], $0xF7A  }
0x23: {  	s9 =	sor.u32 $0xD0000000, s2;
	s6 =	simm.s32 $0x108;
	_ =	swait.ge @!p0 [sflag:s8], $0x0  }
0x24: {  	s3 =	sadd.s32 $0x88, s3;
	s6 =	simm.s32 @!p1 $0x1082;
	[sflag:s4] =	ssyncset.s32 $0xFFFFF086  }
0x25: {  	[simem:s6], [sflag:s4] =	dma.local [hbm:s3], $0xF7A  }
0x26: {  	[smem:$0x3F9B] =	sst s1;
	(tag) =	ssettag s2;
	_ =	strace s9  }
0x27: {  	s1 =	sld [smem:$0x3FAB]  }
0x28: {  	s2 =	sld [smem:$0x3FAC]  }
0x29: {  	s4 =	sld [smem:$0x3FAE]  }
0x2a: {  	p0 =	seq.s32 s5, $0x0;
	s5 =	sld [smem:$0x3FAF]  }
0x2b: {  	s6 =	sld [smem:$0x3FB0]  }
0x2c: {  	s7 =	sld [smem:$0x3FB1]  }
0x2d: {  	s3 =	simm.s32 $0x108;
	s8 =	sld [smem:$0x3FB2]  }
0x2e: {  	s3 =	simm.s32 @!p0 $0x1082;
	s9 =	sld [smem:$0x3FB3]  }
0x2f: {  	lr =	sadd.s32 s0, s3;
	s0 =	sld [smem:$0x3FAA]  }
0x30: {  	s3 =	sld [smem:$0x3FAD]  }
0x31: {  	[smem:$0x3FB6] =	sst s10  }
0x32: {  	s10 =	sld [smem:$0x3FB4];
	_ =	sdelay $0x3  }
0x33: {  	p0 =	seq.s32 s10, $0x1;
	s10 =	sld [smem:$0x3FB6];
	_ =	sdelay $0x3  }
0x34: {  	[smem:$0x3FB6] =	sst s10  }
0x35: {  	s10 =	sld [smem:$0x3FB5];
	_ =	sdelay $0x3  }
0x36: {  	p1 =	seq.s32 s10, $0x1;
	s10 =	sld [smem:$0x3FB6];
	_ =	sdelay $0x3  }
0x37: {  	[smem:$0x3FB6] =	sst s10  }
0x38: {  	s10 =	sld [smem:$0x3FB7]  }
0x39: {  	_ = 	snop;
	(pc) =	sbr.ind lr, $3  }
0x3a: {  	_ = 	snop  }
0x3b: {  	_ = 	snop  }
0x3c: {  	p2 =	seq.s32 s10, $0x1;
	s10 =	sld [smem:$0x3FB6]  }
0x3d: {  	_ =	shalt  }
0x3e: {  	_ =	shalt  }
0x3f: {  	_ =	shalt  }
0x40: {  	_ =	shalt  }
0x41: {  	_ =	shalt  }
0x42: {  	_ =	shalt  }
0x43: {  	_ =	shalt  }
0x44: {  	_ =	shalt  }
0x45: {  	_ =	shalt  }
0x46: {  	_ =	shalt  }
0x47: {  	_ =	shalt  }
0x48: {  	_ =	shalt  }
0x49: {  	_ =	shalt  }
0x4a: {  	_ =	shalt  }
0x4b: {  	_ =	shalt  }
0x4c: {  	_ =	shalt  }
0x4d: {  	_ =	shalt  }
0x4e: {  	_ =	shalt  }
0x4f: {  	_ =	shalt  }
0x50: {  	_ =	shalt  }
0x51: {  	_ =	shalt  }
0x52: {  	_ =	shalt  }
0x53: {  	_ =	shalt  }
0x54: {  	_ =	shalt  }
0x55: {  	_ =	shalt  }
0x56: {  	_ =	shalt  }
0x57: {  	_ =	shalt  }
0x58: {  	_ =	shalt  }
0x59: {  	_ =	shalt  }
0x5a: {  	_ =	shalt  }
0x5b: {  	_ =	shalt  }
0x5c: {  	_ =	shalt  }
0x5d: {  	_ =	shalt  }
0x5e: {  	_ =	shalt  }
0x5f: {  	_ =	shalt  }
0x60: {  	_ =	shalt  }
0x61: {  	_ =	shalt  }
0x62: {  	_ =	shalt  }
0x63: {  	_ =	shalt  }
0x64: {  	_ =	shalt  }
0x65: {  	_ =	shalt  }
0x66: {  	_ =	shalt  }
0x67: {  	_ =	shalt  }
0x68: {  	_ =	shalt  }
0x69: {  	_ =	shalt  }
0x6a: {  	_ =	shalt  }
0x6b: {  	_ =	shalt  }
0x6c: {  	_ =	shalt  }
0x6d: {  	_ =	shalt  }
0x6e: {  	_ =	shalt  }
0x6f: {  	_ =	shalt  }
0x70: {  	_ =	shalt  }
0x71: {  	_ =	shalt  }
0x72: {  	_ =	shalt  }
0x73: {  	_ =	shalt  }
0x74: {  	_ =	shalt  }
0x75: {  	_ =	shalt  }
0x76: {  	_ =	shalt  }
0x77: {  	_ =	shalt  }
0x78: {  	_ =	shalt  }
0x79: {  	_ =	shalt  }
0x7a: {  	_ =	shalt  }
0x7b: {  	_ =	shalt  }
0x7c: {  	_ =	shalt  }
0x7d: {  	_ =	shalt  }
0x7e: {  	_ =	shalt  }
0x7f: {  	_ =	shalt  }
0x80: {  	_ =	shalt  }
0x81: {  	_ =	shalt  }
0x82: {  	_ =	shalt  }
0x83: {  	_ =	shalt  }
0x84: {  	_ =	shalt  }
0x85: {  	_ =	shalt  }
0x86: {  	_ =	shalt  }
0x87: {  	_ =	shalt  }
.Lfunc_end0:
.L_simem_size_0:
called_computation_lowered:
.L_overlay_start_0:
0x88: {  	s2 =	sld [smem:$0x3FD9]  }
0x89: {  	s3 =	sld [smem:$0x3FFE];
	_ =	sdelay $0x1  }
0x8a: {  	s1 =	srdreg.scid  }
0x8b: {  	s0 =	sand.u32 $0x1, s1  }
0x8c: {  	s15 =	sshll.u32 s0, $0xA;
	s2 =	sadd.s32 s3, s2  }
0x8d: {  	s2 =	sadd.s32 s2, s15  }
0x8e: {  	[smem:$0x3FC2] =	sst s2  }
0x8f: {  	_ = 	snop  }
0x90: {  	s2 =	sld [smem:$0x3FD0];
	_ =	sdelay $0x1  }
0x91: {  	s16 =	sld [smem:$0x3FC8]  }
0x92: {  	s5 =	simm.s32 $0xA;
	s6 =	simm.s32 $0x10;
	s4 =	sld [smem:$0x3FC4]  }
0x93: {  	[smem:s6], [sflag:s5] =	dma.local [hbm:s2], $0x1  }
0x94: {  	_ =	swait.eq [sflag:s5], $0x1  }
0x95: {  	[sflag:s5] =	ssyncset.done $0x0  }
0x96: {  	[sflag:s5] =	ssyncadd.s32 $0xFFFFFFFF  }
0x97: {  	s17 =	sld [smem:$0x11];
	(tm) =	ssettm $0x1  }
0x98: {  	s18 =	sld [smem:$0x3FFB];
	_ =	sdelay $0x3  }
0x99: {  	_ =	strace s18  }
0x9a: {  	s5 =	sld [smem:$0x3FFC];
	_ =	sdelay $0x3  }
0x9b: {  	_ =	strace s5  }
0x9c: {  	s5 =	sld [smem:$0x3FFD];
	_ =	sdelay $0x3  }
0x9d: {  	_ =	strace s5  }
0x9e: {  	_ =	strace $0x8FFFFFFF  }
0x9f: {  	s19 =	sld [smem:$0x3FDB];
	_ =	sdelay $0x1  }
0xa0: {  	s20 =	simm.s32 $_scs_section_size  }
0xa1: {  	s7 =	simm.s32 $_size__tile_overlayer_lowered;
	s8 =	simm.s32 $_tile_overlayer_lowered  }
0xa2: {  	s23 =	simm.s32 $0x1BFF;
	s22 =	sshll.u32 s8, $0x1;
	s5 =	sadd.s32 s20, s19  }
0xa3: {  	s9 =	simm.s32 $0x0;
	s21 =	sshll.u32 s7, $0x1;
	s7 =	sadd.s32 s22, s5  }
0xa4: {  	[timem:s9], [sflag:s23] =	dma.local [hbm:s7], s21  }
0xa5: {  	_ =	swait.ge [sflag:s23], s21  }
0xa6: {  	s6 =	ssub.s32 $0x0, s21;
	[sflag:s23] =	ssyncset.done $0x0  }
0xa7: {  	[sflag:s23] =	ssyncadd.s32 s6;
	_ =	sdelay $0x1  }
0xa8: {  	s24 =	simm.s32 $0x1B8B  }
0xa9: {  	_ =	swait.ge [sflag:s24], $0x1  }
0xaa: {  	[sflag:s24] =	ssyncset.done $0x0  }
0xab: {  	s25 =	simm.s32 $0x1B8E;
	[sflag:s24] =	ssyncadd.s32 $0xFFFFFFFF  }
0xac: {  	s26 =	simm.s32 $execute0_lowered;
	[smem:$0x3FD2] =	sst s25  }
0xad: {  	s6 =	sshll.u32 s26, $0x1;
	_ =	strace $0x80000046;
	[dreg:$0x1] =	wrdreg $0xFFFFFFFF  }
0xae: {  	s28 =	simm.s32 $_size_execute0_lowered;
	s5 =	sadd.s32 s5, s6;
	[dreg:$0x0] =	wrdreg $0x0  }
0xaf: {  	s6 =	sshll.u32 s28, $0x1;
	[dreg:$0x2] =	wrdreg s5  }
0xb0: {  	[dreg:$0x3] =	wrdreg s6  }
0xb1: {  	[dreg:$0x4] =	wrdreg $0xC0  }
0xb2: {  	_ =	task [dreg:s9], $0x5FFFF  }
0xb3: {  	[dreg:$0x1] =	wrdreg $0xFFFFFFFF  }
0xb4: {  	[dreg:$0x0] =	wrdreg $0x60  }
0xb5: {  	[dreg:$0x2] =	wrdreg s16  }
0xb6: {  	[dreg:$0x3] =	wrdreg s4  }
0xb7: {  	[dreg:$0x4] =	wrdreg s17  }
0xb8: {  	[dreg:$0x5] =	wrdreg $0x9  }
0xb9: {  	_ =	task.clear_ibuf [dreg:s9], $0x6FFFF;
	_ =	strace $0x90000046  }
0xba: {  	s29 =	simm.s32 $0x9;
	_ =	strace $0x80000048  }
0xbb: {  	_ =	swait.ge [sflag:s29], $0x1  }
0xbc: {  	[sflag:s29] =	ssyncadd.s32 $0xFFFFFFFF  }
0xbd: {  	_ =	strace $0x90000048  }
0xbe: {  	_ =	sfence  }
0xbf: {  	s30 =	sld [smem:$0x0];
	_ =	sdelay $0x2  }
0xc0: {  	s31 =	sshll.u32 s1, $0xD;
	s1 =	sshrl.u32 s1, $0x2  }
0xc1: {  	s3 =	sand.u32 $0x4000, s31;
	s1 =	sadd.s32 s1, s30  }
0xc2: {  	s0 =	sor.u32 s3, s0;
	s1 =	sshll.u32 s1, $0x11  }
0xc3: {  	s0 =	sor.u32 s1, s0  }
0xc4: {  	s0 =	sadd.s32 $0x8F2B, s0  }
0xc5: {  	[sflag:s0] =	ssyncadd.remote.s32 $0x1  }
0xc6: {  	_ =	sfence.sel $0xFFFF  }
0xc7: {  	[dreg:$0x0] =	wrdreg $0xFFFFFFFF;
	(pc) =	sbr.abs _section_cstart, $3  }
0xc8: {  	[dreg:$0x1] =	wrdreg $0xFFFFFFFF  }
0xc9: {  	_ =	task.clear_ibuf [dreg:s9], $0x2FFFF;
	_ =	strace $0x9FFFFFFF  }
0xca: {  	(tm) =	ssettm $0x7FFFFFFF  }
0xcb: {  	_ =	shalt  }
tec
execute0_lowered:
.L_overlay_start_1:
0x0: {  	(tag) =	ssettag $0x1  }
0x1: {  	s0 =	srdreg.scid;
	s5 =	rddreg [dreg:$0x0]  }
0x2: {  	s1 =	stileid.u32;
	s2 =	rddreg [dreg:$0x1]  }
0x3: {  	s31 =	rddreg [dreg:$0x2];
	s4 =	sand.u32 $0x1, s0;
	s30 =	sshll.u32 s1, $0x1  }
0x4: {  	s3 =	simm.s32 $0x0;
	s6 =	sor.u32 s4, s30;
	s4 =	ssub.s32 $0x2, s4  }
0x5: {  	[smem:$0x7FF] =	sst s3;
	s15 =	smul.u32 $0x620, s6;
	s8 =	sshrl.u32 s4, $0x1  }
0x6: {  	_ =	strace $0x80000047;
	s9 =	smul.u32 $0x18800, s6;
	s18 =	ssub.s32 s4, s8  }
0x7: {  	s0 =	smin.u32 s15, $0xBD30;
	s11 =	sadd.s32 $0x70, s15;
	s26 =	sadd.s32 $0x4D0, s15  }
0x8: {  	s7 =	sshrl.u32 s0, $0x3;
	s10 =	ssub.s32 s15, s0;
	s12 =	ssub.s32 s11, s0  }
0x9: {  	s8 =	sshll.u32 s11, $0x6;
	s11 =	sadd.s32 $0x1C0, s15;
	[dreg:$0x13] =	wrdreg s10  }
0xa: {  	s28 =	sshll.u32 s26, $0x6;
	s5 =	sadd.s32 s5, s7;
	[dreg:$0x14] =	wrdreg s12  }
0xb: {  	s7 =	sadd.s32 s31, s9;
	s9 =	sadd.s32 $0xE0, s15;
	[dreg:$0x4] =	wrdreg s5  }
0xc: {  	s8 =	sadd.s32 s31, s8;
	s10 =	sadd.s32 $0x150, s15;
	[dreg:$0x5] =	wrdreg s7  }
0xd: {  	s16 =	ssub.s32 s11, s0;
	s12 =	sadd.s32 $0x230, s15;
	[dreg:$0x6] =	wrdreg s8  }
0xe: {  	s11 =	sshll.u32 s11, $0x6;
	s13 =	ssub.s32 s9, s0;
	[dreg:$0x17] =	wrdreg s16  }
0xf: {  	s9 =	sshll.u32 s9, $0x6;
	s14 =	ssub.s32 s10, s0;
	[dreg:$0x15] =	wrdreg s13  }
0x10: {  	s10 =	sshll.u32 s10, $0x6;
	s17 =	ssub.s32 s12, s0;
	[dreg:$0x16] =	wrdreg s14  }
0x11: {  	s11 =	sadd.s32 s31, s11;
	s12 =	sshll.u32 s12, $0x6;
	[dreg:$0x18] =	wrdreg s17  }
0x12: {  	s16 =	sadd.s32 $0x380, s15;
	s9 =	sadd.s32 s31, s9;
	[dreg:$0x9] =	wrdreg s11  }
0x13: {  	s10 =	sadd.s32 s31, s10;
	s13 =	sadd.s32 $0x2A0, s15;
	[dreg:$0x7] =	wrdreg s9  }
0x14: {  	s12 =	sadd.s32 s31, s12;
	s14 =	sadd.s32 $0x310, s15;
	[dreg:$0x8] =	wrdreg s10  }
0x15: {  	s21 =	ssub.s32 s16, s0;
	s17 =	sadd.s32 $0x3F0, s15;
	[dreg:$0xa] =	wrdreg s12  }
0x16: {  	s16 =	sshll.u32 s16, $0x6;
	s19 =	ssub.s32 s13, s0;
	[dreg:$0x1b] =	wrdreg s21  }
0x17: {  	s13 =	sshll.u32 s13, $0x6;
	s20 =	ssub.s32 s14, s0;
	[dreg:$0x19] =	wrdreg s19  }
0x18: {  	s14 =	sshll.u32 s14, $0x6;
	s22 =	sadd.s32 s31, s16;
	[dreg:$0x1a] =	wrdreg s20  }
0x19: {  	s23 =	sshll.u32 s17, $0x6;
	s24 =	ssub.s32 s17, s0;
	[dreg:$0xd] =	wrdreg s22  }
0x1a: {  	s21 =	sshll.u32 s0, $0x6;
	s13 =	sadd.s32 s31, s13;
	[dreg:$0x1c] =	wrdreg s24  }
0x1b: {  	s14 =	sadd.s32 s31, s14;
	s19 =	sadd.s32 $0x460, s15;
	[dreg:$0xb] =	wrdreg s13  }
0x1c: {  	s16 =	sadd.s32 s31, s23;
	s15 =	smin.u32 s15, $0xBDA0;
	[dreg:$0xc] =	wrdreg s14  }
0x1d: {  	[dreg:$0xe] =	wrdreg s16;
	s20 =	sadd.s32 $0x540, s15;
	s15 =	sadd.s32 s31, s28  }
0x1e: {  	s1 =	sadd.s32 s21, s31;
	s30 =	ssub.s32 s19, s0;
	[dreg:$0x10] =	wrdreg s15  }
0x1f: {  	s25 =	sshll.u32 s19, $0x6;
	s1 =	sadd.s32 $0x16C00, s1;
	[dreg:$0x1d] =	wrdreg s30  }
0x20: {  	s16 =	sadd.s32 s31, s25;
	s29 =	sshll.u32 s20, $0x6;
	[dreg:$0x12] =	wrdreg s1  }
0x21: {  	s5 =	sadd.s32 $0x100, s2;
	[dreg:$0xf] =	wrdreg s16;
	s16 =	sadd.s32 s31, s29  }
0x22: {  	v2 =	vlaneseq.u32;
	s24 =	simm.s32 $0x1;
	s31 =	ssub.s32 s26, s0;
	[dreg:$0x11] =	wrdreg s16  }
0x23: {  	vm0 =	vmmov $0xffff;
	v1 =	vshrl.u32 v2, $0x3;
	s21 =	simm.s32 $0x2;
	s0 =	ssub.s32 s20, s0;
	[dreg:$0x1e] =	wrdreg s31  }
0x24: {  	v0 =	vand.u32 $0x7, v2;
	v2 =	vor.u32 $0x8, v2;
	v1 =	vmul.u32 $0x8, v1;
	s19 =	simm.s32 $0x3;
	[dreg:$0x1f] =	wrdreg s0;
	s0 =	smax.u32 s18, $0x1  }
.LBB2_1:
0x25: {  	[smem:$0x7FD] =	sst s0  }
0x26: {  	s22 =	rddreg [dreg:$0x4]  }
0x27: {  	[tilespmem:s3], [sflag:$0x3] =	stream.linear.gather [hbm4b:s22+s3], $0x620, $0x38;
	[tilespmem:$0x1C680] =	vst v63  }
0x28: {  	_ =	swait.ge [sflag:s19], $0x620  }
0x29: {  	[sflag:s19] =	ssyncset.done $0x0  }
0x2a: {  	s0 =	rddreg [dreg:$0x13];
	[sflag:s19] =	ssyncadd.s32 $0xFFFFF9E0  }
0x2b: {  	v3 =	vld [tilespmem:s0+$0x0];
	_ =	sdelay $0x4  }
0x2c: {  	v4 =	vshll.u32 v3, $0x2  }
0x2d: {  	v3 =	vand.u32 $0x7, v3;
	v4 =	vand.u32 $0xFFFFFFE0, v4  }
0x2e: {  	v3 =	vor.u32 v3, v4  }
0x2f: {  	v4 =	vperm.xlane v3, v0;
	_ =	sdelay $0x1  }
0x30: {  	v4 =	vadd.s32 v1, v4;
	_ =	sdelay $0x1  }
0x31: {  	v3 =	vperm.xlane v3, v2;
	_ =	sdelay $0x1  }
0x32: {  	s1 =	simm.s32 $0x680;
	v3 =	vadd.s32 v1, v3  }
0x33: {  	[tilespmem:s1], [sflag:$0x1] =	stream.indirect_vreg.gather [hbm4b:s2+s3], $0x80, v4, vm0, $0xb8;
	[tilespmem:$0x1C680] =	vst v63  }
0x34: {  	s20 =	simm.s32 $0xE80  }
0x35: {  	[tilespmem:s20], [sflag:$0x1] =	stream.indirect_vreg.gather [hbm4b:s5+s3], $0x80, v4, vm0, $0xb8;
	[tilespmem:$0x1C680] =	vst v63  }
0x36: {  	s22 =	simm.s32 $0x1680  }
0x37: {  	[tilespmem:s22], [sflag:$0x1] =	stream.indirect_vreg.gather [hbm4b:s2+s3], $0x80, v3, vm0, $0xb8;
	[tilespmem:$0x1C680] =	vst v63  }
0x38: {  	s23 =	simm.s32 $0x1E80  }
0x39: {  	[tilespmem:s23], [sflag:$0x1] =	stream.indirect_vreg.gather [hbm4b:s5+s3], $0x80, v3, vm0, $0xb8;
	[tilespmem:$0x1C680] =	vst v63  }
0x3a: {  	v3 =	vld [tilespmem:s0+$0x10];
	_ =	sdelay $0x4  }
0x3b: {  	v23 =	vshll.u32 v3, $0x2  }
0x3c: {  	v3 =	vand.u32 $0x7, v3;
	v4 =	vand.u32 $0xFFFFFFE0, v23  }
0x3d: {  	v3 =	vor.u32 v3, v4  }
0x3e: {  	v4 =	vperm.xlane v3, v0;
	_ =	sdelay $0x1  }
0x3f: {  	v4 =	vadd.s32 v1, v4;
	_ =	sdelay $0x1  }
0x40: {  	v3 =	vperm.xlane v3, v2;
	_ =	sdelay $0x1  }
0x41: {  	s25 =	simm.s32 $0x2680;
	v3 =	vadd.s32 v1, v3  }
0x42: {  	[tilespmem:s25], [sflag:$0x1] =	stream.indirect_vreg.gather [hbm4b:s2+s3], $0x80, v4, vm0, $0xb8;
	[tilespmem:$0x1C680] =	vst v63  }
0x43: {  	s26 =	simm.s32 $0x2E80  }
0x44: {  	[tilespmem:s26], [sflag:$0x1] =	stream.indirect_vreg.gather [hbm4b:s5+s3], $0x80, v4, vm0, $0xb8;
	[tilespmem:$0x1C680] =	vst v63  }
0x45: {  	s28 =	simm.s32 $0x3680  }
0x46: {  	[tilespmem:s28], [sflag:$0x1] =	stream.indirect_vreg.gather [hbm4b:s2+s3], $0x80, v3, vm0, $0xb8;
	[tilespmem:$0x1C680] =	vst v63  }
0x47: {  	s29 =	simm.s32 $0x3E80  }
0x48: {  	[tilespmem:s29], [sflag:$0x1] =	stream.indirect_vreg.gather [hbm4b:s5+s3], $0x80, v3, vm0, $0xb8;
	[tilespmem:$0x1C680] =	vst v63  }
0x49: {  	v3 =	vld [tilespmem:s0+$0x20];
	_ =	sdelay $0x4  }
0x4a: {  	v24 =	vshll.u32 v3, $0x2  }
0x4b: {  	v3 =	vand.u32 $0x7, v3;
	v4 =	vand.u32 $0xFFFFFFE0, v24  }
0x4c: {  	v3 =	vor.u32 v3, v4  }
0x4d: {  	v4 =	vperm.xlane v3, v0;
	_ =	sdelay $0x1  }
0x4e: {  	v4 =	vadd.s32 v1, v4;
	_ =	sdelay $0x1  }
0x4f: {  	v3 =	vperm.xlane v3, v2;
	_ =	sdelay $0x1  }
0x50: {  	s30 =	simm.s32 $0x4680;
	v3 =	vadd.s32 v1, v3  }
0x51: {  	[tilespmem:s30], [sflag:$0x1] =	stream.indirect_vreg.gather [hbm4b:s2+s3], $0x80, v4, vm0, $0xb8;
	[tilespmem:$0x1C680] =	vst v63  }
0x52: {  	s31 =	simm.s32 $0x4E80  }
0x53: {  	[tilespmem:s31], [sflag:$0x1] =	stream.indirect_vreg.gather [hbm4b:s5+s3], $0x80, v4, vm0, $0xb8;
	[tilespmem:$0x1C680] =	vst v63  }
0x54: {  	s4 =	simm.s32 $0x5680  }
0x55: {  	[tilespmem:s4], [sflag:$0x1] =	stream.indirect_vreg.gather [hbm4b:s2+s3], $0x80, v3, vm0, $0xb8;
	[tilespmem:$0x1C680] =	vst v63  }
0x56: {  	s6 =	simm.s32 $0x5E80  }
0x57: {  	[tilespmem:s6], [sflag:$0x1] =	stream.indirect_vreg.gather [hbm4b:s5+s3], $0x80, v3, vm0, $0xb8;
	[tilespmem:$0x1C680] =	vst v63  }
0x58: {  	v3 =	vld [tilespmem:s0+$0x30];
	_ =	sdelay $0x4  }
0x59: {  	v25 =	vshll.u32 v3, $0x2  }
0x5a: {  	v3 =	vand.u32 $0x7, v3;
	v4 =	vand.u32 $0xFFFFFFE0, v25  }
0x5b: {  	v3 =	vor.u32 v3, v4  }
0x5c: {  	v4 =	vperm.xlane v3, v0;
	_ =	sdelay $0x1  }
0x5d: {  	v4 =	vadd.s32 v1, v4;
	_ =	sdelay $0x1  }
0x5e: {  	v3 =	vperm.xlane v3, v2;
	_ =	sdelay $0x1  }
0x5f: {  	s7 =	simm.s32 $0x6680;
	v3 =	vadd.s32 v1, v3  }
0x60: {  	[tilespmem:s7], [sflag:$0x1] =	stream.indirect_vreg.gather [hbm4b:s2+s3], $0x80, v4, vm0, $0xb8;
	[tilespmem:$0x1C680] =	vst v63  }
0x61: {  	s8 =	simm.s32 $0x6E80  }
0x62: {  	[tilespmem:s8], [sflag:$0x1] =	stream.indirect_vreg.gather [hbm4b:s5+s3], $0x80, v4, vm0, $0xb8;
	[tilespmem:$0x1C680] =	vst v63  }
0x63: {  	s11 =	simm.s32 $0x7680  }
0x64: {  	[tilespmem:s11], [sflag:$0x1] =	stream.indirect_vreg.gather [hbm4b:s2+s3], $0x80, v3, vm0, $0xb8;
	[tilespmem:$0x1C680] =	vst v63  }
0x65: {  	s14 =	simm.s32 $0x7E80  }
0x66: {  	[tilespmem:s14], [sflag:$0x1] =	stream.indirect_vreg.gather [hbm4b:s5+s3], $0x80, v3, vm0, $0xb8;
	[tilespmem:$0x1C680] =	vst v63  }
0x67: {  	v3 =	vld [tilespmem:s0+$0x40];
	_ =	sdelay $0x4  }
0x68: {  	v26 =	vshll.u32 v3, $0x2  }
0x69: {  	v3 =	vand.u32 $0x7, v3;
	v4 =	vand.u32 $0xFFFFFFE0, v26  }
0x6a: {  	v3 =	vor.u32 v3, v4  }
0x6b: {  	v4 =	vperm.xlane v3, v0;
	_ =	sdelay $0x1  }
0x6c: {  	v4 =	vadd.s32 v1, v4;
	_ =	sdelay $0x1  }
0x6d: {  	v3 =	vperm.xlane v3, v2;
	_ =	sdelay $0x1  }
0x6e: {  	s15 =	simm.s32 $0x8680;
	v3 =	vadd.s32 v1, v3  }
0x6f: {  	[tilespmem:s15], [sflag:$0x1] =	stream.indirect_vreg.gather [hbm4b:s2+s3], $0x80, v4, vm0, $0xb8;
	[tilespmem:$0x1C680] =	vst v63  }
0x70: {  	s18 =	simm.s32 $0x8E80  }
0x71: {  	[tilespmem:s18], [sflag:$0x1] =	stream.indirect_vreg.gather [hbm4b:s5+s3], $0x80, v4, vm0, $0xb8;
	[tilespmem:$0x1C680] =	vst v63  }
0x72: {  	s20 =	simm.s32 $0x9680  }
0x73: {  	[tilespmem:s20], [sflag:$0x1] =	stream.indirect_vreg.gather [hbm4b:s2+s3], $0x80, v3, vm0, $0xb8;
	[tilespmem:$0x1C680] =	vst v63  }
0x74: {  	s22 =	simm.s32 $0x9E80  }
0x75: {  	[tilespmem:s22], [sflag:$0x1] =	stream.indirect_vreg.gather [hbm4b:s5+s3], $0x80, v3, vm0, $0xb8;
	[tilespmem:$0x1C680] =	vst v63  }
0x76: {  	v3 =	vld [tilespmem:s0+$0x50];
	_ =	sdelay $0x4  }
0x77: {  	v27 =	vshll.u32 v3, $0x2  }
0x78: {  	v3 =	vand.u32 $0x7, v3;
	v4 =	vand.u32 $0xFFFFFFE0, v27  }
0x79: {  	v3 =	vor.u32 v3, v4  }
0x7a: {  	v4 =	vperm.xlane v3, v0;
	_ =	sdelay $0x1  }
0x7b: {  	v4 =	vadd.s32 v1, v4;
	_ =	sdelay $0x1  }
0x7c: {  	v3 =	vperm.xlane v3, v2;
	_ =	sdelay $0x1  }
0x7d: {  	s25 =	simm.s32 $0xA680;
	v3 =	vadd.s32 v1, v3  }
0x7e: {  	[tilespmem:s25], [sflag:$0x1] =	stream.indirect_vreg.gather [hbm4b:s2+s3], $0x80, v4, vm0, $0xb8;
	[tilespmem:$0x1C680] =	vst v63  }
0x7f: {  	s4 =	simm.s32 $0xAE80  }
0x80: {  	[tilespmem:s4], [sflag:$0x1] =	stream.indirect_vreg.gather [hbm4b:s5+s3], $0x80, v4, vm0, $0xb8;
	[tilespmem:$0x1C680] =	vst v63  }
0x81: {  	s8 =	simm.s32 $0xB680  }
0x82: {  	[tilespmem:s8], [sflag:$0x1] =	stream.indirect_vreg.gather [hbm4b:s2+s3], $0x80, v3, vm0, $0xb8;
	[tilespmem:$0x1C680] =	vst v63  }
0x83: {  	s11 =	simm.s32 $0xBE80  }
0x84: {  	[tilespmem:s11], [sflag:$0x1] =	stream.indirect_vreg.gather [hbm4b:s5+s3], $0x80, v3, vm0, $0xb8;
	[tilespmem:$0x1C680] =	vst v63  }
0x85: {  	v3 =	vld [tilespmem:s0+$0x60];
	_ =	sdelay $0x4  }
0x86: {  	v28 =	vshll.u32 v3, $0x2  }
0x87: {  	v3 =	vand.u32 $0x7, v3;
	v4 =	vand.u32 $0xFFFFFFE0, v28  }
0x88: {  	v3 =	vor.u32 v3, v4  }
0x89: {  	v4 =	vperm.xlane v3, v0;
	_ =	sdelay $0x1  }
0x8a: {  	v4 =	vadd.s32 v1, v4;
	_ =	sdelay $0x1  }
0x8b: {  	v3 =	vperm.xlane v3, v2;
	_ =	sdelay $0x1  }
0x8c: {  	s14 =	simm.s32 $0xC680;
	v3 =	vadd.s32 v1, v3  }
0x8d: {  	[tilespmem:s14], [sflag:$0x1] =	stream.indirect_vreg.gather [hbm4b:s2+s3], $0x80, v4, vm0, $0xb8;
	[tilespmem:$0x1C680] =	vst v63  }
0x8e: {  	s20 =	simm.s32 $0xCE80  }
0x8f: {  	[tilespmem:s20], [sflag:$0x1] =	stream.indirect_vreg.gather [hbm4b:s5+s3], $0x80, v4, vm0, $0xb8;
	[tilespmem:$0x1C680] =	vst v63  }
0x90: {  	s22 =	simm.s32 $0xD680  }
0x91: {  	[tilespmem:s22], [sflag:$0x1] =	stream.indirect_vreg.gather [hbm4b:s2+s3], $0x80, v3, vm0, $0xb8;
	[tilespmem:$0x1C680] =	vst v63  }
0x92: {  	s4 =	simm.s32 $0xDE80  }
0x93: {  	[tilespmem:s4], [sflag:$0x1] =	stream.indirect_vreg.gather [hbm4b:s5+s3], $0x80, v3, vm0, $0xb8;
	[tilespmem:$0x1C680] =	vst v63  }
0x94: {  	_ =	swait.ge [sflag:s24], $0xE000  }
0x95: {  	[sflag:s24] =	ssyncset.done $0x0  }
0x96: {  	s0 =	rddreg [dreg:$0x14];
	[sflag:s24] =	ssyncadd.s32 $0xFFFF2000  }
0x97: {  	v3 =	vld [tilespmem:s0+$0x0];
	_ =	sdelay $0x4  }
0x98: {  	v29 =	vshll.u32 v3, $0x2  }
0x99: {  	v3 =	vand.u32 $0x7, v3;
	v4 =	vand.u32 $0xFFFFFFE0, v29  }
0x9a: {  	v3 =	vor.u32 v3, v4  }
0x9b: {  	v4 =	vperm.xlane v3, v0;
	_ =	sdelay $0x1  }
0x9c: {  	v4 =	vadd.s32 v1, v4;
	_ =	sdelay $0x1  }
0x9d: {  	v3 =	vperm.xlane v3, v2;
	_ =	sdelay $0x1  }
0x9e: {  	s4 =	simm.s32 $0xE680;
	v3 =	vadd.s32 v1, v3  }
0x9f: {  	[tilespmem:s4], [sflag:$0x2] =	stream.indirect_vreg.gather [hbm4b:s2+s3], $0x80, v4, vm0, $0xb8;
	[tilespmem:$0x1C680] =	vst v63  }
0xa0: {  	s8 =	simm.s32 $0xEE80  }
0xa1: {  	[tilespmem:s8], [sflag:$0x2] =	stream.indirect_vreg.gather [hbm4b:s5+s3], $0x80, v4, vm0, $0xb8;
	[tilespmem:$0x1C680] =	vst v63  }
0xa2: {  	s14 =	simm.s32 $0xF680  }
0xa3: {  	[tilespmem:s14], [sflag:$0x2] =	stream.indirect_vreg.gather [hbm4b:s2+s3], $0x80, v3, vm0, $0xb8;
	[tilespmem:$0x1C680] =	vst v63  }
0xa4: {  	s20 =	simm.s32 $0xFE80  }
0xa5: {  	[tilespmem:s20], [sflag:$0x2] =	stream.indirect_vreg.gather [hbm4b:s5+s3], $0x80, v3, vm0, $0xb8;
	[tilespmem:$0x1C680] =	vst v63  }
0xa6: {  	v3 =	vld [tilespmem:s0+$0x10];
	_ =	sdelay $0x4  }
0xa7: {  	v30 =	vshll.u32 v3, $0x2  }
0xa8: {  	v3 =	vand.u32 $0x7, v3;
	v4 =	vand.u32 $0xFFFFFFE0, v30  }
0xa9: {  	v3 =	vor.u32 v3, v4  }
0xaa: {  	v4 =	vperm.xlane v3, v0;
	_ =	sdelay $0x1  }
0xab: {  	v4 =	vadd.s32 v1, v4;
	_ =	sdelay $0x1  }
0xac: {  	v3 =	vperm.xlane v3, v2;
	_ =	sdelay $0x1  }
0xad: {  	s4 =	simm.s32 $0x10680;
	v3 =	vadd.s32 v1, v3  }
0xae: {  	[tilespmem:s4], [sflag:$0x2] =	stream.indirect_vreg.gather [hbm4b:s2+s3], $0x80, v4, vm0, $0xb8;
	[tilespmem:$0x1C680] =	vst v63  }
0xaf: {  	s8 =	simm.s32 $0x10E80  }
0xb0: {  	[tilespmem:s8], [sflag:$0x2] =	stream.indirect_vreg.gather [hbm4b:s5+s3], $0x80, v4, vm0, $0xb8;
	[tilespmem:$0x1C680] =	vst v63  }
0xb1: {  	s14 =	simm.s32 $0x11680  }
0xb2: {  	[tilespmem:s14], [sflag:$0x2] =	stream.indirect_vreg.gather [hbm4b:s2+s3], $0x80, v3, vm0, $0xb8;
	[tilespmem:$0x1C680] =	vst v63  }
0xb3: {  	s20 =	simm.s32 $0x11E80  }
0xb4: {  	[tilespmem:s20], [sflag:$0x2] =	stream.indirect_vreg.gather [hbm4b:s5+s3], $0x80, v3, vm0, $0xb8;
	[tilespmem:$0x1C680] =	vst v63  }
0xb5: {  	v3 =	vld [tilespmem:s0+$0x20];
	_ =	sdelay $0x4  }
0xb6: {  	v31 =	vshll.u32 v3, $0x2  }
0xb7: {  	v3 =	vand.u32 $0x7, v3;
	v4 =	vand.u32 $0xFFFFFFE0, v31  }
0xb8: {  	v3 =	vor.u32 v3, v4  }
0xb9: {  	v4 =	vperm.xlane v3, v0;
	_ =	sdelay $0x1  }
0xba: {  	v4 =	vadd.s32 v1, v4;
	_ =	sdelay $0x1  }
0xbb: {  	v3 =	vperm.xlane v3, v2;
	_ =	sdelay $0x1  }
0xbc: {  	s4 =	simm.s32 $0x12680;
	v3 =	vadd.s32 v1, v3  }
0xbd: {  	[tilespmem:s4], [sflag:$0x2] =	stream.indirect_vreg.gather [hbm4b:s2+s3], $0x80, v4, vm0, $0xb8;
	[tilespmem:$0x1C680] =	vst v63  }
0xbe: {  	s8 =	simm.s32 $0x12E80  }
0xbf: {  	[tilespmem:s8], [sflag:$0x2] =	stream.indirect_vreg.gather [hbm4b:s5+s3], $0x80, v4, vm0, $0xb8;
	[tilespmem:$0x1C680] =	vst v63  }
0xc0: {  	s14 =	simm.s32 $0x13680  }
0xc1: {  	[tilespmem:s14], [sflag:$0x2] =	stream.indirect_vreg.gather [hbm4b:s2+s3], $0x80, v3, vm0, $0xb8;
	[tilespmem:$0x1C680] =	vst v63  }
0xc2: {  	s20 =	simm.s32 $0x13E80  }
0xc3: {  	[tilespmem:s20], [sflag:$0x2] =	stream.indirect_vreg.gather [hbm4b:s5+s3], $0x80, v3, vm0, $0xb8;
	[tilespmem:$0x1C680] =	vst v63  }
0xc4: {  	v3 =	vld [tilespmem:s0+$0x30];
	_ =	sdelay $0x4  }
0xc5: {  	v32 =	vshll.u32 v3, $0x2  }
0xc6: {  	v3 =	vand.u32 $0x7, v3;
	v4 =	vand.u32 $0xFFFFFFE0, v32  }
0xc7: {  	v3 =	vor.u32 v3, v4  }
0xc8: {  	v4 =	vperm.xlane v3, v0;
	_ =	sdelay $0x1  }
0xc9: {  	v4 =	vadd.s32 v1, v4;
	_ =	sdelay $0x1  }
0xca: {  	v3 =	vperm.xlane v3, v2;
	_ =	sdelay $0x1  }
0xcb: {  	s4 =	simm.s32 $0x14680;
	v3 =	vadd.s32 v1, v3  }
0xcc: {  	[tilespmem:s4], [sflag:$0x2] =	stream.indirect_vreg.gather [hbm4b:s2+s3], $0x80, v4, vm0, $0xb8;
	[tilespmem:$0x1C680] =	vst v63  }
0xcd: {  	s8 =	simm.s32 $0x14E80  }
0xce: {  	[tilespmem:s8], [sflag:$0x2] =	stream.indirect_vreg.gather [hbm4b:s5+s3], $0x80, v4, vm0, $0xb8;
	[tilespmem:$0x1C680] =	vst v63  }
0xcf: {  	s14 =	simm.s32 $0x15680  }
0xd0: {  	[tilespmem:s14], [sflag:$0x2] =	stream.indirect_vreg.gather [hbm4b:s2+s3], $0x80, v3, vm0, $0xb8;
	[tilespmem:$0x1C680] =	vst v63  }
0xd1: {  	s20 =	simm.s32 $0x15E80  }
0xd2: {  	[tilespmem:s20], [sflag:$0x2] =	stream.indirect_vreg.gather [hbm4b:s5+s3], $0x80, v3, vm0, $0xb8;
	[tilespmem:$0x1C680] =	vst v63  }
0xd3: {  	v3 =	vld [tilespmem:s0+$0x40];
	_ =	sdelay $0x4  }
0xd4: {  	v33 =	vshll.u32 v3, $0x2  }
0xd5: {  	v3 =	vand.u32 $0x7, v3;
	v4 =	vand.u32 $0xFFFFFFE0, v33  }
0xd6: {  	v3 =	vor.u32 v3, v4  }
0xd7: {  	v4 =	vperm.xlane v3, v0;
	_ =	sdelay $0x1  }
0xd8: {  	v4 =	vadd.s32 v1, v4;
	_ =	sdelay $0x1  }
0xd9: {  	v3 =	vperm.xlane v3, v2;
	_ =	sdelay $0x1  }
0xda: {  	s4 =	simm.s32 $0x16680;
	v3 =	vadd.s32 v1, v3  }
0xdb: {  	[tilespmem:s4], [sflag:$0x2] =	stream.indirect_vreg.gather [hbm4b:s2+s3], $0x80, v4, vm0, $0xb8;
	[tilespmem:$0x1C680] =	vst v63  }
0xdc: {  	s8 =	simm.s32 $0x16E80  }
0xdd: {  	[tilespmem:s8], [sflag:$0x2] =	stream.indirect_vreg.gather [hbm4b:s5+s3], $0x80, v4, vm0, $0xb8;
	[tilespmem:$0x1C680] =	vst v63  }
0xde: {  	s14 =	simm.s32 $0x17680  }
0xdf: {  	[tilespmem:s14], [sflag:$0x2] =	stream.indirect_vreg.gather [hbm4b:s2+s3], $0x80, v3, vm0, $0xb8;
	[tilespmem:$0x1C680] =	vst v63  }
0xe0: {  	s20 =	simm.s32 $0x17E80  }
0xe1: {  	[tilespmem:s20], [sflag:$0x2] =	stream.indirect_vreg.gather [hbm4b:s5+s3], $0x80, v3, vm0, $0xb8;
	[tilespmem:$0x1C680] =	vst v63  }
0xe2: {  	v3 =	vld [tilespmem:s0+$0x50];
	_ =	sdelay $0x4  }
0xe3: {  	v34 =	vshll.u32 v3, $0x2  }
0xe4: {  	v3 =	vand.u32 $0x7, v3;
	v4 =	vand.u32 $0xFFFFFFE0, v34  }
0xe5: {  	v3 =	vor.u32 v3, v4  }
0xe6: {  	v4 =	vperm.xlane v3, v0;
	_ =	sdelay $0x1  }
0xe7: {  	v4 =	vadd.s32 v1, v4;
	_ =	sdelay $0x1  }
0xe8: {  	v3 =	vperm.xlane v3, v2;
	_ =	sdelay $0x1  }
0xe9: {  	s4 =	simm.s32 $0x18680;
	v3 =	vadd.s32 v1, v3  }
0xea: {  	[tilespmem:s4], [sflag:$0x2] =	stream.indirect_vreg.gather [hbm4b:s2+s3], $0x80, v4, vm0, $0xb8;
	[tilespmem:$0x1C680] =	vst v63  }
0xeb: {  	s8 =	simm.s32 $0x18E80  }
0xec: {  	[tilespmem:s8], [sflag:$0x2] =	stream.indirect_vreg.gather [hbm4b:s5+s3], $0x80, v4, vm0, $0xb8;
	[tilespmem:$0x1C680] =	vst v63  }
0xed: {  	s14 =	simm.s32 $0x19680  }
0xee: {  	[tilespmem:s14], [sflag:$0x2] =	stream.indirect_vreg.gather [hbm4b:s2+s3], $0x80, v3, vm0, $0xb8;
	[tilespmem:$0x1C680] =	vst v63  }
0xef: {  	s20 =	simm.s32 $0x19E80  }
0xf0: {  	[tilespmem:s20], [sflag:$0x2] =	stream.indirect_vreg.gather [hbm4b:s5+s3], $0x80, v3, vm0, $0xb8;
	[tilespmem:$0x1C680] =	vst v63  }
0xf1: {  	v3 =	vld [tilespmem:s0+$0x60];
	_ =	sdelay $0x4  }
0xf2: {  	v35 =	vshll.u32 v3, $0x2  }
0xf3: {  	v3 =	vand.u32 $0x7, v3;
	v4 =	vand.u32 $0xFFFFFFE0, v35  }
0xf4: {  	v3 =	vor.u32 v3, v4  }
0xf5: {  	v4 =	vperm.xlane v3, v0;
	_ =	sdelay $0x1  }
0xf6: {  	v4 =	vadd.s32 v1, v4;
	_ =	sdelay $0x1  }
0xf7: {  	v3 =	vperm.xlane v3, v2;
	_ =	sdelay $0x1  }
0xf8: {  	s0 =	simm.s32 $0x1A680;
	v3 =	vadd.s32 v1, v3  }
0xf9: {  	[tilespmem:s0], [sflag:$0x2] =	stream.indirect_vreg.gather [hbm4b:s2+s3], $0x80, v4, vm0, $0xb8;
	[tilespmem:$0x1C680] =	vst v63  }
0xfa: {  	s4 =	simm.s32 $0x1AE80  }
0xfb: {  	[tilespmem:s4], [sflag:$0x2] =	stream.indirect_vreg.gather [hbm4b:s5+s3], $0x80, v4, vm0, $0xb8;
	[tilespmem:$0x1C680] =	vst v63  }
0xfc: {  	s8 =	simm.s32 $0x1B680  }
0xfd: {  	[tilespmem:s8], [sflag:$0x2] =	stream.indirect_vreg.gather [hbm4b:s2+s3], $0x80, v3, vm0, $0xb8;
	[tilespmem:$0x1C680] =	vst v63  }
0xfe: {  	s20 =	simm.s32 $0x1BE80  }
0xff: {  	[tilespmem:s20], [sflag:$0x2] =	stream.indirect_vreg.gather [hbm4b:s5+s3], $0x80, v3, vm0, $0xb8;
	[tilespmem:$0x1C680] =	vst v63  }
0x100: {  	s14 =	rddreg [dreg:$0x5];
	s20 =	simm.s32 $0x680  }
0x101: {  	[hbm4b:s14+s3] =	stream.linear.scatter [tilespmem:s20], [sflag:$0x3], $0xE000, $0x38;
	[tilespmem:$0x1C680] =	vst v63  }
0x102: {  	_ =	swait.ge [sflag:s19], $0xE000  }
0x103: {  	[sflag:s19] =	ssyncset.done $0x0  }
0x104: {  	[sflag:s19] =	ssyncadd.s32 $0xFFFF2000  }
0x105: {  	_ =	swait.ge [sflag:s21], $0xE000  }
0x106: {  	[sflag:s21] =	ssyncset.done $0x0  }
0x107: {  	s22 =	rddreg [dreg:$0x15];
	[sflag:s21] =	ssyncadd.s32 $0xFFFF2000  }
0x108: {  	v3 =	vld [tilespmem:s22+$0x0];
	_ =	sdelay $0x4  }
0x109: {  	v36 =	vshll.u32 v3, $0x2  }
0x10a: {  	v3 =	vand.u32 $0x7, v3;
	v4 =	vand.u32 $0xFFFFFFE0, v36  }
0x10b: {  	v3 =	vor.u32 v3, v4  }
0x10c: {  	v4 =	vperm.xlane v3, v0;
	_ =	sdelay $0x1  }
0x10d: {  	v4 =	vadd.s32 v1, v4;
	_ =	sdelay $0x1  }
0x10e: {  	v3 =	vperm.xlane v3, v2;
	_ =	sdelay $0x1  }
0x10f: {  	v3 =	vadd.s32 v1, v3  }
0x110: {  	[tilespmem:s20], [sflag:$0x1] =	stream.indirect_vreg.gather [hbm4b:s2+s3], $0x80, v4, vm0, $0xb8;
	[tilespmem:$0x1C680] =	vst v63  }
0x111: {  	s9 =	simm.s32 $0xE80  }
0x112: {  	[tilespmem:s9], [sflag:$0x1] =	stream.indirect_vreg.gather [hbm4b:s5+s3], $0x80, v4, vm0, $0xb8;
	[tilespmem:$0x1C680] =	vst v63  }
0x113: {  	s10 =	simm.s32 $0x1680  }
0x114: {  	[tilespmem:s10], [sflag:$0x1] =	stream.indirect_vreg.gather [hbm4b:s2+s3], $0x80, v3, vm0, $0xb8;
	[tilespmem:$0x1C680] =	vst v63  }
0x115: {  	s12 =	simm.s32 $0x1E80  }
0x116: {  	[tilespmem:s12], [sflag:$0x1] =	stream.indirect_vreg.gather [hbm4b:s5+s3], $0x80, v3, vm0, $0xb8;
	[tilespmem:$0x1C680] =	vst v63  }
0x117: {  	v3 =	vld [tilespmem:s22+$0x10];
	_ =	sdelay $0x4  }
0x118: {  	v37 =	vshll.u32 v3, $0x2  }
0x119: {  	v3 =	vand.u32 $0x7, v3;
	v4 =	vand.u32 $0xFFFFFFE0, v37  }
0x11a: {  	v3 =	vor.u32 v3, v4  }
0x11b: {  	v4 =	vperm.xlane v3, v0;
	_ =	sdelay $0x1  }
0x11c: {  	v4 =	vadd.s32 v1, v4;
	_ =	sdelay $0x1  }
0x11d: {  	v3 =	vperm.xlane v3, v2;
	_ =	sdelay $0x1  }
0x11e: {  	s23 =	simm.s32 $0x2680;
	v3 =	vadd.s32 v1, v3  }
0x11f: {  	[tilespmem:s23], [sflag:$0x1] =	stream.indirect_vreg.gather [hbm4b:s2+s3], $0x80, v4, vm0, $0xb8;
	[tilespmem:$0x1C680] =	vst v63  }
0x120: {  	s26 =	simm.s32 $0x2E80  }
0x121: {  	[tilespmem:s26], [sflag:$0x1] =	stream.indirect_vreg.gather [hbm4b:s5+s3], $0x80, v4, vm0, $0xb8;
	[tilespmem:$0x1C680] =	vst v63  }
0x122: {  	s28 =	simm.s32 $0x3680  }
0x123: {  	[tilespmem:s28], [sflag:$0x1] =	stream.indirect_vreg.gather [hbm4b:s2+s3], $0x80, v3, vm0, $0xb8;
	[tilespmem:$0x1C680] =	vst v63  }
0x124: {  	s16 =	simm.s32 $0x3E80  }
0x125: {  	[tilespmem:s16], [sflag:$0x1] =	stream.indirect_vreg.gather [hbm4b:s5+s3], $0x80, v3, vm0, $0xb8;
	[tilespmem:$0x1C680] =	vst v63  }
0x126: {  	v3 =	vld [tilespmem:s22+$0x20];
	_ =	sdelay $0x4  }
0x127: {  	v38 =	vshll.u32 v3, $0x2  }
0x128: {  	v3 =	vand.u32 $0x7, v3;
	v4 =	vand.u32 $0xFFFFFFE0, v38  }
0x129: {  	v3 =	vor.u32 v3, v4  }
0x12a: {  	v4 =	vperm.xlane v3, v0;
	_ =	sdelay $0x1  }
0x12b: {  	v4 =	vadd.s32 v1, v4;
	_ =	sdelay $0x1  }
0x12c: {  	v3 =	vperm.xlane v3, v2;
	_ =	sdelay $0x1  }
0x12d: {  	s29 =	simm.s32 $0x4680;
	v3 =	vadd.s32 v1, v3  }
0x12e: {  	[tilespmem:s29], [sflag:$0x1] =	stream.indirect_vreg.gather [hbm4b:s2+s3], $0x80, v4, vm0, $0xb8;
	[tilespmem:$0x1C680] =	vst v63  }
0x12f: {  	s30 =	simm.s32 $0x4E80  }
0x130: {  	[tilespmem:s30], [sflag:$0x1] =	stream.indirect_vreg.gather [hbm4b:s5+s3], $0x80, v4, vm0, $0xb8;
	[tilespmem:$0x1C680] =	vst v63  }
0x131: {  	s31 =	simm.s32 $0x5680  }
0x132: {  	[tilespmem:s31], [sflag:$0x1] =	stream.indirect_vreg.gather [hbm4b:s2+s3], $0x80, v3, vm0, $0xb8;
	[tilespmem:$0x1C680] =	vst v63  }
0x133: {  	s13 =	simm.s32 $0x5E80  }
0x134: {  	[tilespmem:s13], [sflag:$0x1] =	stream.indirect_vreg.gather [hbm4b:s5+s3], $0x80, v3, vm0, $0xb8;
	[tilespmem:$0x1C680] =	vst v63  }
0x135: {  	v3 =	vld [tilespmem:s22+$0x30];
	_ =	sdelay $0x4  }
0x136: {  	v39 =	vshll.u32 v3, $0x2  }
0x137: {  	v3 =	vand.u32 $0x7, v3;
	v4 =	vand.u32 $0xFFFFFFE0, v39  }
0x138: {  	v3 =	vor.u32 v3, v4  }
0x139: {  	v4 =	vperm.xlane v3, v0;
	_ =	sdelay $0x1  }
0x13a: {  	v4 =	vadd.s32 v1, v4;
	_ =	sdelay $0x1  }
0x13b: {  	v3 =	vperm.xlane v3, v2;
	_ =	sdelay $0x1  }
0x13c: {  	s12 =	simm.s32 $0x6680;
	v3 =	vadd.s32 v1, v3  }
0x13d: {  	[tilespmem:s12], [sflag:$0x1] =	stream.indirect_vreg.gather [hbm4b:s2+s3], $0x80, v4, vm0, $0xb8;
	[tilespmem:$0x1C680] =	vst v63  }
0x13e: {  	s13 =	simm.s32 $0x6E80  }
0x13f: {  	[tilespmem:s13], [sflag:$0x1] =	stream.indirect_vreg.gather [hbm4b:s5+s3], $0x80, v4, vm0, $0xb8;
	[tilespmem:$0x1C680] =	vst v63  }
0x140: {  	s14 =	simm.s32 $0x7680  }
0x141: {  	[tilespmem:s14], [sflag:$0x1] =	stream.indirect_vreg.gather [hbm4b:s2+s3], $0x80, v3, vm0, $0xb8;
	[tilespmem:$0x1C680] =	vst v63  }
0x142: {  	s17 =	simm.s32 $0x7E80  }
0x143: {  	[tilespmem:s17], [sflag:$0x1] =	stream.indirect_vreg.gather [hbm4b:s5+s3], $0x80, v3, vm0, $0xb8;
	[tilespmem:$0x1C680] =	vst v63  }
0x144: {  	v3 =	vld [tilespmem:s22+$0x40];
	_ =	sdelay $0x4  }
0x145: {  	v40 =	vshll.u32 v3, $0x2  }
0x146: {  	v3 =	vand.u32 $0x7, v3;
	v4 =	vand.u32 $0xFFFFFFE0, v40  }
0x147: {  	v3 =	vor.u32 v3, v4  }
0x148: {  	v4 =	vperm.xlane v3, v0;
	_ =	sdelay $0x1  }
0x149: {  	v4 =	vadd.s32 v1, v4;
	_ =	sdelay $0x1  }
0x14a: {  	v3 =	vperm.xlane v3, v2;
	_ =	sdelay $0x1  }
0x14b: {  	s6 =	simm.s32 $0x8680;
	v3 =	vadd.s32 v1, v3  }
0x14c: {  	[tilespmem:s6], [sflag:$0x1] =	stream.indirect_vreg.gather [hbm4b:s2+s3], $0x80, v4, vm0, $0xb8;
	[tilespmem:$0x1C680] =	vst v63  }
0x14d: {  	s8 =	simm.s32 $0x8E80  }
0x14e: {  	[tilespmem:s8], [sflag:$0x1] =	stream.indirect_vreg.gather [hbm4b:s5+s3], $0x80, v4, vm0, $0xb8;
	[tilespmem:$0x1C680] =	vst v63  }
0x14f: {  	s7 =	simm.s32 $0x9680  }
0x150: {  	[tilespmem:s7], [sflag:$0x1] =	stream.indirect_vreg.gather [hbm4b:s2+s3], $0x80, v3, vm0, $0xb8;
	[tilespmem:$0x1C680] =	vst v63  }
0x151: {  	s6 =	simm.s32 $0x9E80  }
0x152: {  	[tilespmem:s6], [sflag:$0x1] =	stream.indirect_vreg.gather [hbm4b:s5+s3], $0x80, v3, vm0, $0xb8;
	[tilespmem:$0x1C680] =	vst v63  }
0x153: {  	v3 =	vld [tilespmem:s22+$0x50];
	_ =	sdelay $0x4  }
0x154: {  	v41 =	vshll.u32 v3, $0x2  }
0x155: {  	v3 =	vand.u32 $0x7, v3;
	v4 =	vand.u32 $0xFFFFFFE0, v41  }
0x156: {  	v3 =	vor.u32 v3, v4  }
0x157: {  	v4 =	vperm.xlane v3, v0;
	_ =	sdelay $0x1  }
0x158: {  	v4 =	vadd.s32 v1, v4;
	_ =	sdelay $0x1  }
0x159: {  	v3 =	vperm.xlane v3, v2;
	_ =	sdelay $0x1  }
0x15a: {  	s16 =	simm.s32 $0xA680;
	v3 =	vadd.s32 v1, v3  }
0x15b: {  	[tilespmem:s16], [sflag:$0x1] =	stream.indirect_vreg.gather [hbm4b:s2+s3], $0x80, v4, vm0, $0xb8;
	[tilespmem:$0x1C680] =	vst v63  }
0x15c: {  	s18 =	simm.s32 $0xAE80  }
0x15d: {  	[tilespmem:s18], [sflag:$0x1] =	stream.indirect_vreg.gather [hbm4b:s5+s3], $0x80, v4, vm0, $0xb8;
	[tilespmem:$0x1C680] =	vst v63  }
0x15e: {  	s4 =	simm.s32 $0xB680  }
0x15f: {  	[tilespmem:s4], [sflag:$0x1] =	stream.indirect_vreg.gather [hbm4b:s2+s3], $0x80, v3, vm0, $0xb8;
	[tilespmem:$0x1C680] =	vst v63  }
0x160: {  	s15 =	simm.s32 $0xBE80  }
0x161: {  	[tilespmem:s15], [sflag:$0x1] =	stream.indirect_vreg.gather [hbm4b:s5+s3], $0x80, v3, vm0, $0xb8;
	[tilespmem:$0x1C680] =	vst v63  }
0x162: {  	v3 =	vld [tilespmem:s22+$0x60];
	_ =	sdelay $0x4  }
0x163: {  	v42 =	vshll.u32 v3, $0x2  }
0x164: {  	v3 =	vand.u32 $0x7, v3;
	v4 =	vand.u32 $0xFFFFFFE0, v42  }
0x165: {  	v3 =	vor.u32 v3, v4  }
0x166: {  	v4 =	vperm.xlane v3, v0;
	_ =	sdelay $0x1  }
0x167: {  	v4 =	vadd.s32 v1, v4;
	_ =	sdelay $0x1  }
0x168: {  	v3 =	vperm.xlane v3, v2;
	_ =	sdelay $0x1  }
0x169: {  	s1 =	simm.s32 $0xC680;
	v3 =	vadd.s32 v1, v3  }
0x16a: {  	[tilespmem:s1], [sflag:$0x1] =	stream.indirect_vreg.gather [hbm4b:s2+s3], $0x80, v4, vm0, $0xb8;
	[tilespmem:$0x1C680] =	vst v63  }
0x16b: {  	s25 =	simm.s32 $0xCE80  }
0x16c: {  	[tilespmem:s25], [sflag:$0x1] =	stream.indirect_vreg.gather [hbm4b:s5+s3], $0x80, v4, vm0, $0xb8;
	[tilespmem:$0x1C680] =	vst v63  }
0x16d: {  	s11 =	simm.s32 $0xD680  }
0x16e: {  	[tilespmem:s11], [sflag:$0x1] =	stream.indirect_vreg.gather [hbm4b:s2+s3], $0x80, v3, vm0, $0xb8;
	[tilespmem:$0x1C680] =	vst v63  }
0x16f: {  	s29 =	simm.s32 $0xDE80  }
0x170: {  	[tilespmem:s29], [sflag:$0x1] =	stream.indirect_vreg.gather [hbm4b:s5+s3], $0x80, v3, vm0, $0xb8;
	[tilespmem:$0x1C680] =	vst v63  }
0x171: {  	s28 =	rddreg [dreg:$0x6];
	s30 =	simm.s32 $0xE680  }
0x172: {  	[hbm4b:s28+s3] =	stream.linear.scatter [tilespmem:s30], [sflag:$0x3], $0xE000, $0x38;
	[tilespmem:$0x1C680] =	vst v63  }
0x173: {  	_ =	swait.ge [sflag:s19], $0xE000  }
0x174: {  	[sflag:s19] =	ssyncset.done $0x0  }
0x175: {  	[sflag:s19] =	ssyncadd.s32 $0xFFFF2000  }
0x176: {  	_ =	swait.ge [sflag:s24], $0xE000  }
0x177: {  	[sflag:s24] =	ssyncset.done $0x0  }
0x178: {  	s22 =	rddreg [dreg:$0x16];
	[sflag:s24] =	ssyncadd.s32 $0xFFFF2000  }
0x179: {  	v3 =	vld [tilespmem:s22+$0x0];
	_ =	sdelay $0x4  }
0x17a: {  	v43 =	vshll.u32 v3, $0x2  }
0x17b: {  	v3 =	vand.u32 $0x7, v3;
	v4 =	vand.u32 $0xFFFFFFE0, v43  }
0x17c: {  	v3 =	vor.u32 v3, v4  }
0x17d: {  	v4 =	vperm.xlane v3, v0;
	_ =	sdelay $0x1  }
0x17e: {  	v4 =	vadd.s32 v1, v4;
	_ =	sdelay $0x1  }
0x17f: {  	v3 =	vperm.xlane v3, v2;
	_ =	sdelay $0x1  }
0x180: {  	v3 =	vadd.s32 v1, v3  }
0x181: {  	[tilespmem:s30], [sflag:$0x2] =	stream.indirect_vreg.gather [hbm4b:s2+s3], $0x80, v4, vm0, $0xb8;
	[tilespmem:$0x1C680] =	vst v63  }
0x182: {  	s31 =	simm.s32 $0xEE80  }
0x183: {  	[tilespmem:s31], [sflag:$0x2] =	stream.indirect_vreg.gather [hbm4b:s5+s3], $0x80, v4, vm0, $0xb8;
	[tilespmem:$0x1C680] =	vst v63  }
0x184: {  	s15 =	simm.s32 $0xF680  }
0x185: {  	[tilespmem:s15], [sflag:$0x2] =	stream.indirect_vreg.gather [hbm4b:s2+s3], $0x80, v3, vm0, $0xb8;
	[tilespmem:$0x1C680] =	vst v63  }
0x186: {  	s7 =	simm.s32 $0xFE80  }
0x187: {  	[tilespmem:s7], [sflag:$0x2] =	stream.indirect_vreg.gather [hbm4b:s5+s3], $0x80, v3, vm0, $0xb8;
	[tilespmem:$0x1C680] =	vst v63  }
0x188: {  	v3 =	vld [tilespmem:s22+$0x10];
	_ =	sdelay $0x4  }
0x189: {  	v44 =	vshll.u32 v3, $0x2  }
0x18a: {  	v3 =	vand.u32 $0x7, v3;
	v4 =	vand.u32 $0xFFFFFFE0, v44  }
0x18b: {  	v3 =	vor.u32 v3, v4  }
0x18c: {  	v4 =	vperm.xlane v3, v0;
	_ =	sdelay $0x1  }
0x18d: {  	v4 =	vadd.s32 v1, v4;
	_ =	sdelay $0x1  }
0x18e: {  	v3 =	vperm.xlane v3, v2;
	_ =	sdelay $0x1  }
0x18f: {  	s17 =	simm.s32 $0x10680;
	v3 =	vadd.s32 v1, v3  }
0x190: {  	[tilespmem:s17], [sflag:$0x2] =	stream.indirect_vreg.gather [hbm4b:s2+s3], $0x80, v4, vm0, $0xb8;
	[tilespmem:$0x1C680] =	vst v63  }
0x191: {  	s23 =	simm.s32 $0x10E80  }
0x192: {  	[tilespmem:s23], [sflag:$0x2] =	stream.indirect_vreg.gather [hbm4b:s5+s3], $0x80, v4, vm0, $0xb8;
	[tilespmem:$0x1C680] =	vst v63  }
0x193: {  	s26 =	simm.s32 $0x11680  }
0x194: {  	[tilespmem:s26], [sflag:$0x2] =	stream.indirect_vreg.gather [hbm4b:s2+s3], $0x80, v3, vm0, $0xb8;
	[tilespmem:$0x1C680] =	vst v63  }
0x195: {  	s11 =	simm.s32 $0x11E80  }
0x196: {  	[tilespmem:s11], [sflag:$0x2] =	stream.indirect_vreg.gather [hbm4b:s5+s3], $0x80, v3, vm0, $0xb8;
	[tilespmem:$0x1C680] =	vst v63  }
0x197: {  	v3 =	vld [tilespmem:s22+$0x20];
	_ =	sdelay $0x4  }
0x198: {  	v45 =	vshll.u32 v3, $0x2  }
0x199: {  	v3 =	vand.u32 $0x7, v3;
	v4 =	vand.u32 $0xFFFFFFE0, v45  }
0x19a: {  	v3 =	vor.u32 v3, v4  }
0x19b: {  	v4 =	vperm.xlane v3, v0;
	_ =	sdelay $0x1  }
0x19c: {  	v4 =	vadd.s32 v1, v4;
	_ =	sdelay $0x1  }
0x19d: {  	v3 =	vperm.xlane v3, v2;
	_ =	sdelay $0x1  }
0x19e: {  	s28 =	simm.s32 $0x12680;
	v3 =	vadd.s32 v1, v3  }
0x19f: {  	[tilespmem:s28], [sflag:$0x2] =	stream.indirect_vreg.gather [hbm4b:s2+s3], $0x80, v4, vm0, $0xb8;
	[tilespmem:$0x1C680] =	vst v63  }
0x1a0: {  	s29 =	simm.s32 $0x12E80  }
0x1a1: {  	[tilespmem:s29], [sflag:$0x2] =	stream.indirect_vreg.gather [hbm4b:s5+s3], $0x80, v4, vm0, $0xb8;
	[tilespmem:$0x1C680] =	vst v63  }
0x1a2: {  	s30 =	simm.s32 $0x13680  }
0x1a3: {  	[tilespmem:s30], [sflag:$0x2] =	stream.indirect_vreg.gather [hbm4b:s2+s3], $0x80, v3, vm0, $0xb8;
	[tilespmem:$0x1C680] =	vst v63  }
0x1a4: {  	s18 =	simm.s32 $0x13E80  }
0x1a5: {  	[tilespmem:s18], [sflag:$0x2] =	stream.indirect_vreg.gather [hbm4b:s5+s3], $0x80, v3, vm0, $0xb8;
	[tilespmem:$0x1C680] =	vst v63  }
0x1a6: {  	v3 =	vld [tilespmem:s22+$0x30];
	_ =	sdelay $0x4  }
0x1a7: {  	v46 =	vshll.u32 v3, $0x2  }
0x1a8: {  	v3 =	vand.u32 $0x7, v3;
	v4 =	vand.u32 $0xFFFFFFE0, v46  }
0x1a9: {  	v3 =	vor.u32 v3, v4  }
0x1aa: {  	v4 =	vperm.xlane v3, v0;
	_ =	sdelay $0x1  }
0x1ab: {  	v4 =	vadd.s32 v1, v4;
	_ =	sdelay $0x1  }
0x1ac: {  	v3 =	vperm.xlane v3, v2;
	_ =	sdelay $0x1  }
0x1ad: {  	s31 =	simm.s32 $0x14680;
	v3 =	vadd.s32 v1, v3  }
0x1ae: {  	[tilespmem:s31], [sflag:$0x2] =	stream.indirect_vreg.gather [hbm4b:s2+s3], $0x80, v4, vm0, $0xb8;
	[tilespmem:$0x1C680] =	vst v63  }
0x1af: {  	s18 =	simm.s32 $0x14E80  }
0x1b0: {  	[tilespmem:s18], [sflag:$0x2] =	stream.indirect_vreg.gather [hbm4b:s5+s3], $0x80, v4, vm0, $0xb8;
	[tilespmem:$0x1C680] =	vst v63  }
0x1b1: {  	s20 =	simm.s32 $0x15680  }
0x1b2: {  	[tilespmem:s20], [sflag:$0x2] =	stream.indirect_vreg.gather [hbm4b:s2+s3], $0x80, v3, vm0, $0xb8;
	[tilespmem:$0x1C680] =	vst v63  }
0x1b3: {  	s25 =	simm.s32 $0x15E80  }
0x1b4: {  	[tilespmem:s25], [sflag:$0x2] =	stream.indirect_vreg.gather [hbm4b:s5+s3], $0x80, v3, vm0, $0xb8;
	[tilespmem:$0x1C680] =	vst v63  }
0x1b5: {  	v3 =	vld [tilespmem:s22+$0x40];
	_ =	sdelay $0x4  }
0x1b6: {  	v47 =	vshll.u32 v3, $0x2  }
0x1b7: {  	v3 =	vand.u32 $0x7, v3;
	v4 =	vand.u32 $0xFFFFFFE0, v47  }
0x1b8: {  	v3 =	vor.u32 v3, v4  }
0x1b9: {  	v4 =	vperm.xlane v3, v0;
	_ =	sdelay $0x1  }
0x1ba: {  	v4 =	vadd.s32 v1, v4;
	_ =	sdelay $0x1  }
0x1bb: {  	v3 =	vperm.xlane v3, v2;
	_ =	sdelay $0x1  }
0x1bc: {  	s7 =	simm.s32 $0x16680;
	v3 =	vadd.s32 v1, v3  }
0x1bd: {  	[tilespmem:s7], [sflag:$0x2] =	stream.indirect_vreg.gather [hbm4b:s2+s3], $0x80, v4, vm0, $0xb8;
	[tilespmem:$0x1C680] =	vst v63  }
0x1be: {  	s11 =	simm.s32 $0x16E80  }
0x1bf: {  	[tilespmem:s11], [sflag:$0x2] =	stream.indirect_vreg.gather [hbm4b:s5+s3], $0x80, v4, vm0, $0xb8;
	[tilespmem:$0x1C680] =	vst v63  }
0x1c0: {  	s20 =	simm.s32 $0x17680  }
0x1c1: {  	[tilespmem:s20], [sflag:$0x2] =	stream.indirect_vreg.gather [hbm4b:s2+s3], $0x80, v3, vm0, $0xb8;
	[tilespmem:$0x1C680] =	vst v63  }
0x1c2: {  	s25 =	simm.s32 $0x17E80  }
0x1c3: {  	[tilespmem:s25], [sflag:$0x2] =	stream.indirect_vreg.gather [hbm4b:s5+s3], $0x80, v3, vm0, $0xb8;
	[tilespmem:$0x1C680] =	vst v63  }
0x1c4: {  	v3 =	vld [tilespmem:s22+$0x50];
	_ =	sdelay $0x4  }
0x1c5: {  	v48 =	vshll.u32 v3, $0x2  }
0x1c6: {  	v3 =	vand.u32 $0x7, v3;
	v4 =	vand.u32 $0xFFFFFFE0, v48  }
0x1c7: {  	v3 =	vor.u32 v3, v4  }
0x1c8: {  	v4 =	vperm.xlane v3, v0;
	_ =	sdelay $0x1  }
0x1c9: {  	v4 =	vadd.s32 v1, v4;
	_ =	sdelay $0x1  }
0x1ca: {  	v3 =	vperm.xlane v3, v2;
	_ =	sdelay $0x1  }
0x1cb: {  	s11 =	simm.s32 $0x18680;
	v3 =	vadd.s32 v1, v3  }
0x1cc: {  	[tilespmem:s11], [sflag:$0x2] =	stream.indirect_vreg.gather [hbm4b:s2+s3], $0x80, v4, vm0, $0xb8;
	[tilespmem:$0x1C680] =	vst v63  }
0x1cd: {  	s20 =	simm.s32 $0x18E80  }
0x1ce: {  	[tilespmem:s20], [sflag:$0x2] =	stream.indirect_vreg.gather [hbm4b:s5+s3], $0x80, v4, vm0, $0xb8;
	[tilespmem:$0x1C680] =	vst v63  }
0x1cf: {  	s1 =	simm.s32 $0x19680  }
0x1d0: {  	[tilespmem:s1], [sflag:$0x2] =	stream.indirect_vreg.gather [hbm4b:s2+s3], $0x80, v3, vm0, $0xb8;
	[tilespmem:$0x1C680] =	vst v63  }
0x1d1: {  	s7 =	simm.s32 $0x19E80  }
0x1d2: {  	[tilespmem:s7], [sflag:$0x2] =	stream.indirect_vreg.gather [hbm4b:s5+s3], $0x80, v3, vm0, $0xb8;
	[tilespmem:$0x1C680] =	vst v63  }
0x1d3: {  	v3 =	vld [tilespmem:s22+$0x60];
	_ =	sdelay $0x4  }
0x1d4: {  	v49 =	vshll.u32 v3, $0x2  }
0x1d5: {  	v3 =	vand.u32 $0x7, v3;
	v4 =	vand.u32 $0xFFFFFFE0, v49  }
0x1d6: {  	v3 =	vor.u32 v3, v4  }
0x1d7: {  	v4 =	vperm.xlane v3, v0;
	_ =	sdelay $0x1  }
0x1d8: {  	v4 =	vadd.s32 v1, v4;
	_ =	sdelay $0x1  }
0x1d9: {  	v3 =	vperm.xlane v3, v2;
	_ =	sdelay $0x1  }
0x1da: {  	s25 =	simm.s32 $0x1A680;
	v3 =	vadd.s32 v1, v3  }
0x1db: {  	[tilespmem:s25], [sflag:$0x2] =	stream.indirect_vreg.gather [hbm4b:s2+s3], $0x80, v4, vm0, $0xb8;
	[tilespmem:$0x1C680] =	vst v63  }
0x1dc: {  	s1 =	simm.s32 $0x1AE80  }
0x1dd: {  	[tilespmem:s1], [sflag:$0x2] =	stream.indirect_vreg.gather [hbm4b:s5+s3], $0x80, v4, vm0, $0xb8;
	[tilespmem:$0x1C680] =	vst v63  }
0x1de: {  	s7 =	simm.s32 $0x1B680  }
0x1df: {  	[tilespmem:s7], [sflag:$0x2] =	stream.indirect_vreg.gather [hbm4b:s2+s3], $0x80, v3, vm0, $0xb8;
	[tilespmem:$0x1C680] =	vst v63  }
0x1e0: {  	s1 =	simm.s32 $0x1BE80  }
0x1e1: {  	[tilespmem:s1], [sflag:$0x2] =	stream.indirect_vreg.gather [hbm4b:s5+s3], $0x80, v3, vm0, $0xb8;
	[tilespmem:$0x1C680] =	vst v63  }
0x1e2: {  	s22 =	rddreg [dreg:$0x7];
	s7 =	simm.s32 $0x680  }
0x1e3: {  	[hbm4b:s22+s3] =	stream.linear.scatter [tilespmem:s7], [sflag:$0x3], $0xE000, $0x38;
	[tilespmem:$0x1C680] =	vst v63  }
0x1e4: {  	_ =	swait.ge [sflag:s19], $0xE000  }
0x1e5: {  	[sflag:s19] =	ssyncset.done $0x0  }
0x1e6: {  	[sflag:s19] =	ssyncadd.s32 $0xFFFF2000  }
0x1e7: {  	_ =	swait.ge [sflag:s21], $0xE000  }
0x1e8: {  	[sflag:s21] =	ssyncset.done $0x0  }
0x1e9: {  	s22 =	rddreg [dreg:$0x17];
	[sflag:s21] =	ssyncadd.s32 $0xFFFF2000  }
0x1ea: {  	v3 =	vld [tilespmem:s22+$0x0];
	_ =	sdelay $0x4  }
0x1eb: {  	v50 =	vshll.u32 v3, $0x2  }
0x1ec: {  	v3 =	vand.u32 $0x7, v3;
	v4 =	vand.u32 $0xFFFFFFE0, v50  }
0x1ed: {  	v3 =	vor.u32 v3, v4  }
0x1ee: {  	v4 =	vperm.xlane v3, v0;
	_ =	sdelay $0x1  }
0x1ef: {  	v4 =	vadd.s32 v1, v4;
	_ =	sdelay $0x1  }
0x1f0: {  	v3 =	vperm.xlane v3, v2;
	_ =	sdelay $0x1  }
0x1f1: {  	v3 =	vadd.s32 v1, v3  }
0x1f2: {  	[tilespmem:s7], [sflag:$0x1] =	stream.indirect_vreg.gather [hbm4b:s2+s3], $0x80, v4, vm0, $0xb8;
	[tilespmem:$0x1C680] =	vst v63  }
0x1f3: {  	s7 =	simm.s32 $0xE80  }
0x1f4: {  	[tilespmem:s7], [sflag:$0x1] =	stream.indirect_vreg.gather [hbm4b:s5+s3], $0x80, v4, vm0, $0xb8;
	[tilespmem:$0x1C680] =	vst v63  }
0x1f5: {  	s7 =	simm.s32 $0x1680  }
0x1f6: {  	[tilespmem:s7], [sflag:$0x1] =	stream.indirect_vreg.gather [hbm4b:s2+s3], $0x80, v3, vm0, $0xb8;
	[tilespmem:$0x1C680] =	vst v63  }
0x1f7: {  	s10 =	simm.s32 $0x1E80  }
0x1f8: {  	[tilespmem:s10], [sflag:$0x1] =	stream.indirect_vreg.gather [hbm4b:s5+s3], $0x80, v3, vm0, $0xb8;
	[tilespmem:$0x1C680] =	vst v63  }
0x1f9: {  	v3 =	vld [tilespmem:s22+$0x10];
	_ =	sdelay $0x4  }
0x1fa: {  	v51 =	vshll.u32 v3, $0x2  }
0x1fb: {  	v3 =	vand.u32 $0x7, v3;
	v4 =	vand.u32 $0xFFFFFFE0, v51  }
0x1fc: {  	v3 =	vor.u32 v3, v4  }
0x1fd: {  	v4 =	vperm.xlane v3, v0;
	_ =	sdelay $0x1  }
0x1fe: {  	v4 =	vadd.s32 v1, v4;
	_ =	sdelay $0x1  }
0x1ff: {  	v3 =	vperm.xlane v3, v2;
	_ =	sdelay $0x1  }
0x200: {  	s10 =	simm.s32 $0x2680;
	v3 =	vadd.s32 v1, v3  }
0x201: {  	[tilespmem:s10], [sflag:$0x1] =	stream.indirect_vreg.gather [hbm4b:s2+s3], $0x80, v4, vm0, $0xb8;
	[tilespmem:$0x1C680] =	vst v63  }
0x202: {  	s10 =	simm.s32 $0x2E80  }
0x203: {  	[tilespmem:s10], [sflag:$0x1] =	stream.indirect_vreg.gather [hbm4b:s5+s3], $0x80, v4, vm0, $0xb8;
	[tilespmem:$0x1C680] =	vst v63  }
0x204: {  	s7 =	simm.s32 $0x3680  }
0x205: {  	[tilespmem:s7], [sflag:$0x1] =	stream.indirect_vreg.gather [hbm4b:s2+s3], $0x80, v3, vm0, $0xb8;
	[tilespmem:$0x1C680] =	vst v63  }
0x206: {  	s9 =	simm.s32 $0x3E80  }
0x207: {  	[tilespmem:s9], [sflag:$0x1] =	stream.indirect_vreg.gather [hbm4b:s5+s3], $0x80, v3, vm0, $0xb8;
	[tilespmem:$0x1C680] =	vst v63  }
0x208: {  	v3 =	vld [tilespmem:s22+$0x20];
	_ =	sdelay $0x4  }
0x209: {  	v52 =	vshll.u32 v3, $0x2  }
0x20a: {  	v3 =	vand.u32 $0x7, v3;
	v4 =	vand.u32 $0xFFFFFFE0, v52  }
0x20b: {  	v3 =	vor.u32 v3, v4  }
0x20c: {  	v4 =	vperm.xlane v3, v0;
	_ =	sdelay $0x1  }
0x20d: {  	v4 =	vadd.s32 v1, v4;
	_ =	sdelay $0x1  }
0x20e: {  	v3 =	vperm.xlane v3, v2;
	_ =	sdelay $0x1  }
0x20f: {  	s10 =	simm.s32 $0x4680;
	v3 =	vadd.s32 v1, v3  }
0x210: {  	[tilespmem:s10], [sflag:$0x1] =	stream.indirect_vreg.gather [hbm4b:s2+s3], $0x80, v4, vm0, $0xb8;
	[tilespmem:$0x1C680] =	vst v63  }
0x211: {  	s9 =	simm.s32 $0x4E80  }
0x212: {  	[tilespmem:s9], [sflag:$0x1] =	stream.indirect_vreg.gather [hbm4b:s5+s3], $0x80, v4, vm0, $0xb8;
	[tilespmem:$0x1C680] =	vst v63  }
0x213: {  	s10 =	simm.s32 $0x5680  }
0x214: {  	[tilespmem:s10], [sflag:$0x1] =	stream.indirect_vreg.gather [hbm4b:s2+s3], $0x80, v3, vm0, $0xb8;
	[tilespmem:$0x1C680] =	vst v63  }
0x215: {  	s10 =	simm.s32 $0x5E80  }
0x216: {  	[tilespmem:s10], [sflag:$0x1] =	stream.indirect_vreg.gather [hbm4b:s5+s3], $0x80, v3, vm0, $0xb8;
	[tilespmem:$0x1C680] =	vst v63  }
0x217: {  	v3 =	vld [tilespmem:s22+$0x30];
	_ =	sdelay $0x4  }
0x218: {  	v53 =	vshll.u32 v3, $0x2  }
0x219: {  	v3 =	vand.u32 $0x7, v3;
	v4 =	vand.u32 $0xFFFFFFE0, v53  }
0x21a: {  	v3 =	vor.u32 v3, v4  }
0x21b: {  	v4 =	vperm.xlane v3, v0;
	_ =	sdelay $0x1  }
0x21c: {  	v4 =	vadd.s32 v1, v4;
	_ =	sdelay $0x1  }
0x21d: {  	v3 =	vperm.xlane v3, v2;
	_ =	sdelay $0x1  }
0x21e: {  	v3 =	vadd.s32 v1, v3  }
0x21f: {  	[tilespmem:s12], [sflag:$0x1] =	stream.indirect_vreg.gather [hbm4b:s2+s3], $0x80, v4, vm0, $0xb8;
	[tilespmem:$0x1C680] =	vst v63  }
0x220: {  	_ = 	snop  }
0x221: {  	[tilespmem:s13], [sflag:$0x1] =	stream.indirect_vreg.gather [hbm4b:s5+s3], $0x80, v4, vm0, $0xb8;
	[tilespmem:$0x1C680] =	vst v63  }
0x222: {  	_ = 	snop  }
0x223: {  	[tilespmem:s14], [sflag:$0x1] =	stream.indirect_vreg.gather [hbm4b:s2+s3], $0x80, v3, vm0, $0xb8;
	[tilespmem:$0x1C680] =	vst v63  }
0x224: {  	s13 =	simm.s32 $0x7E80  }
0x225: {  	[tilespmem:s13], [sflag:$0x1] =	stream.indirect_vreg.gather [hbm4b:s5+s3], $0x80, v3, vm0, $0xb8;
	[tilespmem:$0x1C680] =	vst v63  }
0x226: {  	v3 =	vld [tilespmem:s22+$0x40];
	_ =	sdelay $0x4  }
0x227: {  	v54 =	vshll.u32 v3, $0x2  }
0x228: {  	v3 =	vand.u32 $0x7, v3;
	v4 =	vand.u32 $0xFFFFFFE0, v54  }
0x229: {  	v3 =	vor.u32 v3, v4  }
0x22a: {  	v4 =	vperm.xlane v3, v0;
	_ =	sdelay $0x1  }
0x22b: {  	v4 =	vadd.s32 v1, v4;
	_ =	sdelay $0x1  }
0x22c: {  	v3 =	vperm.xlane v3, v2;
	_ =	sdelay $0x1  }
0x22d: {  	s10 =	simm.s32 $0x8680;
	v3 =	vadd.s32 v1, v3  }
0x22e: {  	[tilespmem:s10], [sflag:$0x1] =	stream.indirect_vreg.gather [hbm4b:s2+s3], $0x80, v4, vm0, $0xb8;
	[tilespmem:$0x1C680] =	vst v63  }
0x22f: {  	_ = 	snop  }
0x230: {  	[tilespmem:s8], [sflag:$0x1] =	stream.indirect_vreg.gather [hbm4b:s5+s3], $0x80, v4, vm0, $0xb8;
	[tilespmem:$0x1C680] =	vst v63  }
0x231: {  	s14 =	simm.s32 $0x9680  }
0x232: {  	[tilespmem:s14], [sflag:$0x1] =	stream.indirect_vreg.gather [hbm4b:s2+s3], $0x80, v3, vm0, $0xb8;
	[tilespmem:$0x1C680] =	vst v63  }
0x233: {  	_ = 	snop  }
0x234: {  	[tilespmem:s6], [sflag:$0x1] =	stream.indirect_vreg.gather [hbm4b:s5+s3], $0x80, v3, vm0, $0xb8;
	[tilespmem:$0x1C680] =	vst v63  }
0x235: {  	v3 =	vld [tilespmem:s22+$0x50];
	_ =	sdelay $0x4  }
0x236: {  	v55 =	vshll.u32 v3, $0x2  }
0x237: {  	v3 =	vand.u32 $0x7, v3;
	v4 =	vand.u32 $0xFFFFFFE0, v55  }
0x238: {  	v3 =	vor.u32 v3, v4  }
0x239: {  	v4 =	vperm.xlane v3, v0;
	_ =	sdelay $0x1  }
0x23a: {  	v4 =	vadd.s32 v1, v4;
	_ =	sdelay $0x1  }
0x23b: {  	v3 =	vperm.xlane v3, v2;
	_ =	sdelay $0x1  }
0x23c: {  	v3 =	vadd.s32 v1, v3  }
0x23d: {  	[tilespmem:s16], [sflag:$0x1] =	stream.indirect_vreg.gather [hbm4b:s2+s3], $0x80, v4, vm0, $0xb8;
	[tilespmem:$0x1C680] =	vst v63  }
0x23e: {  	s6 =	simm.s32 $0xAE80  }
0x23f: {  	[tilespmem:s6], [sflag:$0x1] =	stream.indirect_vreg.gather [hbm4b:s5+s3], $0x80, v4, vm0, $0xb8;
	[tilespmem:$0x1C680] =	vst v63  }
0x240: {  	_ = 	snop  }
0x241: {  	[tilespmem:s4], [sflag:$0x1] =	stream.indirect_vreg.gather [hbm4b:s2+s3], $0x80, v3, vm0, $0xb8;
	[tilespmem:$0x1C680] =	vst v63  }
0x242: {  	s16 =	simm.s32 $0xBE80  }
0x243: {  	[tilespmem:s16], [sflag:$0x1] =	stream.indirect_vreg.gather [hbm4b:s5+s3], $0x80, v3, vm0, $0xb8;
	[tilespmem:$0x1C680] =	vst v63  }
0x244: {  	v3 =	vld [tilespmem:s22+$0x60];
	_ =	sdelay $0x4  }
0x245: {  	v56 =	vshll.u32 v3, $0x2  }
0x246: {  	v3 =	vand.u32 $0x7, v3;
	v4 =	vand.u32 $0xFFFFFFE0, v56  }
0x247: {  	v3 =	vor.u32 v3, v4  }
0x248: {  	v4 =	vperm.xlane v3, v0;
	_ =	sdelay $0x1  }
0x249: {  	v4 =	vadd.s32 v1, v4;
	_ =	sdelay $0x1  }
0x24a: {  	v3 =	vperm.xlane v3, v2;
	_ =	sdelay $0x1  }
0x24b: {  	s22 =	simm.s32 $0xC680;
	v3 =	vadd.s32 v1, v3  }
0x24c: {  	[tilespmem:s22], [sflag:$0x1] =	stream.indirect_vreg.gather [hbm4b:s2+s3], $0x80, v4, vm0, $0xb8;
	[tilespmem:$0x1C680] =	vst v63  }
0x24d: {  	s13 =	simm.s32 $0xCE80  }
0x24e: {  	[tilespmem:s13], [sflag:$0x1] =	stream.indirect_vreg.gather [hbm4b:s5+s3], $0x80, v4, vm0, $0xb8;
	[tilespmem:$0x1C680] =	vst v63  }
0x24f: {  	s14 =	simm.s32 $0xD680  }
0x250: {  	[tilespmem:s14], [sflag:$0x1] =	stream.indirect_vreg.gather [hbm4b:s2+s3], $0x80, v3, vm0, $0xb8;
	[tilespmem:$0x1C680] =	vst v63  }
0x251: {  	s13 =	simm.s32 $0xDE80  }
0x252: {  	[tilespmem:s13], [sflag:$0x1] =	stream.indirect_vreg.gather [hbm4b:s5+s3], $0x80, v3, vm0, $0xb8;
	[tilespmem:$0x1C680] =	vst v63  }
0x253: {  	s0 =	simm.s32 $0xE680;
	s16 =	rddreg [dreg:$0x8]  }
0x254: {  	[hbm4b:s16+s3] =	stream.linear.scatter [tilespmem:s0], [sflag:$0x3], $0xE000, $0x38;
	[tilespmem:$0x1C680] =	vst v63  }
0x255: {  	_ =	swait.ge [sflag:s19], $0xE000  }
0x256: {  	[sflag:s19] =	ssyncset.done $0x0  }
0x257: {  	[sflag:s19] =	ssyncadd.s32 $0xFFFF2000  }
0x258: {  	_ =	swait.ge [sflag:s24], $0xE000  }
0x259: {  	[sflag:s24] =	ssyncset.done $0x0  }
0x25a: {  	s22 =	rddreg [dreg:$0x18];
	[sflag:s24] =	ssyncadd.s32 $0xFFFF2000  }
0x25b: {  	v3 =	vld [tilespmem:s22+$0x0];
	_ =	sdelay $0x4  }
0x25c: {  	v57 =	vshll.u32 v3, $0x2  }
0x25d: {  	v3 =	vand.u32 $0x7, v3;
	v4 =	vand.u32 $0xFFFFFFE0, v57  }
0x25e: {  	v3 =	vor.u32 v3, v4  }
0x25f: {  	v4 =	vperm.xlane v3, v0;
	_ =	sdelay $0x1  }
0x260: {  	v4 =	vadd.s32 v1, v4;
	_ =	sdelay $0x1  }
0x261: {  	v3 =	vperm.xlane v3, v2;
	_ =	sdelay $0x1  }
0x262: {  	v3 =	vadd.s32 v1, v3  }
0x263: {  	[tilespmem:s0], [sflag:$0x2] =	stream.indirect_vreg.gather [hbm4b:s2+s3], $0x80, v4, vm0, $0xb8;
	[tilespmem:$0x1C680] =	vst v63  }
0x264: {  	s14 =	simm.s32 $0xEE80  }
0x265: {  	[tilespmem:s14], [sflag:$0x2] =	stream.indirect_vreg.gather [hbm4b:s5+s3], $0x80, v4, vm0, $0xb8;
	[tilespmem:$0x1C680] =	vst v63  }
0x266: {  	_ = 	snop  }
0x267: {  	[tilespmem:s15], [sflag:$0x2] =	stream.indirect_vreg.gather [hbm4b:s2+s3], $0x80, v3, vm0, $0xb8;
	[tilespmem:$0x1C680] =	vst v63  }
0x268: {  	s15 =	simm.s32 $0xFE80  }
0x269: {  	[tilespmem:s15], [sflag:$0x2] =	stream.indirect_vreg.gather [hbm4b:s5+s3], $0x80, v3, vm0, $0xb8;
	[tilespmem:$0x1C680] =	vst v63  }
0x26a: {  	v3 =	vld [tilespmem:s22+$0x10];
	_ =	sdelay $0x4  }
0x26b: {  	v58 =	vshll.u32 v3, $0x2  }
0x26c: {  	v3 =	vand.u32 $0x7, v3;
	v4 =	vand.u32 $0xFFFFFFE0, v58  }
0x26d: {  	v3 =	vor.u32 v3, v4  }
0x26e: {  	v4 =	vperm.xlane v3, v0;
	_ =	sdelay $0x1  }
0x26f: {  	v4 =	vadd.s32 v1, v4;
	_ =	sdelay $0x1  }
0x270: {  	v3 =	vperm.xlane v3, v2;
	_ =	sdelay $0x1  }
0x271: {  	v3 =	vadd.s32 v1, v3  }
0x272: {  	[tilespmem:s17], [sflag:$0x2] =	stream.indirect_vreg.gather [hbm4b:s2+s3], $0x80, v4, vm0, $0xb8;
	[tilespmem:$0x1C680] =	vst v63  }
0x273: {  	_ = 	snop  }
0x274: {  	[tilespmem:s23], [sflag:$0x2] =	stream.indirect_vreg.gather [hbm4b:s5+s3], $0x80, v4, vm0, $0xb8;
	[tilespmem:$0x1C680] =	vst v63  }
0x275: {  	_ = 	snop  }
0x276: {  	[tilespmem:s26], [sflag:$0x2] =	stream.indirect_vreg.gather [hbm4b:s2+s3], $0x80, v3, vm0, $0xb8;
	[tilespmem:$0x1C680] =	vst v63  }
0x277: {  	s16 =	simm.s32 $0x11E80  }
0x278: {  	[tilespmem:s16], [sflag:$0x2] =	stream.indirect_vreg.gather [hbm4b:s5+s3], $0x80, v3, vm0, $0xb8;
	[tilespmem:$0x1C680] =	vst v63  }
0x279: {  	v3 =	vld [tilespmem:s22+$0x20];
	_ =	sdelay $0x4  }
0x27a: {  	v59 =	vshll.u32 v3, $0x2  }
0x27b: {  	v3 =	vand.u32 $0x7, v3;
	v4 =	vand.u32 $0xFFFFFFE0, v59  }
0x27c: {  	v3 =	vor.u32 v3, v4  }
0x27d: {  	v4 =	vperm.xlane v3, v0;
	_ =	sdelay $0x1  }
0x27e: {  	v4 =	vadd.s32 v1, v4;
	_ =	sdelay $0x1  }
0x27f: {  	v3 =	vperm.xlane v3, v2;
	_ =	sdelay $0x1  }
0x280: {  	v3 =	vadd.s32 v1, v3  }
0x281: {  	[tilespmem:s28], [sflag:$0x2] =	stream.indirect_vreg.gather [hbm4b:s2+s3], $0x80, v4, vm0, $0xb8;
	[tilespmem:$0x1C680] =	vst v63  }
0x282: {  	_ = 	snop  }
0x283: {  	[tilespmem:s29], [sflag:$0x2] =	stream.indirect_vreg.gather [hbm4b:s5+s3], $0x80, v4, vm0, $0xb8;
	[tilespmem:$0x1C680] =	vst v63  }
0x284: {  	_ = 	snop  }
0x285: {  	[tilespmem:s30], [sflag:$0x2] =	stream.indirect_vreg.gather [hbm4b:s2+s3], $0x80, v3, vm0, $0xb8;
	[tilespmem:$0x1C680] =	vst v63  }
0x286: {  	s17 =	simm.s32 $0x13E80  }
0x287: {  	[tilespmem:s17], [sflag:$0x2] =	stream.indirect_vreg.gather [hbm4b:s5+s3], $0x80, v3, vm0, $0xb8;
	[tilespmem:$0x1C680] =	vst v63  }
0x288: {  	v3 =	vld [tilespmem:s22+$0x30];
	_ =	sdelay $0x4  }
0x289: {  	v60 =	vshll.u32 v3, $0x2  }
0x28a: {  	v3 =	vand.u32 $0x7, v3;
	v4 =	vand.u32 $0xFFFFFFE0, v60  }
0x28b: {  	v3 =	vor.u32 v3, v4  }
0x28c: {  	v4 =	vperm.xlane v3, v0;
	_ =	sdelay $0x1  }
0x28d: {  	v4 =	vadd.s32 v1, v4;
	_ =	sdelay $0x1  }
0x28e: {  	v3 =	vperm.xlane v3, v2;
	_ =	sdelay $0x1  }
0x28f: {  	v3 =	vadd.s32 v1, v3  }
0x290: {  	[tilespmem:s31], [sflag:$0x2] =	stream.indirect_vreg.gather [hbm4b:s2+s3], $0x80, v4, vm0, $0xb8;
	[tilespmem:$0x1C680] =	vst v63  }
0x291: {  	_ = 	snop  }
0x292: {  	[tilespmem:s18], [sflag:$0x2] =	stream.indirect_vreg.gather [hbm4b:s5+s3], $0x80, v4, vm0, $0xb8;
	[tilespmem:$0x1C680] =	vst v63  }
0x293: {  	s18 =	simm.s32 $0x15680  }
0x294: {  	[tilespmem:s18], [sflag:$0x2] =	stream.indirect_vreg.gather [hbm4b:s2+s3], $0x80, v3, vm0, $0xb8;
	[tilespmem:$0x1C680] =	vst v63  }
0x295: {  	s23 =	simm.s32 $0x15E80  }
0x296: {  	[tilespmem:s23], [sflag:$0x2] =	stream.indirect_vreg.gather [hbm4b:s5+s3], $0x80, v3, vm0, $0xb8;
	[tilespmem:$0x1C680] =	vst v63  }
0x297: {  	v3 =	vld [tilespmem:s22+$0x40];
	_ =	sdelay $0x4  }
0x298: {  	v61 =	vshll.u32 v3, $0x2  }
0x299: {  	v3 =	vand.u32 $0x7, v3;
	v4 =	vand.u32 $0xFFFFFFE0, v61  }
0x29a: {  	v3 =	vor.u32 v3, v4  }
0x29b: {  	v4 =	vperm.xlane v3, v0;
	_ =	sdelay $0x1  }
0x29c: {  	v4 =	vadd.s32 v1, v4;
	_ =	sdelay $0x1  }
0x29d: {  	v3 =	vperm.xlane v3, v2;
	_ =	sdelay $0x1  }
0x29e: {  	s26 =	simm.s32 $0x16680;
	v3 =	vadd.s32 v1, v3  }
0x29f: {  	[tilespmem:s26], [sflag:$0x2] =	stream.indirect_vreg.gather [hbm4b:s2+s3], $0x80, v4, vm0, $0xb8;
	[tilespmem:$0x1C680] =	vst v63  }
0x2a0: {  	s28 =	simm.s32 $0x16E80  }
0x2a1: {  	[tilespmem:s28], [sflag:$0x2] =	stream.indirect_vreg.gather [hbm4b:s5+s3], $0x80, v4, vm0, $0xb8;
	[tilespmem:$0x1C680] =	vst v63  }
0x2a2: {  	s16 =	simm.s32 $0x17680  }
0x2a3: {  	[tilespmem:s16], [sflag:$0x2] =	stream.indirect_vreg.gather [hbm4b:s2+s3], $0x80, v3, vm0, $0xb8;
	[tilespmem:$0x1C680] =	vst v63  }
0x2a4: {  	s17 =	simm.s32 $0x17E80  }
0x2a5: {  	[tilespmem:s17], [sflag:$0x2] =	stream.indirect_vreg.gather [hbm4b:s5+s3], $0x80, v3, vm0, $0xb8;
	[tilespmem:$0x1C680] =	vst v63  }
0x2a6: {  	v3 =	vld [tilespmem:s22+$0x50];
	_ =	sdelay $0x4  }
0x2a7: {  	v62 =	vshll.u32 v3, $0x2  }
0x2a8: {  	v3 =	vand.u32 $0x7, v3;
	v4 =	vand.u32 $0xFFFFFFE0, v62  }
0x2a9: {  	v3 =	vor.u32 v3, v4  }
0x2aa: {  	v4 =	vperm.xlane v3, v0;
	_ =	sdelay $0x1  }
0x2ab: {  	v4 =	vadd.s32 v1, v4;
	_ =	sdelay $0x1  }
0x2ac: {  	v3 =	vperm.xlane v3, v2;
	_ =	sdelay $0x1  }
0x2ad: {  	v3 =	vadd.s32 v1, v3  }
0x2ae: {  	[tilespmem:s11], [sflag:$0x2] =	stream.indirect_vreg.gather [hbm4b:s2+s3], $0x80, v4, vm0, $0xb8;
	[tilespmem:$0x1C680] =	vst v63  }
0x2af: {  	_ = 	snop  }
0x2b0: {  	[tilespmem:s20], [sflag:$0x2] =	stream.indirect_vreg.gather [hbm4b:s5+s3], $0x80, v4, vm0, $0xb8;
	[tilespmem:$0x1C680] =	vst v63  }
0x2b1: {  	s20 =	simm.s32 $0x19680  }
0x2b2: {  	[tilespmem:s20], [sflag:$0x2] =	stream.indirect_vreg.gather [hbm4b:s2+s3], $0x80, v3, vm0, $0xb8;
	[tilespmem:$0x1C680] =	vst v63  }
0x2b3: {  	s23 =	simm.s32 $0x19E80  }
0x2b4: {  	[tilespmem:s23], [sflag:$0x2] =	stream.indirect_vreg.gather [hbm4b:s5+s3], $0x80, v3, vm0, $0xb8;
	[tilespmem:$0x1C680] =	vst v63  }
0x2b5: {  	v3 =	vld [tilespmem:s22+$0x60];
	_ =	sdelay $0x4  }
0x2b6: {  	v63 =	vshll.u32 v3, $0x2  }
0x2b7: {  	v3 =	vand.u32 $0x7, v3;
	v4 =	vand.u32 $0xFFFFFFE0, v63  }
0x2b8: {  	v3 =	vor.u32 v3, v4  }
0x2b9: {  	v4 =	vperm.xlane v3, v0;
	_ =	sdelay $0x1  }
0x2ba: {  	v4 =	vadd.s32 v1, v4;
	_ =	sdelay $0x1  }
0x2bb: {  	v3 =	vperm.xlane v3, v2;
	_ =	sdelay $0x1  }
0x2bc: {  	v3 =	vadd.s32 v1, v3  }
0x2bd: {  	[tilespmem:s25], [sflag:$0x2] =	stream.indirect_vreg.gather [hbm4b:s2+s3], $0x80, v4, vm0, $0xb8;
	[tilespmem:$0x1C680] =	vst v63  }
0x2be: {  	s25 =	simm.s32 $0x1AE80  }
0x2bf: {  	[tilespmem:s25], [sflag:$0x2] =	stream.indirect_vreg.gather [hbm4b:s5+s3], $0x80, v4, vm0, $0xb8;
	[tilespmem:$0x1C680] =	vst v63  }
0x2c0: {  	s26 =	simm.s32 $0x1B680  }
0x2c1: {  	[tilespmem:s26], [sflag:$0x2] =	stream.indirect_vreg.gather [hbm4b:s2+s3], $0x80, v3, vm0, $0xb8;
	[tilespmem:$0x1C680] =	vst v63  }
0x2c2: {  	s11 =	simm.s32 $0x1BE80  }
0x2c3: {  	[tilespmem:s11], [sflag:$0x2] =	stream.indirect_vreg.gather [hbm4b:s5+s3], $0x80, v3, vm0, $0xb8;
	[tilespmem:$0x1C680] =	vst v63  }
0x2c4: {  	s1 =	simm.s32 $0x680;
	s28 =	rddreg [dreg:$0x9]  }
0x2c5: {  	[hbm4b:s28+s3] =	stream.linear.scatter [tilespmem:s1], [sflag:$0x3], $0xE000, $0x38;
	[tilespmem:$0x1C680] =	vst v63  }
0x2c6: {  	_ =	swait.ge [sflag:s19], $0xE000  }
0x2c7: {  	[sflag:s19] =	ssyncset.done $0x0  }
0x2c8: {  	[sflag:s19] =	ssyncadd.s32 $0xFFFF2000  }
0x2c9: {  	_ =	swait.ge [sflag:s21], $0xE000  }
0x2ca: {  	[sflag:s21] =	ssyncset.done $0x0  }
0x2cb: {  	s11 =	rddreg [dreg:$0x19];
	[sflag:s21] =	ssyncadd.s32 $0xFFFF2000  }
0x2cc: {  	v3 =	vld [tilespmem:s11+$0x0];
	_ =	sdelay $0x4  }
0x2cd: {  	v8 =	vshll.u32 v3, $0x2  }
0x2ce: {  	v3 =	vand.u32 $0x7, v3;
	v4 =	vand.u32 $0xFFFFFFE0, v8  }
0x2cf: {  	v3 =	vor.u32 v3, v4  }
0x2d0: {  	v4 =	vperm.xlane v3, v0;
	_ =	sdelay $0x1  }
0x2d1: {  	v4 =	vadd.s32 v1, v4;
	_ =	sdelay $0x1  }
0x2d2: {  	v3 =	vperm.xlane v3, v2;
	_ =	sdelay $0x1  }
0x2d3: {  	v3 =	vadd.s32 v1, v3  }
0x2d4: {  	[tilespmem:s1], [sflag:$0x1] =	stream.indirect_vreg.gather [hbm4b:s2+s3], $0x80, v4, vm0, $0xb8;
	[tilespmem:$0x1C680] =	vst v63  }
0x2d5: {  	s20 =	simm.s32 $0xE80  }
0x2d6: {  	[tilespmem:s20], [sflag:$0x1] =	stream.indirect_vreg.gather [hbm4b:s5+s3], $0x80, v4, vm0, $0xb8;
	[tilespmem:$0x1C680] =	vst v63  }
0x2d7: {  	s22 =	simm.s32 $0x1680  }
0x2d8: {  	[tilespmem:s22], [sflag:$0x1] =	stream.indirect_vreg.gather [hbm4b:s2+s3], $0x80, v3, vm0, $0xb8;
	[tilespmem:$0x1C680] =	vst v63  }
0x2d9: {  	s23 =	simm.s32 $0x1E80  }
0x2da: {  	[tilespmem:s23], [sflag:$0x1] =	stream.indirect_vreg.gather [hbm4b:s5+s3], $0x80, v3, vm0, $0xb8;
	[tilespmem:$0x1C680] =	vst v63  }
0x2db: {  	v3 =	vld [tilespmem:s11+$0x10];
	_ =	sdelay $0x4  }
0x2dc: {  	v9 =	vshll.u32 v3, $0x2  }
0x2dd: {  	v3 =	vand.u32 $0x7, v3;
	v4 =	vand.u32 $0xFFFFFFE0, v9  }
0x2de: {  	v3 =	vor.u32 v3, v4  }
0x2df: {  	v4 =	vperm.xlane v3, v0;
	_ =	sdelay $0x1  }
0x2e0: {  	v4 =	vadd.s32 v1, v4;
	_ =	sdelay $0x1  }
0x2e1: {  	v3 =	vperm.xlane v3, v2;
	_ =	sdelay $0x1  }
0x2e2: {  	s25 =	simm.s32 $0x2680;
	v3 =	vadd.s32 v1, v3  }
0x2e3: {  	[tilespmem:s25], [sflag:$0x1] =	stream.indirect_vreg.gather [hbm4b:s2+s3], $0x80, v4, vm0, $0xb8;
	[tilespmem:$0x1C680] =	vst v63  }
0x2e4: {  	s26 =	simm.s32 $0x2E80  }
0x2e5: {  	[tilespmem:s26], [sflag:$0x1] =	stream.indirect_vreg.gather [hbm4b:s5+s3], $0x80, v4, vm0, $0xb8;
	[tilespmem:$0x1C680] =	vst v63  }
0x2e6: {  	_ = 	snop  }
0x2e7: {  	[tilespmem:s7], [sflag:$0x1] =	stream.indirect_vreg.gather [hbm4b:s2+s3], $0x80, v3, vm0, $0xb8;
	[tilespmem:$0x1C680] =	vst v63  }
0x2e8: {  	s28 =	simm.s32 $0x3E80  }
0x2e9: {  	[tilespmem:s28], [sflag:$0x1] =	stream.indirect_vreg.gather [hbm4b:s5+s3], $0x80, v3, vm0, $0xb8;
	[tilespmem:$0x1C680] =	vst v63  }
0x2ea: {  	v3 =	vld [tilespmem:s11+$0x20];
	_ =	sdelay $0x4  }
0x2eb: {  	v10 =	vshll.u32 v3, $0x2  }
0x2ec: {  	v3 =	vand.u32 $0x7, v3;
	v4 =	vand.u32 $0xFFFFFFE0, v10  }
0x2ed: {  	v3 =	vor.u32 v3, v4  }
0x2ee: {  	v4 =	vperm.xlane v3, v0;
	_ =	sdelay $0x1  }
0x2ef: {  	v4 =	vadd.s32 v1, v4;
	_ =	sdelay $0x1  }
0x2f0: {  	v3 =	vperm.xlane v3, v2;
	_ =	sdelay $0x1  }
0x2f1: {  	s1 =	simm.s32 $0x4680;
	v3 =	vadd.s32 v1, v3  }
0x2f2: {  	[tilespmem:s1], [sflag:$0x1] =	stream.indirect_vreg.gather [hbm4b:s2+s3], $0x80, v4, vm0, $0xb8;
	[tilespmem:$0x1C680] =	vst v63  }
0x2f3: {  	_ = 	snop  }
0x2f4: {  	[tilespmem:s9], [sflag:$0x1] =	stream.indirect_vreg.gather [hbm4b:s5+s3], $0x80, v4, vm0, $0xb8;
	[tilespmem:$0x1C680] =	vst v63  }
0x2f5: {  	s7 =	simm.s32 $0x5680  }
0x2f6: {  	[tilespmem:s7], [sflag:$0x1] =	stream.indirect_vreg.gather [hbm4b:s2+s3], $0x80, v3, vm0, $0xb8;
	[tilespmem:$0x1C680] =	vst v63  }
0x2f7: {  	s9 =	simm.s32 $0x5E80  }
0x2f8: {  	[tilespmem:s9], [sflag:$0x1] =	stream.indirect_vreg.gather [hbm4b:s5+s3], $0x80, v3, vm0, $0xb8;
	[tilespmem:$0x1C680] =	vst v63  }
0x2f9: {  	v3 =	vld [tilespmem:s11+$0x30];
	_ =	sdelay $0x4  }
0x2fa: {  	v11 =	vshll.u32 v3, $0x2  }
0x2fb: {  	v3 =	vand.u32 $0x7, v3;
	v4 =	vand.u32 $0xFFFFFFE0, v11  }
0x2fc: {  	v3 =	vor.u32 v3, v4  }
0x2fd: {  	v4 =	vperm.xlane v3, v0;
	_ =	sdelay $0x1  }
0x2fe: {  	v4 =	vadd.s32 v1, v4;
	_ =	sdelay $0x1  }
0x2ff: {  	v3 =	vperm.xlane v3, v2;
	_ =	sdelay $0x1  }
0x300: {  	s20 =	simm.s32 $0x6680;
	v3 =	vadd.s32 v1, v3  }
0x301: {  	[tilespmem:s20], [sflag:$0x1] =	stream.indirect_vreg.gather [hbm4b:s2+s3], $0x80, v4, vm0, $0xb8;
	[tilespmem:$0x1C680] =	vst v63  }
0x302: {  	s22 =	simm.s32 $0x6E80  }
0x303: {  	[tilespmem:s22], [sflag:$0x1] =	stream.indirect_vreg.gather [hbm4b:s5+s3], $0x80, v4, vm0, $0xb8;
	[tilespmem:$0x1C680] =	vst v63  }
0x304: {  	s23 =	simm.s32 $0x7680  }
0x305: {  	[tilespmem:s23], [sflag:$0x1] =	stream.indirect_vreg.gather [hbm4b:s2+s3], $0x80, v3, vm0, $0xb8;
	[tilespmem:$0x1C680] =	vst v63  }
0x306: {  	s25 =	simm.s32 $0x7E80  }
0x307: {  	[tilespmem:s25], [sflag:$0x1] =	stream.indirect_vreg.gather [hbm4b:s5+s3], $0x80, v3, vm0, $0xb8;
	[tilespmem:$0x1C680] =	vst v63  }
0x308: {  	v3 =	vld [tilespmem:s11+$0x40];
	_ =	sdelay $0x4  }
0x309: {  	v12 =	vshll.u32 v3, $0x2  }
0x30a: {  	v3 =	vand.u32 $0x7, v3;
	v4 =	vand.u32 $0xFFFFFFE0, v12  }
0x30b: {  	v3 =	vor.u32 v3, v4  }
0x30c: {  	v4 =	vperm.xlane v3, v0;
	_ =	sdelay $0x1  }
0x30d: {  	v4 =	vadd.s32 v1, v4;
	_ =	sdelay $0x1  }
0x30e: {  	v3 =	vperm.xlane v3, v2;
	_ =	sdelay $0x1  }
0x30f: {  	v3 =	vadd.s32 v1, v3  }
0x310: {  	[tilespmem:s10], [sflag:$0x1] =	stream.indirect_vreg.gather [hbm4b:s2+s3], $0x80, v4, vm0, $0xb8;
	[tilespmem:$0x1C680] =	vst v63  }
0x311: {  	s8 =	simm.s32 $0x8E80  }
0x312: {  	[tilespmem:s8], [sflag:$0x1] =	stream.indirect_vreg.gather [hbm4b:s5+s3], $0x80, v4, vm0, $0xb8;
	[tilespmem:$0x1C680] =	vst v63  }
0x313: {  	s26 =	simm.s32 $0x9680  }
0x314: {  	[tilespmem:s26], [sflag:$0x1] =	stream.indirect_vreg.gather [hbm4b:s2+s3], $0x80, v3, vm0, $0xb8;
	[tilespmem:$0x1C680] =	vst v63  }
0x315: {  	s28 =	simm.s32 $0x9E80  }
0x316: {  	[tilespmem:s28], [sflag:$0x1] =	stream.indirect_vreg.gather [hbm4b:s5+s3], $0x80, v3, vm0, $0xb8;
	[tilespmem:$0x1C680] =	vst v63  }
0x317: {  	v3 =	vld [tilespmem:s11+$0x50];
	_ =	sdelay $0x4  }
0x318: {  	v13 =	vshll.u32 v3, $0x2  }
0x319: {  	v3 =	vand.u32 $0x7, v3;
	v4 =	vand.u32 $0xFFFFFFE0, v13  }
0x31a: {  	v3 =	vor.u32 v3, v4  }
0x31b: {  	v4 =	vperm.xlane v3, v0;
	_ =	sdelay $0x1  }
0x31c: {  	v4 =	vadd.s32 v1, v4;
	_ =	sdelay $0x1  }
0x31d: {  	v3 =	vperm.xlane v3, v2;
	_ =	sdelay $0x1  }
0x31e: {  	s1 =	simm.s32 $0xA680;
	v3 =	vadd.s32 v1, v3  }
0x31f: {  	[tilespmem:s1], [sflag:$0x1] =	stream.indirect_vreg.gather [hbm4b:s2+s3], $0x80, v4, vm0, $0xb8;
	[tilespmem:$0x1C680] =	vst v63  }
0x320: {  	_ = 	snop  }
0x321: {  	[tilespmem:s6], [sflag:$0x1] =	stream.indirect_vreg.gather [hbm4b:s5+s3], $0x80, v4, vm0, $0xb8;
	[tilespmem:$0x1C680] =	vst v63  }
0x322: {  	s4 =	simm.s32 $0xB680  }
0x323: {  	[tilespmem:s4], [sflag:$0x1] =	stream.indirect_vreg.gather [hbm4b:s2+s3], $0x80, v3, vm0, $0xb8;
	[tilespmem:$0x1C680] =	vst v63  }
0x324: {  	s4 =	simm.s32 $0xBE80  }
0x325: {  	[tilespmem:s4], [sflag:$0x1] =	stream.indirect_vreg.gather [hbm4b:s5+s3], $0x80, v3, vm0, $0xb8;
	[tilespmem:$0x1C680] =	vst v63  }
0x326: {  	v3 =	vld [tilespmem:s11+$0x60];
	_ =	sdelay $0x4  }
0x327: {  	v14 =	vshll.u32 v3, $0x2  }
0x328: {  	v3 =	vand.u32 $0x7, v3;
	v4 =	vand.u32 $0xFFFFFFE0, v14  }
0x329: {  	v3 =	vor.u32 v3, v4  }
0x32a: {  	v4 =	vperm.xlane v3, v0;
	_ =	sdelay $0x1  }
0x32b: {  	v4 =	vadd.s32 v1, v4;
	_ =	sdelay $0x1  }
0x32c: {  	v3 =	vperm.xlane v3, v2;
	_ =	sdelay $0x1  }
0x32d: {  	s23 =	simm.s32 $0xC680;
	v3 =	vadd.s32 v1, v3  }
0x32e: {  	[tilespmem:s23], [sflag:$0x1] =	stream.indirect_vreg.gather [hbm4b:s2+s3], $0x80, v4, vm0, $0xb8;
	[tilespmem:$0x1C680] =	vst v63  }
0x32f: {  	s26 =	simm.s32 $0xCE80  }
0x330: {  	[tilespmem:s26], [sflag:$0x1] =	stream.indirect_vreg.gather [hbm4b:s5+s3], $0x80, v4, vm0, $0xb8;
	[tilespmem:$0x1C680] =	vst v63  }
0x331: {  	s28 =	simm.s32 $0xD680  }
0x332: {  	[tilespmem:s28], [sflag:$0x1] =	stream.indirect_vreg.gather [hbm4b:s2+s3], $0x80, v3, vm0, $0xb8;
	[tilespmem:$0x1C680] =	vst v63  }
0x333: {  	s7 =	simm.s32 $0xDE80  }
0x334: {  	[tilespmem:s7], [sflag:$0x1] =	stream.indirect_vreg.gather [hbm4b:s5+s3], $0x80, v3, vm0, $0xb8;
	[tilespmem:$0x1C680] =	vst v63  }
0x335: {  	s8 =	simm.s32 $0xE680;
	s6 =	rddreg [dreg:$0xa]  }
0x336: {  	[hbm4b:s6+s3] =	stream.linear.scatter [tilespmem:s8], [sflag:$0x3], $0xE000, $0x38;
	[tilespmem:$0x1C680] =	vst v63  }
0x337: {  	_ =	swait.ge [sflag:s19], $0xE000  }
0x338: {  	[sflag:s19] =	ssyncset.done $0x0  }
0x339: {  	[sflag:s19] =	ssyncadd.s32 $0xFFFF2000  }
0x33a: {  	_ =	swait.ge [sflag:s24], $0xE000  }
0x33b: {  	[sflag:s24] =	ssyncset.done $0x0  }
0x33c: {  	s9 =	rddreg [dreg:$0x1a];
	[sflag:s24] =	ssyncadd.s32 $0xFFFF2000  }
0x33d: {  	v3 =	vld [tilespmem:s9+$0x0];
	_ =	sdelay $0x4  }
0x33e: {  	v15 =	vshll.u32 v3, $0x2  }
0x33f: {  	v3 =	vand.u32 $0x7, v3;
	v4 =	vand.u32 $0xFFFFFFE0, v15  }
0x340: {  	v3 =	vor.u32 v3, v4  }
0x341: {  	v4 =	vperm.xlane v3, v0;
	_ =	sdelay $0x1  }
0x342: {  	v4 =	vadd.s32 v1, v4;
	_ =	sdelay $0x1  }
0x343: {  	v3 =	vperm.xlane v3, v2;
	_ =	sdelay $0x1  }
0x344: {  	v3 =	vadd.s32 v1, v3  }
0x345: {  	[tilespmem:s8], [sflag:$0x2] =	stream.indirect_vreg.gather [hbm4b:s2+s3], $0x80, v4, vm0, $0xb8;
	[tilespmem:$0x1C680] =	vst v63  }
0x346: {  	s10 =	simm.s32 $0xEE80  }
0x347: {  	[tilespmem:s10], [sflag:$0x2] =	stream.indirect_vreg.gather [hbm4b:s5+s3], $0x80, v4, vm0, $0xb8;
	[tilespmem:$0x1C680] =	vst v63  }
0x348: {  	s11 =	simm.s32 $0xF680  }
0x349: {  	[tilespmem:s11], [sflag:$0x2] =	stream.indirect_vreg.gather [hbm4b:s2+s3], $0x80, v3, vm0, $0xb8;
	[tilespmem:$0x1C680] =	vst v63  }
0x34a: {  	s8 =	simm.s32 $0xFE80  }
0x34b: {  	[tilespmem:s8], [sflag:$0x2] =	stream.indirect_vreg.gather [hbm4b:s5+s3], $0x80, v3, vm0, $0xb8;
	[tilespmem:$0x1C680] =	vst v63  }
0x34c: {  	v3 =	vld [tilespmem:s9+$0x10];
	_ =	sdelay $0x4  }
0x34d: {  	v16 =	vshll.u32 v3, $0x2  }
0x34e: {  	v3 =	vand.u32 $0x7, v3;
	v4 =	vand.u32 $0xFFFFFFE0, v16  }
0x34f: {  	v3 =	vor.u32 v3, v4  }
0x350: {  	v4 =	vperm.xlane v3, v0;
	_ =	sdelay $0x1  }
0x351: {  	v4 =	vadd.s32 v1, v4;
	_ =	sdelay $0x1  }
0x352: {  	v3 =	vperm.xlane v3, v2;
	_ =	sdelay $0x1  }
0x353: {  	s12 =	simm.s32 $0x10680;
	v3 =	vadd.s32 v1, v3  }
0x354: {  	[tilespmem:s12], [sflag:$0x2] =	stream.indirect_vreg.gather [hbm4b:s2+s3], $0x80, v4, vm0, $0xb8;
	[tilespmem:$0x1C680] =	vst v63  }
0x355: {  	s13 =	simm.s32 $0x10E80  }
0x356: {  	[tilespmem:s13], [sflag:$0x2] =	stream.indirect_vreg.gather [hbm4b:s5+s3], $0x80, v4, vm0, $0xb8;
	[tilespmem:$0x1C680] =	vst v63  }
0x357: {  	s0 =	simm.s32 $0x11680  }
0x358: {  	[tilespmem:s0], [sflag:$0x2] =	stream.indirect_vreg.gather [hbm4b:s2+s3], $0x80, v3, vm0, $0xb8;
	[tilespmem:$0x1C680] =	vst v63  }
0x359: {  	s13 =	simm.s32 $0x11E80  }
0x35a: {  	[tilespmem:s13], [sflag:$0x2] =	stream.indirect_vreg.gather [hbm4b:s5+s3], $0x80, v3, vm0, $0xb8;
	[tilespmem:$0x1C680] =	vst v63  }
0x35b: {  	v3 =	vld [tilespmem:s9+$0x20];
	_ =	sdelay $0x4  }
0x35c: {  	v17 =	vshll.u32 v3, $0x2  }
0x35d: {  	v3 =	vand.u32 $0x7, v3;
	v4 =	vand.u32 $0xFFFFFFE0, v17  }
0x35e: {  	v3 =	vor.u32 v3, v4  }
0x35f: {  	v4 =	vperm.xlane v3, v0;
	_ =	sdelay $0x1  }
0x360: {  	v4 =	vadd.s32 v1, v4;
	_ =	sdelay $0x1  }
0x361: {  	v3 =	vperm.xlane v3, v2;
	_ =	sdelay $0x1  }
0x362: {  	s14 =	simm.s32 $0x12680;
	v3 =	vadd.s32 v1, v3  }
0x363: {  	[tilespmem:s14], [sflag:$0x2] =	stream.indirect_vreg.gather [hbm4b:s2+s3], $0x80, v4, vm0, $0xb8;
	[tilespmem:$0x1C680] =	vst v63  }
0x364: {  	s29 =	simm.s32 $0x12E80  }
0x365: {  	[tilespmem:s29], [sflag:$0x2] =	stream.indirect_vreg.gather [hbm4b:s5+s3], $0x80, v4, vm0, $0xb8;
	[tilespmem:$0x1C680] =	vst v63  }
0x366: {  	s30 =	simm.s32 $0x13680  }
0x367: {  	[tilespmem:s30], [sflag:$0x2] =	stream.indirect_vreg.gather [hbm4b:s2+s3], $0x80, v3, vm0, $0xb8;
	[tilespmem:$0x1C680] =	vst v63  }
0x368: {  	s6 =	simm.s32 $0x13E80  }
0x369: {  	[tilespmem:s6], [sflag:$0x2] =	stream.indirect_vreg.gather [hbm4b:s5+s3], $0x80, v3, vm0, $0xb8;
	[tilespmem:$0x1C680] =	vst v63  }
0x36a: {  	v3 =	vld [tilespmem:s9+$0x30];
	_ =	sdelay $0x4  }
0x36b: {  	v18 =	vshll.u32 v3, $0x2  }
0x36c: {  	v3 =	vand.u32 $0x7, v3;
	v4 =	vand.u32 $0xFFFFFFE0, v18  }
0x36d: {  	v3 =	vor.u32 v3, v4  }
0x36e: {  	v4 =	vperm.xlane v3, v0;
	_ =	sdelay $0x1  }
0x36f: {  	v4 =	vadd.s32 v1, v4;
	_ =	sdelay $0x1  }
0x370: {  	v3 =	vperm.xlane v3, v2;
	_ =	sdelay $0x1  }
0x371: {  	s15 =	simm.s32 $0x14680;
	v3 =	vadd.s32 v1, v3  }
0x372: {  	[tilespmem:s15], [sflag:$0x2] =	stream.indirect_vreg.gather [hbm4b:s2+s3], $0x80, v4, vm0, $0xb8;
	[tilespmem:$0x1C680] =	vst v63  }
0x373: {  	s31 =	simm.s32 $0x14E80  }
0x374: {  	[tilespmem:s31], [sflag:$0x2] =	stream.indirect_vreg.gather [hbm4b:s5+s3], $0x80, v4, vm0, $0xb8;
	[tilespmem:$0x1C680] =	vst v63  }
0x375: {  	s15 =	simm.s32 $0x15680  }
0x376: {  	[tilespmem:s15], [sflag:$0x2] =	stream.indirect_vreg.gather [hbm4b:s2+s3], $0x80, v3, vm0, $0xb8;
	[tilespmem:$0x1C680] =	vst v63  }
0x377: {  	s7 =	simm.s32 $0x15E80  }
0x378: {  	[tilespmem:s7], [sflag:$0x2] =	stream.indirect_vreg.gather [hbm4b:s5+s3], $0x80, v3, vm0, $0xb8;
	[tilespmem:$0x1C680] =	vst v63  }
0x379: {  	v3 =	vld [tilespmem:s9+$0x40];
	_ =	sdelay $0x4  }
0x37a: {  	v19 =	vshll.u32 v3, $0x2  }
0x37b: {  	v3 =	vand.u32 $0x7, v3;
	v4 =	vand.u32 $0xFFFFFFE0, v19  }
0x37c: {  	v3 =	vor.u32 v3, v4  }
0x37d: {  	v4 =	vperm.xlane v3, v0;
	_ =	sdelay $0x1  }
0x37e: {  	v4 =	vadd.s32 v1, v4;
	_ =	sdelay $0x1  }
0x37f: {  	v3 =	vperm.xlane v3, v2;
	_ =	sdelay $0x1  }
0x380: {  	s18 =	simm.s32 $0x16680;
	v3 =	vadd.s32 v1, v3  }
0x381: {  	[tilespmem:s18], [sflag:$0x2] =	stream.indirect_vreg.gather [hbm4b:s2+s3], $0x80, v4, vm0, $0xb8;
	[tilespmem:$0x1C680] =	vst v63  }
0x382: {  	s20 =	simm.s32 $0x16E80  }
0x383: {  	[tilespmem:s20], [sflag:$0x2] =	stream.indirect_vreg.gather [hbm4b:s5+s3], $0x80, v4, vm0, $0xb8;
	[tilespmem:$0x1C680] =	vst v63  }
0x384: {  	s22 =	simm.s32 $0x17680  }
0x385: {  	[tilespmem:s22], [sflag:$0x2] =	stream.indirect_vreg.gather [hbm4b:s2+s3], $0x80, v3, vm0, $0xb8;
	[tilespmem:$0x1C680] =	vst v63  }
0x386: {  	s17 =	simm.s32 $0x17E80  }
0x387: {  	[tilespmem:s17], [sflag:$0x2] =	stream.indirect_vreg.gather [hbm4b:s5+s3], $0x80, v3, vm0, $0xb8;
	[tilespmem:$0x1C680] =	vst v63  }
0x388: {  	v3 =	vld [tilespmem:s9+$0x50];
	_ =	sdelay $0x4  }
0x389: {  	v20 =	vshll.u32 v3, $0x2  }
0x38a: {  	v3 =	vand.u32 $0x7, v3;
	v4 =	vand.u32 $0xFFFFFFE0, v20  }
0x38b: {  	v3 =	vor.u32 v3, v4  }
0x38c: {  	v4 =	vperm.xlane v3, v0;
	_ =	sdelay $0x1  }
0x38d: {  	v4 =	vadd.s32 v1, v4;
	_ =	sdelay $0x1  }
0x38e: {  	v3 =	vperm.xlane v3, v2;
	_ =	sdelay $0x1  }
0x38f: {  	s16 =	simm.s32 $0x18680;
	v3 =	vadd.s32 v1, v3  }
0x390: {  	[tilespmem:s16], [sflag:$0x2] =	stream.indirect_vreg.gather [hbm4b:s2+s3], $0x80, v4, vm0, $0xb8;
	[tilespmem:$0x1C680] =	vst v63  }
0x391: {  	s11 =	simm.s32 $0x18E80  }
0x392: {  	[tilespmem:s11], [sflag:$0x2] =	stream.indirect_vreg.gather [hbm4b:s5+s3], $0x80, v4, vm0, $0xb8;
	[tilespmem:$0x1C680] =	vst v63  }
0x393: {  	s25 =	simm.s32 $0x19680  }
0x394: {  	[tilespmem:s25], [sflag:$0x2] =	stream.indirect_vreg.gather [hbm4b:s2+s3], $0x80, v3, vm0, $0xb8;
	[tilespmem:$0x1C680] =	vst v63  }
0x395: {  	s29 =	simm.s32 $0x19E80  }
0x396: {  	[tilespmem:s29], [sflag:$0x2] =	stream.indirect_vreg.gather [hbm4b:s5+s3], $0x80, v3, vm0, $0xb8;
	[tilespmem:$0x1C680] =	vst v63  }
0x397: {  	v3 =	vld [tilespmem:s9+$0x60];
	_ =	sdelay $0x4  }
0x398: {  	v21 =	vshll.u32 v3, $0x2  }
0x399: {  	v3 =	vand.u32 $0x7, v3;
	v4 =	vand.u32 $0xFFFFFFE0, v21  }
0x39a: {  	v3 =	vor.u32 v3, v4  }
0x39b: {  	v4 =	vperm.xlane v3, v0;
	_ =	sdelay $0x1  }
0x39c: {  	v4 =	vadd.s32 v1, v4;
	_ =	sdelay $0x1  }
0x39d: {  	v3 =	vperm.xlane v3, v2;
	_ =	sdelay $0x1  }
0x39e: {  	s30 =	simm.s32 $0x1A680;
	v3 =	vadd.s32 v1, v3  }
0x39f: {  	[tilespmem:s30], [sflag:$0x2] =	stream.indirect_vreg.gather [hbm4b:s2+s3], $0x80, v4, vm0, $0xb8;
	[tilespmem:$0x1C680] =	vst v63  }
0x3a0: {  	s31 =	simm.s32 $0x1AE80  }
0x3a1: {  	[tilespmem:s31], [sflag:$0x2] =	stream.indirect_vreg.gather [hbm4b:s5+s3], $0x80, v4, vm0, $0xb8;
	[tilespmem:$0x1C680] =	vst v63  }
0x3a2: {  	s4 =	simm.s32 $0x1B680  }
0x3a3: {  	[tilespmem:s4], [sflag:$0x2] =	stream.indirect_vreg.gather [hbm4b:s2+s3], $0x80, v3, vm0, $0xb8;
	[tilespmem:$0x1C680] =	vst v63  }
0x3a4: {  	s10 =	simm.s32 $0x1BE80  }
0x3a5: {  	[tilespmem:s10], [sflag:$0x2] =	stream.indirect_vreg.gather [hbm4b:s5+s3], $0x80, v3, vm0, $0xb8;
	[tilespmem:$0x1C680] =	vst v63  }
0x3a6: {  	s12 =	simm.s32 $0x680;
	s9 =	rddreg [dreg:$0xb]  }
0x3a7: {  	[hbm4b:s9+s3] =	stream.linear.scatter [tilespmem:s12], [sflag:$0x3], $0xE000, $0x38;
	[tilespmem:$0x1C680] =	vst v63  }
0x3a8: {  	_ =	swait.ge [sflag:s19], $0xE000  }
0x3a9: {  	[sflag:s19] =	ssyncset.done $0x0  }
0x3aa: {  	[sflag:s19] =	ssyncadd.s32 $0xFFFF2000  }
0x3ab: {  	_ =	swait.ge [sflag:s21], $0xE000  }
0x3ac: {  	[sflag:s21] =	ssyncset.done $0x0  }
0x3ad: {  	s22 =	rddreg [dreg:$0x1b];
	[sflag:s21] =	ssyncadd.s32 $0xFFFF2000  }
0x3ae: {  	v3 =	vld [tilespmem:s22+$0x0];
	_ =	sdelay $0x4  }
0x3af: {  	v22 =	vshll.u32 v3, $0x2  }
0x3b0: {  	v3 =	vand.u32 $0x7, v3;
	v4 =	vand.u32 $0xFFFFFFE0, v22  }
0x3b1: {  	v3 =	vor.u32 v3, v4  }
0x3b2: {  	v4 =	vperm.xlane v3, v0;
	_ =	sdelay $0x1  }
0x3b3: {  	v4 =	vadd.s32 v1, v4;
	_ =	sdelay $0x1  }
0x3b4: {  	v3 =	vperm.xlane v3, v2;
	_ =	sdelay $0x1  }
0x3b5: {  	v3 =	vadd.s32 v1, v3  }
0x3b6: {  	[tilespmem:s12], [sflag:$0x1] =	stream.indirect_vreg.gather [hbm4b:s2+s3], $0x80, v4, vm0, $0xb8;
	[tilespmem:$0x1C680] =	vst v63  }
0x3b7: {  	s25 =	simm.s32 $0xE80  }
0x3b8: {  	[tilespmem:s25], [sflag:$0x1] =	stream.indirect_vreg.gather [hbm4b:s5+s3], $0x80, v4, vm0, $0xb8;
	[tilespmem:$0x1C680] =	vst v63  }
0x3b9: {  	s18 =	simm.s32 $0x1680  }
0x3ba: {  	[tilespmem:s18], [sflag:$0x1] =	stream.indirect_vreg.gather [hbm4b:s2+s3], $0x80, v3, vm0, $0xb8;
	[tilespmem:$0x1C680] =	vst v63  }
0x3bb: {  	s16 =	simm.s32 $0x1E80  }
0x3bc: {  	[tilespmem:s16], [sflag:$0x1] =	stream.indirect_vreg.gather [hbm4b:s5+s3], $0x80, v3, vm0, $0xb8;
	[tilespmem:$0x1C680] =	vst v63  }
0x3bd: {  	v3 =	vld [tilespmem:s22+$0x10];
	_ =	sdelay $0x4  }
0x3be: {  	v23 =	vshll.u32 v3, $0x2  }
0x3bf: {  	v3 =	vand.u32 $0x7, v3;
	v4 =	vand.u32 $0xFFFFFFE0, v23  }
0x3c0: {  	v3 =	vor.u32 v3, v4  }
0x3c1: {  	v4 =	vperm.xlane v3, v0;
	_ =	sdelay $0x1  }
0x3c2: {  	v4 =	vadd.s32 v1, v4;
	_ =	sdelay $0x1  }
0x3c3: {  	v3 =	vperm.xlane v3, v2;
	_ =	sdelay $0x1  }
0x3c4: {  	s29 =	simm.s32 $0x2680;
	v3 =	vadd.s32 v1, v3  }
0x3c5: {  	[tilespmem:s29], [sflag:$0x1] =	stream.indirect_vreg.gather [hbm4b:s2+s3], $0x80, v4, vm0, $0xb8;
	[tilespmem:$0x1C680] =	vst v63  }
0x3c6: {  	s30 =	simm.s32 $0x2E80  }
0x3c7: {  	[tilespmem:s30], [sflag:$0x1] =	stream.indirect_vreg.gather [hbm4b:s5+s3], $0x80, v4, vm0, $0xb8;
	[tilespmem:$0x1C680] =	vst v63  }
0x3c8: {  	s31 =	simm.s32 $0x3680  }
0x3c9: {  	[tilespmem:s31], [sflag:$0x1] =	stream.indirect_vreg.gather [hbm4b:s2+s3], $0x80, v3, vm0, $0xb8;
	[tilespmem:$0x1C680] =	vst v63  }
0x3ca: {  	s13 =	simm.s32 $0x3E80  }
0x3cb: {  	[tilespmem:s13], [sflag:$0x1] =	stream.indirect_vreg.gather [hbm4b:s5+s3], $0x80, v3, vm0, $0xb8;
	[tilespmem:$0x1C680] =	vst v63  }
0x3cc: {  	v3 =	vld [tilespmem:s22+$0x20];
	_ =	sdelay $0x4  }
0x3cd: {  	v24 =	vshll.u32 v3, $0x2  }
0x3ce: {  	v3 =	vand.u32 $0x7, v3;
	v4 =	vand.u32 $0xFFFFFFE0, v24  }
0x3cf: {  	v3 =	vor.u32 v3, v4  }
0x3d0: {  	v4 =	vperm.xlane v3, v0;
	_ =	sdelay $0x1  }
0x3d1: {  	v4 =	vadd.s32 v1, v4;
	_ =	sdelay $0x1  }
0x3d2: {  	v3 =	vperm.xlane v3, v2;
	_ =	sdelay $0x1  }
0x3d3: {  	s14 =	simm.s32 $0x4680;
	v3 =	vadd.s32 v1, v3  }
0x3d4: {  	[tilespmem:s14], [sflag:$0x1] =	stream.indirect_vreg.gather [hbm4b:s2+s3], $0x80, v4, vm0, $0xb8;
	[tilespmem:$0x1C680] =	vst v63  }
0x3d5: {  	s15 =	simm.s32 $0x4E80  }
0x3d6: {  	[tilespmem:s15], [sflag:$0x1] =	stream.indirect_vreg.gather [hbm4b:s5+s3], $0x80, v4, vm0, $0xb8;
	[tilespmem:$0x1C680] =	vst v63  }
0x3d7: {  	s17 =	simm.s32 $0x5680  }
0x3d8: {  	[tilespmem:s17], [sflag:$0x1] =	stream.indirect_vreg.gather [hbm4b:s2+s3], $0x80, v3, vm0, $0xb8;
	[tilespmem:$0x1C680] =	vst v63  }
0x3d9: {  	s17 =	simm.s32 $0x5E80  }
0x3da: {  	[tilespmem:s17], [sflag:$0x1] =	stream.indirect_vreg.gather [hbm4b:s5+s3], $0x80, v3, vm0, $0xb8;
	[tilespmem:$0x1C680] =	vst v63  }
0x3db: {  	v3 =	vld [tilespmem:s22+$0x30];
	_ =	sdelay $0x4  }
0x3dc: {  	v25 =	vshll.u32 v3, $0x2  }
0x3dd: {  	v3 =	vand.u32 $0x7, v3;
	v4 =	vand.u32 $0xFFFFFFE0, v25  }
0x3de: {  	v3 =	vor.u32 v3, v4  }
0x3df: {  	v4 =	vperm.xlane v3, v0;
	_ =	sdelay $0x1  }
0x3e0: {  	v4 =	vadd.s32 v1, v4;
	_ =	sdelay $0x1  }
0x3e1: {  	v3 =	vperm.xlane v3, v2;
	_ =	sdelay $0x1  }
0x3e2: {  	s9 =	simm.s32 $0x6680;
	v3 =	vadd.s32 v1, v3  }
0x3e3: {  	[tilespmem:s9], [sflag:$0x1] =	stream.indirect_vreg.gather [hbm4b:s2+s3], $0x80, v4, vm0, $0xb8;
	[tilespmem:$0x1C680] =	vst v63  }
0x3e4: {  	s10 =	simm.s32 $0x6E80  }
0x3e5: {  	[tilespmem:s10], [sflag:$0x1] =	stream.indirect_vreg.gather [hbm4b:s5+s3], $0x80, v4, vm0, $0xb8;
	[tilespmem:$0x1C680] =	vst v63  }
0x3e6: {  	s12 =	simm.s32 $0x7680  }
0x3e7: {  	[tilespmem:s12], [sflag:$0x1] =	stream.indirect_vreg.gather [hbm4b:s2+s3], $0x80, v3, vm0, $0xb8;
	[tilespmem:$0x1C680] =	vst v63  }
0x3e8: {  	s20 =	simm.s32 $0x7E80  }
0x3e9: {  	[tilespmem:s20], [sflag:$0x1] =	stream.indirect_vreg.gather [hbm4b:s5+s3], $0x80, v3, vm0, $0xb8;
	[tilespmem:$0x1C680] =	vst v63  }
0x3ea: {  	v3 =	vld [tilespmem:s22+$0x40];
	_ =	sdelay $0x4  }
0x3eb: {  	v26 =	vshll.u32 v3, $0x2  }
0x3ec: {  	v3 =	vand.u32 $0x7, v3;
	v4 =	vand.u32 $0xFFFFFFE0, v26  }
0x3ed: {  	v3 =	vor.u32 v3, v4  }
0x3ee: {  	v4 =	vperm.xlane v3, v0;
	_ =	sdelay $0x1  }
0x3ef: {  	v4 =	vadd.s32 v1, v4;
	_ =	sdelay $0x1  }
0x3f0: {  	v3 =	vperm.xlane v3, v2;
	_ =	sdelay $0x1  }
0x3f1: {  	s13 =	simm.s32 $0x8680;
	v3 =	vadd.s32 v1, v3  }
0x3f2: {  	[tilespmem:s13], [sflag:$0x1] =	stream.indirect_vreg.gather [hbm4b:s2+s3], $0x80, v4, vm0, $0xb8;
	[tilespmem:$0x1C680] =	vst v63  }
0x3f3: {  	s13 =	simm.s32 $0x8E80  }
0x3f4: {  	[tilespmem:s13], [sflag:$0x1] =	stream.indirect_vreg.gather [hbm4b:s5+s3], $0x80, v4, vm0, $0xb8;
	[tilespmem:$0x1C680] =	vst v63  }
0x3f5: {  	s14 =	simm.s32 $0x9680  }
0x3f6: {  	[tilespmem:s14], [sflag:$0x1] =	stream.indirect_vreg.gather [hbm4b:s2+s3], $0x80, v3, vm0, $0xb8;
	[tilespmem:$0x1C680] =	vst v63  }
0x3f7: {  	s20 =	simm.s32 $0x9E80  }
0x3f8: {  	[tilespmem:s20], [sflag:$0x1] =	stream.indirect_vreg.gather [hbm4b:s5+s3], $0x80, v3, vm0, $0xb8;
	[tilespmem:$0x1C680] =	vst v63  }
0x3f9: {  	v3 =	vld [tilespmem:s22+$0x50];
	_ =	sdelay $0x4  }
0x3fa: {  	v27 =	vshll.u32 v3, $0x2  }
0x3fb: {  	v3 =	vand.u32 $0x7, v3;
	v4 =	vand.u32 $0xFFFFFFE0, v27  }
0x3fc: {  	v3 =	vor.u32 v3, v4  }
0x3fd: {  	v4 =	vperm.xlane v3, v0;
	_ =	sdelay $0x1  }
0x3fe: {  	v4 =	vadd.s32 v1, v4;
	_ =	sdelay $0x1  }
0x3ff: {  	v3 =	vperm.xlane v3, v2;
	_ =	sdelay $0x1  }
0x400: {  	s14 =	simm.s32 $0xA680;
	v3 =	vadd.s32 v1, v3  }
0x401: {  	[tilespmem:s14], [sflag:$0x1] =	stream.indirect_vreg.gather [hbm4b:s2+s3], $0x80, v4, vm0, $0xb8;
	[tilespmem:$0x1C680] =	vst v63  }
0x402: {  	s15 =	simm.s32 $0xAE80  }
0x403: {  	[tilespmem:s15], [sflag:$0x1] =	stream.indirect_vreg.gather [hbm4b:s5+s3], $0x80, v4, vm0, $0xb8;
	[tilespmem:$0x1C680] =	vst v63  }
0x404: {  	s15 =	simm.s32 $0xB680  }
0x405: {  	[tilespmem:s15], [sflag:$0x1] =	stream.indirect_vreg.gather [hbm4b:s2+s3], $0x80, v3, vm0, $0xb8;
	[tilespmem:$0x1C680] =	vst v63  }
0x406: {  	s1 =	simm.s32 $0xBE80  }
0x407: {  	[tilespmem:s1], [sflag:$0x1] =	stream.indirect_vreg.gather [hbm4b:s5+s3], $0x80, v3, vm0, $0xb8;
	[tilespmem:$0x1C680] =	vst v63  }
0x408: {  	v3 =	vld [tilespmem:s22+$0x60];
	_ =	sdelay $0x4  }
0x409: {  	v28 =	vshll.u32 v3, $0x2  }
0x40a: {  	v3 =	vand.u32 $0x7, v3;
	v4 =	vand.u32 $0xFFFFFFE0, v28  }
0x40b: {  	v3 =	vor.u32 v3, v4  }
0x40c: {  	v4 =	vperm.xlane v3, v0;
	_ =	sdelay $0x1  }
0x40d: {  	v4 =	vadd.s32 v1, v4;
	_ =	sdelay $0x1  }
0x40e: {  	v3 =	vperm.xlane v3, v2;
	_ =	sdelay $0x1  }
0x40f: {  	v3 =	vadd.s32 v1, v3  }
0x410: {  	[tilespmem:s23], [sflag:$0x1] =	stream.indirect_vreg.gather [hbm4b:s2+s3], $0x80, v4, vm0, $0xb8;
	[tilespmem:$0x1C680] =	vst v63  }
0x411: {  	_ = 	snop  }
0x412: {  	[tilespmem:s26], [sflag:$0x1] =	stream.indirect_vreg.gather [hbm4b:s5+s3], $0x80, v4, vm0, $0xb8;
	[tilespmem:$0x1C680] =	vst v63  }
0x413: {  	_ = 	snop  }
0x414: {  	[tilespmem:s28], [sflag:$0x1] =	stream.indirect_vreg.gather [hbm4b:s2+s3], $0x80, v3, vm0, $0xb8;
	[tilespmem:$0x1C680] =	vst v63  }
0x415: {  	s28 =	simm.s32 $0xDE80  }
0x416: {  	[tilespmem:s28], [sflag:$0x1] =	stream.indirect_vreg.gather [hbm4b:s5+s3], $0x80, v3, vm0, $0xb8;
	[tilespmem:$0x1C680] =	vst v63  }
0x417: {  	s1 =	simm.s32 $0xE680;
	s26 =	rddreg [dreg:$0xc]  }
0x418: {  	[hbm4b:s26+s3] =	stream.linear.scatter [tilespmem:s1], [sflag:$0x3], $0xE000, $0x38;
	[tilespmem:$0x1C680] =	vst v63  }
0x419: {  	_ =	swait.ge [sflag:s19], $0xE000  }
0x41a: {  	[sflag:s19] =	ssyncset.done $0x0  }
0x41b: {  	[sflag:s19] =	ssyncadd.s32 $0xFFFF2000  }
0x41c: {  	_ =	swait.ge [sflag:s24], $0xE000  }
0x41d: {  	[sflag:s24] =	ssyncset.done $0x0  }
0x41e: {  	s22 =	rddreg [dreg:$0x1c];
	[sflag:s24] =	ssyncadd.s32 $0xFFFF2000  }
0x41f: {  	v3 =	vld [tilespmem:s22+$0x0];
	_ =	sdelay $0x4  }
0x420: {  	v29 =	vshll.u32 v3, $0x2  }
0x421: {  	v3 =	vand.u32 $0x7, v3;
	v4 =	vand.u32 $0xFFFFFFE0, v29  }
0x422: {  	v3 =	vor.u32 v3, v4  }
0x423: {  	v4 =	vperm.xlane v3, v0;
	_ =	sdelay $0x1  }
0x424: {  	v4 =	vadd.s32 v1, v4;
	_ =	sdelay $0x1  }
0x425: {  	v3 =	vperm.xlane v3, v2;
	_ =	sdelay $0x1  }
0x426: {  	v3 =	vadd.s32 v1, v3  }
0x427: {  	[tilespmem:s1], [sflag:$0x2] =	stream.indirect_vreg.gather [hbm4b:s2+s3], $0x80, v4, vm0, $0xb8;
	[tilespmem:$0x1C680] =	vst v63  }
0x428: {  	s1 =	simm.s32 $0xEE80  }
0x429: {  	[tilespmem:s1], [sflag:$0x2] =	stream.indirect_vreg.gather [hbm4b:s5+s3], $0x80, v4, vm0, $0xb8;
	[tilespmem:$0x1C680] =	vst v63  }
0x42a: {  	s23 =	simm.s32 $0xF680  }
0x42b: {  	[tilespmem:s23], [sflag:$0x2] =	stream.indirect_vreg.gather [hbm4b:s2+s3], $0x80, v3, vm0, $0xb8;
	[tilespmem:$0x1C680] =	vst v63  }
0x42c: {  	_ = 	snop  }
0x42d: {  	[tilespmem:s8], [sflag:$0x2] =	stream.indirect_vreg.gather [hbm4b:s5+s3], $0x80, v3, vm0, $0xb8;
	[tilespmem:$0x1C680] =	vst v63  }
0x42e: {  	v3 =	vld [tilespmem:s22+$0x10];
	_ =	sdelay $0x4  }
0x42f: {  	v30 =	vshll.u32 v3, $0x2  }
0x430: {  	v3 =	vand.u32 $0x7, v3;
	v4 =	vand.u32 $0xFFFFFFE0, v30  }
0x431: {  	v3 =	vor.u32 v3, v4  }
0x432: {  	v4 =	vperm.xlane v3, v0;
	_ =	sdelay $0x1  }
0x433: {  	v4 =	vadd.s32 v1, v4;
	_ =	sdelay $0x1  }
0x434: {  	v3 =	vperm.xlane v3, v2;
	_ =	sdelay $0x1  }
0x435: {  	s26 =	simm.s32 $0x10680;
	v3 =	vadd.s32 v1, v3  }
0x436: {  	[tilespmem:s26], [sflag:$0x2] =	stream.indirect_vreg.gather [hbm4b:s2+s3], $0x80, v4, vm0, $0xb8;
	[tilespmem:$0x1C680] =	vst v63  }
0x437: {  	s26 =	simm.s32 $0x10E80  }
0x438: {  	[tilespmem:s26], [sflag:$0x2] =	stream.indirect_vreg.gather [hbm4b:s5+s3], $0x80, v4, vm0, $0xb8;
	[tilespmem:$0x1C680] =	vst v63  }
0x439: {  	_ = 	snop  }
0x43a: {  	[tilespmem:s0], [sflag:$0x2] =	stream.indirect_vreg.gather [hbm4b:s2+s3], $0x80, v3, vm0, $0xb8;
	[tilespmem:$0x1C680] =	vst v63  }
0x43b: {  	s28 =	simm.s32 $0x11E80  }
0x43c: {  	[tilespmem:s28], [sflag:$0x2] =	stream.indirect_vreg.gather [hbm4b:s5+s3], $0x80, v3, vm0, $0xb8;
	[tilespmem:$0x1C680] =	vst v63  }
0x43d: {  	v3 =	vld [tilespmem:s22+$0x20];
	_ =	sdelay $0x4  }
0x43e: {  	v31 =	vshll.u32 v3, $0x2  }
0x43f: {  	v3 =	vand.u32 $0x7, v3;
	v4 =	vand.u32 $0xFFFFFFE0, v31  }
0x440: {  	v3 =	vor.u32 v3, v4  }
0x441: {  	v4 =	vperm.xlane v3, v0;
	_ =	sdelay $0x1  }
0x442: {  	v4 =	vadd.s32 v1, v4;
	_ =	sdelay $0x1  }
0x443: {  	v3 =	vperm.xlane v3, v2;
	_ =	sdelay $0x1  }
0x444: {  	s28 =	simm.s32 $0x12680;
	v3 =	vadd.s32 v1, v3  }
0x445: {  	[tilespmem:s28], [sflag:$0x2] =	stream.indirect_vreg.gather [hbm4b:s2+s3], $0x80, v4, vm0, $0xb8;
	[tilespmem:$0x1C680] =	vst v63  }
0x446: {  	s28 =	simm.s32 $0x12E80  }
0x447: {  	[tilespmem:s28], [sflag:$0x2] =	stream.indirect_vreg.gather [hbm4b:s5+s3], $0x80, v4, vm0, $0xb8;
	[tilespmem:$0x1C680] =	vst v63  }
0x448: {  	s28 =	simm.s32 $0x13680  }
0x449: {  	[tilespmem:s28], [sflag:$0x2] =	stream.indirect_vreg.gather [hbm4b:s2+s3], $0x80, v3, vm0, $0xb8;
	[tilespmem:$0x1C680] =	vst v63  }
0x44a: {  	_ = 	snop  }
0x44b: {  	[tilespmem:s6], [sflag:$0x2] =	stream.indirect_vreg.gather [hbm4b:s5+s3], $0x80, v3, vm0, $0xb8;
	[tilespmem:$0x1C680] =	vst v63  }
0x44c: {  	v3 =	vld [tilespmem:s22+$0x30];
	_ =	sdelay $0x4  }
0x44d: {  	v32 =	vshll.u32 v3, $0x2  }
0x44e: {  	v3 =	vand.u32 $0x7, v3;
	v4 =	vand.u32 $0xFFFFFFE0, v32  }
0x44f: {  	v3 =	vor.u32 v3, v4  }
0x450: {  	v4 =	vperm.xlane v3, v0;
	_ =	sdelay $0x1  }
0x451: {  	v4 =	vadd.s32 v1, v4;
	_ =	sdelay $0x1  }
0x452: {  	v3 =	vperm.xlane v3, v2;
	_ =	sdelay $0x1  }
0x453: {  	s6 =	simm.s32 $0x14680;
	v3 =	vadd.s32 v1, v3  }
0x454: {  	[tilespmem:s6], [sflag:$0x2] =	stream.indirect_vreg.gather [hbm4b:s2+s3], $0x80, v4, vm0, $0xb8;
	[tilespmem:$0x1C680] =	vst v63  }
0x455: {  	s28 =	simm.s32 $0x14E80  }
0x456: {  	[tilespmem:s28], [sflag:$0x2] =	stream.indirect_vreg.gather [hbm4b:s5+s3], $0x80, v4, vm0, $0xb8;
	[tilespmem:$0x1C680] =	vst v63  }
0x457: {  	s28 =	simm.s32 $0x15680  }
0x458: {  	[tilespmem:s28], [sflag:$0x2] =	stream.indirect_vreg.gather [hbm4b:s2+s3], $0x80, v3, vm0, $0xb8;
	[tilespmem:$0x1C680] =	vst v63  }
0x459: {  	_ = 	snop  }
0x45a: {  	[tilespmem:s7], [sflag:$0x2] =	stream.indirect_vreg.gather [hbm4b:s5+s3], $0x80, v3, vm0, $0xb8;
	[tilespmem:$0x1C680] =	vst v63  }
0x45b: {  	v3 =	vld [tilespmem:s22+$0x40];
	_ =	sdelay $0x4  }
0x45c: {  	v33 =	vshll.u32 v3, $0x2  }
0x45d: {  	v3 =	vand.u32 $0x7, v3;
	v4 =	vand.u32 $0xFFFFFFE0, v33  }
0x45e: {  	v3 =	vor.u32 v3, v4  }
0x45f: {  	v4 =	vperm.xlane v3, v0;
	_ =	sdelay $0x1  }
0x460: {  	v4 =	vadd.s32 v1, v4;
	_ =	sdelay $0x1  }
0x461: {  	v3 =	vperm.xlane v3, v2;
	_ =	sdelay $0x1  }
0x462: {  	s7 =	simm.s32 $0x16680;
	v3 =	vadd.s32 v1, v3  }
0x463: {  	[tilespmem:s7], [sflag:$0x2] =	stream.indirect_vreg.gather [hbm4b:s2+s3], $0x80, v4, vm0, $0xb8;
	[tilespmem:$0x1C680] =	vst v63  }
0x464: {  	s28 =	simm.s32 $0x16E80  }
0x465: {  	[tilespmem:s28], [sflag:$0x2] =	stream.indirect_vreg.gather [hbm4b:s5+s3], $0x80, v4, vm0, $0xb8;
	[tilespmem:$0x1C680] =	vst v63  }
0x466: {  	s28 =	simm.s32 $0x17680  }
0x467: {  	[tilespmem:s28], [sflag:$0x2] =	stream.indirect_vreg.gather [hbm4b:s2+s3], $0x80, v3, vm0, $0xb8;
	[tilespmem:$0x1C680] =	vst v63  }
0x468: {  	s28 =	simm.s32 $0x17E80  }
0x469: {  	[tilespmem:s28], [sflag:$0x2] =	stream.indirect_vreg.gather [hbm4b:s5+s3], $0x80, v3, vm0, $0xb8;
	[tilespmem:$0x1C680] =	vst v63  }
0x46a: {  	v3 =	vld [tilespmem:s22+$0x50];
	_ =	sdelay $0x4  }
0x46b: {  	v34 =	vshll.u32 v3, $0x2  }
0x46c: {  	v3 =	vand.u32 $0x7, v3;
	v4 =	vand.u32 $0xFFFFFFE0, v34  }
0x46d: {  	v3 =	vor.u32 v3, v4  }
0x46e: {  	v4 =	vperm.xlane v3, v0;
	_ =	sdelay $0x1  }
0x46f: {  	v4 =	vadd.s32 v1, v4;
	_ =	sdelay $0x1  }
0x470: {  	v3 =	vperm.xlane v3, v2;
	_ =	sdelay $0x1  }
0x471: {  	s0 =	simm.s32 $0x18680;
	v3 =	vadd.s32 v1, v3  }
0x472: {  	[tilespmem:s0], [sflag:$0x2] =	stream.indirect_vreg.gather [hbm4b:s2+s3], $0x80, v4, vm0, $0xb8;
	[tilespmem:$0x1C680] =	vst v63  }
0x473: {  	_ = 	snop  }
0x474: {  	[tilespmem:s11], [sflag:$0x2] =	stream.indirect_vreg.gather [hbm4b:s5+s3], $0x80, v4, vm0, $0xb8;
	[tilespmem:$0x1C680] =	vst v63  }
0x475: {  	s28 =	simm.s32 $0x19680  }
0x476: {  	[tilespmem:s28], [sflag:$0x2] =	stream.indirect_vreg.gather [hbm4b:s2+s3], $0x80, v3, vm0, $0xb8;
	[tilespmem:$0x1C680] =	vst v63  }
0x477: {  	s28 =	simm.s32 $0x19E80  }
0x478: {  	[tilespmem:s28], [sflag:$0x2] =	stream.indirect_vreg.gather [hbm4b:s5+s3], $0x80, v3, vm0, $0xb8;
	[tilespmem:$0x1C680] =	vst v63  }
0x479: {  	v3 =	vld [tilespmem:s22+$0x60];
	_ =	sdelay $0x4  }
0x47a: {  	v35 =	vshll.u32 v3, $0x2  }
0x47b: {  	v3 =	vand.u32 $0x7, v3;
	v4 =	vand.u32 $0xFFFFFFE0, v35  }
0x47c: {  	v3 =	vor.u32 v3, v4  }
0x47d: {  	v4 =	vperm.xlane v3, v0;
	_ =	sdelay $0x1  }
0x47e: {  	v4 =	vadd.s32 v1, v4;
	_ =	sdelay $0x1  }
0x47f: {  	v3 =	vperm.xlane v3, v2;
	_ =	sdelay $0x1  }
0x480: {  	s22 =	simm.s32 $0x1A680;
	v3 =	vadd.s32 v1, v3  }
0x481: {  	[tilespmem:s22], [sflag:$0x2] =	stream.indirect_vreg.gather [hbm4b:s2+s3], $0x80, v4, vm0, $0xb8;
	[tilespmem:$0x1C680] =	vst v63  }
0x482: {  	s28 =	simm.s32 $0x1AE80  }
0x483: {  	[tilespmem:s28], [sflag:$0x2] =	stream.indirect_vreg.gather [hbm4b:s5+s3], $0x80, v4, vm0, $0xb8;
	[tilespmem:$0x1C680] =	vst v63  }
0x484: {  	s22 =	simm.s32 $0x1B680  }
0x485: {  	[tilespmem:s22], [sflag:$0x2] =	stream.indirect_vreg.gather [hbm4b:s2+s3], $0x80, v3, vm0, $0xb8;
	[tilespmem:$0x1C680] =	vst v63  }
0x486: {  	s28 =	simm.s32 $0x1BE80  }
0x487: {  	[tilespmem:s28], [sflag:$0x2] =	stream.indirect_vreg.gather [hbm4b:s5+s3], $0x80, v3, vm0, $0xb8;
	[tilespmem:$0x1C680] =	vst v63  }
0x488: {  	s4 =	simm.s32 $0x680;
	s22 =	rddreg [dreg:$0xd]  }
0x489: {  	[hbm4b:s22+s3] =	stream.linear.scatter [tilespmem:s4], [sflag:$0x3], $0xE000, $0x38;
	[tilespmem:$0x1C680] =	vst v63  }
0x48a: {  	_ =	swait.ge [sflag:s19], $0xE000  }
0x48b: {  	[sflag:s19] =	ssyncset.done $0x0  }
0x48c: {  	[sflag:s19] =	ssyncadd.s32 $0xFFFF2000  }
0x48d: {  	_ =	swait.ge [sflag:s21], $0xE000  }
0x48e: {  	[sflag:s21] =	ssyncset.done $0x0  }
0x48f: {  	s22 =	rddreg [dreg:$0x1d];
	[sflag:s21] =	ssyncadd.s32 $0xFFFF2000  }
0x490: {  	v3 =	vld [tilespmem:s22+$0x0];
	_ =	sdelay $0x4  }
0x491: {  	v36 =	vshll.u32 v3, $0x2  }
0x492: {  	v3 =	vand.u32 $0x7, v3;
	v4 =	vand.u32 $0xFFFFFFE0, v36  }
0x493: {  	v3 =	vor.u32 v3, v4  }
0x494: {  	v4 =	vperm.xlane v3, v0;
	_ =	sdelay $0x1  }
0x495: {  	v4 =	vadd.s32 v1, v4;
	_ =	sdelay $0x1  }
0x496: {  	v3 =	vperm.xlane v3, v2;
	_ =	sdelay $0x1  }
0x497: {  	v3 =	vadd.s32 v1, v3  }
0x498: {  	[tilespmem:s4], [sflag:$0x1] =	stream.indirect_vreg.gather [hbm4b:s2+s3], $0x80, v4, vm0, $0xb8;
	[tilespmem:$0x1C680] =	vst v63  }
0x499: {  	_ = 	snop  }
0x49a: {  	[tilespmem:s25], [sflag:$0x1] =	stream.indirect_vreg.gather [hbm4b:s5+s3], $0x80, v4, vm0, $0xb8;
	[tilespmem:$0x1C680] =	vst v63  }
0x49b: {  	_ = 	snop  }
0x49c: {  	[tilespmem:s18], [sflag:$0x1] =	stream.indirect_vreg.gather [hbm4b:s2+s3], $0x80, v3, vm0, $0xb8;
	[tilespmem:$0x1C680] =	vst v63  }
0x49d: {  	_ = 	snop  }
0x49e: {  	[tilespmem:s16], [sflag:$0x1] =	stream.indirect_vreg.gather [hbm4b:s5+s3], $0x80, v3, vm0, $0xb8;
	[tilespmem:$0x1C680] =	vst v63  }
0x49f: {  	v3 =	vld [tilespmem:s22+$0x10];
	_ =	sdelay $0x4  }
0x4a0: {  	v37 =	vshll.u32 v3, $0x2  }
0x4a1: {  	v3 =	vand.u32 $0x7, v3;
	v4 =	vand.u32 $0xFFFFFFE0, v37  }
0x4a2: {  	v3 =	vor.u32 v3, v4  }
0x4a3: {  	v4 =	vperm.xlane v3, v0;
	_ =	sdelay $0x1  }
0x4a4: {  	v4 =	vadd.s32 v1, v4;
	_ =	sdelay $0x1  }
0x4a5: {  	v3 =	vperm.xlane v3, v2;
	_ =	sdelay $0x1  }
0x4a6: {  	v3 =	vadd.s32 v1, v3  }
0x4a7: {  	[tilespmem:s29], [sflag:$0x1] =	stream.indirect_vreg.gather [hbm4b:s2+s3], $0x80, v4, vm0, $0xb8;
	[tilespmem:$0x1C680] =	vst v63  }
0x4a8: {  	_ = 	snop  }
0x4a9: {  	[tilespmem:s30], [sflag:$0x1] =	stream.indirect_vreg.gather [hbm4b:s5+s3], $0x80, v4, vm0, $0xb8;
	[tilespmem:$0x1C680] =	vst v63  }
0x4aa: {  	_ = 	snop  }
0x4ab: {  	[tilespmem:s31], [sflag:$0x1] =	stream.indirect_vreg.gather [hbm4b:s2+s3], $0x80, v3, vm0, $0xb8;
	[tilespmem:$0x1C680] =	vst v63  }
0x4ac: {  	s11 =	simm.s32 $0x3E80  }
0x4ad: {  	[tilespmem:s11], [sflag:$0x1] =	stream.indirect_vreg.gather [hbm4b:s5+s3], $0x80, v3, vm0, $0xb8;
	[tilespmem:$0x1C680] =	vst v63  }
0x4ae: {  	v3 =	vld [tilespmem:s22+$0x20];
	_ =	sdelay $0x4  }
0x4af: {  	v38 =	vshll.u32 v3, $0x2  }
0x4b0: {  	v3 =	vand.u32 $0x7, v3;
	v4 =	vand.u32 $0xFFFFFFE0, v38  }
0x4b1: {  	v3 =	vor.u32 v3, v4  }
0x4b2: {  	v4 =	vperm.xlane v3, v0;
	_ =	sdelay $0x1  }
0x4b3: {  	v4 =	vadd.s32 v1, v4;
	_ =	sdelay $0x1  }
0x4b4: {  	v3 =	vperm.xlane v3, v2;
	_ =	sdelay $0x1  }
0x4b5: {  	s16 =	simm.s32 $0x4680;
	v3 =	vadd.s32 v1, v3  }
0x4b6: {  	[tilespmem:s16], [sflag:$0x1] =	stream.indirect_vreg.gather [hbm4b:s2+s3], $0x80, v4, vm0, $0xb8;
	[tilespmem:$0x1C680] =	vst v63  }
0x4b7: {  	s28 =	simm.s32 $0x4E80  }
0x4b8: {  	[tilespmem:s28], [sflag:$0x1] =	stream.indirect_vreg.gather [hbm4b:s5+s3], $0x80, v4, vm0, $0xb8;
	[tilespmem:$0x1C680] =	vst v63  }
0x4b9: {  	s11 =	simm.s32 $0x5680  }
0x4ba: {  	[tilespmem:s11], [sflag:$0x1] =	stream.indirect_vreg.gather [hbm4b:s2+s3], $0x80, v3, vm0, $0xb8;
	[tilespmem:$0x1C680] =	vst v63  }
0x4bb: {  	_ = 	snop  }
0x4bc: {  	[tilespmem:s17], [sflag:$0x1] =	stream.indirect_vreg.gather [hbm4b:s5+s3], $0x80, v3, vm0, $0xb8;
	[tilespmem:$0x1C680] =	vst v63  }
0x4bd: {  	v3 =	vld [tilespmem:s22+$0x30];
	_ =	sdelay $0x4  }
0x4be: {  	v39 =	vshll.u32 v3, $0x2  }
0x4bf: {  	v3 =	vand.u32 $0x7, v3;
	v4 =	vand.u32 $0xFFFFFFE0, v39  }
0x4c0: {  	v3 =	vor.u32 v3, v4  }
0x4c1: {  	v4 =	vperm.xlane v3, v0;
	_ =	sdelay $0x1  }
0x4c2: {  	v4 =	vadd.s32 v1, v4;
	_ =	sdelay $0x1  }
0x4c3: {  	v3 =	vperm.xlane v3, v2;
	_ =	sdelay $0x1  }
0x4c4: {  	v3 =	vadd.s32 v1, v3  }
0x4c5: {  	[tilespmem:s9], [sflag:$0x1] =	stream.indirect_vreg.gather [hbm4b:s2+s3], $0x80, v4, vm0, $0xb8;
	[tilespmem:$0x1C680] =	vst v63  }
0x4c6: {  	_ = 	snop  }
0x4c7: {  	[tilespmem:s10], [sflag:$0x1] =	stream.indirect_vreg.gather [hbm4b:s5+s3], $0x80, v4, vm0, $0xb8;
	[tilespmem:$0x1C680] =	vst v63  }
0x4c8: {  	_ = 	snop  }
0x4c9: {  	[tilespmem:s12], [sflag:$0x1] =	stream.indirect_vreg.gather [hbm4b:s2+s3], $0x80, v3, vm0, $0xb8;
	[tilespmem:$0x1C680] =	vst v63  }
0x4ca: {  	s12 =	simm.s32 $0x7E80  }
0x4cb: {  	[tilespmem:s12], [sflag:$0x1] =	stream.indirect_vreg.gather [hbm4b:s5+s3], $0x80, v3, vm0, $0xb8;
	[tilespmem:$0x1C680] =	vst v63  }
0x4cc: {  	v3 =	vld [tilespmem:s22+$0x40];
	_ =	sdelay $0x4  }
0x4cd: {  	v40 =	vshll.u32 v3, $0x2  }
0x4ce: {  	v3 =	vand.u32 $0x7, v3;
	v4 =	vand.u32 $0xFFFFFFE0, v40  }
0x4cf: {  	v3 =	vor.u32 v3, v4  }
0x4d0: {  	v4 =	vperm.xlane v3, v0;
	_ =	sdelay $0x1  }
0x4d1: {  	v4 =	vadd.s32 v1, v4;
	_ =	sdelay $0x1  }
0x4d2: {  	v3 =	vperm.xlane v3, v2;
	_ =	sdelay $0x1  }
0x4d3: {  	s16 =	simm.s32 $0x8680;
	v3 =	vadd.s32 v1, v3  }
0x4d4: {  	[tilespmem:s16], [sflag:$0x1] =	stream.indirect_vreg.gather [hbm4b:s2+s3], $0x80, v4, vm0, $0xb8;
	[tilespmem:$0x1C680] =	vst v63  }
0x4d5: {  	_ = 	snop  }
0x4d6: {  	[tilespmem:s13], [sflag:$0x1] =	stream.indirect_vreg.gather [hbm4b:s5+s3], $0x80, v4, vm0, $0xb8;
	[tilespmem:$0x1C680] =	vst v63  }
0x4d7: {  	s28 =	simm.s32 $0x9680  }
0x4d8: {  	[tilespmem:s28], [sflag:$0x1] =	stream.indirect_vreg.gather [hbm4b:s2+s3], $0x80, v3, vm0, $0xb8;
	[tilespmem:$0x1C680] =	vst v63  }
0x4d9: {  	_ = 	snop  }
0x4da: {  	[tilespmem:s20], [sflag:$0x1] =	stream.indirect_vreg.gather [hbm4b:s5+s3], $0x80, v3, vm0, $0xb8;
	[tilespmem:$0x1C680] =	vst v63  }
0x4db: {  	v3 =	vld [tilespmem:s22+$0x50];
	_ =	sdelay $0x4  }
0x4dc: {  	v41 =	vshll.u32 v3, $0x2  }
0x4dd: {  	v3 =	vand.u32 $0x7, v3;
	v4 =	vand.u32 $0xFFFFFFE0, v41  }
0x4de: {  	v3 =	vor.u32 v3, v4  }
0x4df: {  	v4 =	vperm.xlane v3, v0;
	_ =	sdelay $0x1  }
0x4e0: {  	v4 =	vadd.s32 v1, v4;
	_ =	sdelay $0x1  }
0x4e1: {  	v3 =	vperm.xlane v3, v2;
	_ =	sdelay $0x1  }
0x4e2: {  	v3 =	vadd.s32 v1, v3  }
0x4e3: {  	[tilespmem:s14], [sflag:$0x1] =	stream.indirect_vreg.gather [hbm4b:s2+s3], $0x80, v4, vm0, $0xb8;
	[tilespmem:$0x1C680] =	vst v63  }
0x4e4: {  	s9 =	simm.s32 $0xAE80  }
0x4e5: {  	[tilespmem:s9], [sflag:$0x1] =	stream.indirect_vreg.gather [hbm4b:s5+s3], $0x80, v4, vm0, $0xb8;
	[tilespmem:$0x1C680] =	vst v63  }
0x4e6: {  	_ = 	snop  }
0x4e7: {  	[tilespmem:s15], [sflag:$0x1] =	stream.indirect_vreg.gather [hbm4b:s2+s3], $0x80, v3, vm0, $0xb8;
	[tilespmem:$0x1C680] =	vst v63  }
0x4e8: {  	s10 =	simm.s32 $0xBE80  }
0x4e9: {  	[tilespmem:s10], [sflag:$0x1] =	stream.indirect_vreg.gather [hbm4b:s5+s3], $0x80, v3, vm0, $0xb8;
	[tilespmem:$0x1C680] =	vst v63  }
0x4ea: {  	v3 =	vld [tilespmem:s22+$0x60];
	_ =	sdelay $0x4  }
0x4eb: {  	v42 =	vshll.u32 v3, $0x2  }
0x4ec: {  	v3 =	vand.u32 $0x7, v3;
	v4 =	vand.u32 $0xFFFFFFE0, v42  }
0x4ed: {  	v3 =	vor.u32 v3, v4  }
0x4ee: {  	v4 =	vperm.xlane v3, v0;
	_ =	sdelay $0x1  }
0x4ef: {  	v4 =	vadd.s32 v1, v4;
	_ =	sdelay $0x1  }
0x4f0: {  	v3 =	vperm.xlane v3, v2;
	_ =	sdelay $0x1  }
0x4f1: {  	s11 =	simm.s32 $0xC680;
	v3 =	vadd.s32 v1, v3  }
0x4f2: {  	[tilespmem:s11], [sflag:$0x1] =	stream.indirect_vreg.gather [hbm4b:s2+s3], $0x80, v4, vm0, $0xb8;
	[tilespmem:$0x1C680] =	vst v63  }
0x4f3: {  	s12 =	simm.s32 $0xCE80  }
0x4f4: {  	[tilespmem:s12], [sflag:$0x1] =	stream.indirect_vreg.gather [hbm4b:s5+s3], $0x80, v4, vm0, $0xb8;
	[tilespmem:$0x1C680] =	vst v63  }
0x4f5: {  	s13 =	simm.s32 $0xD680  }
0x4f6: {  	[tilespmem:s13], [sflag:$0x1] =	stream.indirect_vreg.gather [hbm4b:s2+s3], $0x80, v3, vm0, $0xb8;
	[tilespmem:$0x1C680] =	vst v63  }
0x4f7: {  	s15 =	simm.s32 $0xDE80  }
0x4f8: {  	[tilespmem:s15], [sflag:$0x1] =	stream.indirect_vreg.gather [hbm4b:s5+s3], $0x80, v3, vm0, $0xb8;
	[tilespmem:$0x1C680] =	vst v63  }
0x4f9: {  	s16 =	simm.s32 $0xE680;
	s14 =	rddreg [dreg:$0xe]  }
0x4fa: {  	[hbm4b:s14+s3] =	stream.linear.scatter [tilespmem:s16], [sflag:$0x3], $0xE000, $0x38;
	[tilespmem:$0x1C680] =	vst v63  }
0x4fb: {  	_ =	swait.ge [sflag:s19], $0xE000  }
0x4fc: {  	[sflag:s19] =	ssyncset.done $0x0  }
0x4fd: {  	[sflag:s19] =	ssyncadd.s32 $0xFFFF2000  }
0x4fe: {  	_ =	swait.ge [sflag:s24], $0xE000  }
0x4ff: {  	[sflag:s24] =	ssyncset.done $0x0  }
0x500: {  	s22 =	rddreg [dreg:$0x1e];
	[sflag:s24] =	ssyncadd.s32 $0xFFFF2000  }
0x501: {  	v3 =	vld [tilespmem:s22+$0x0];
	_ =	sdelay $0x4  }
0x502: {  	v43 =	vshll.u32 v3, $0x2  }
0x503: {  	v3 =	vand.u32 $0x7, v3;
	v4 =	vand.u32 $0xFFFFFFE0, v43  }
0x504: {  	v3 =	vor.u32 v3, v4  }
0x505: {  	v4 =	vperm.xlane v3, v0;
	_ =	sdelay $0x1  }
0x506: {  	v4 =	vadd.s32 v1, v4;
	_ =	sdelay $0x1  }
0x507: {  	v3 =	vperm.xlane v3, v2;
	_ =	sdelay $0x1  }
0x508: {  	v3 =	vadd.s32 v1, v3  }
0x509: {  	[tilespmem:s16], [sflag:$0x2] =	stream.indirect_vreg.gather [hbm4b:s2+s3], $0x80, v4, vm0, $0xb8;
	[tilespmem:$0x1C680] =	vst v63  }
0x50a: {  	_ = 	snop  }
0x50b: {  	[tilespmem:s1], [sflag:$0x2] =	stream.indirect_vreg.gather [hbm4b:s5+s3], $0x80, v4, vm0, $0xb8;
	[tilespmem:$0x1C680] =	vst v63  }
0x50c: {  	_ = 	snop  }
0x50d: {  	[tilespmem:s23], [sflag:$0x2] =	stream.indirect_vreg.gather [hbm4b:s2+s3], $0x80, v3, vm0, $0xb8;
	[tilespmem:$0x1C680] =	vst v63  }
0x50e: {  	s28 =	simm.s32 $0xFE80  }
0x50f: {  	[tilespmem:s28], [sflag:$0x2] =	stream.indirect_vreg.gather [hbm4b:s5+s3], $0x80, v3, vm0, $0xb8;
	[tilespmem:$0x1C680] =	vst v63  }
0x510: {  	v3 =	vld [tilespmem:s22+$0x10];
	_ =	sdelay $0x4  }
0x511: {  	v44 =	vshll.u32 v3, $0x2  }
0x512: {  	v3 =	vand.u32 $0x7, v3;
	v4 =	vand.u32 $0xFFFFFFE0, v44  }
0x513: {  	v3 =	vor.u32 v3, v4  }
0x514: {  	v4 =	vperm.xlane v3, v0;
	_ =	sdelay $0x1  }
0x515: {  	v4 =	vadd.s32 v1, v4;
	_ =	sdelay $0x1  }
0x516: {  	v3 =	vperm.xlane v3, v2;
	_ =	sdelay $0x1  }
0x517: {  	s4 =	simm.s32 $0x10680;
	v3 =	vadd.s32 v1, v3  }
0x518: {  	[tilespmem:s4], [sflag:$0x2] =	stream.indirect_vreg.gather [hbm4b:s2+s3], $0x80, v4, vm0, $0xb8;
	[tilespmem:$0x1C680] =	vst v63  }
0x519: {  	_ = 	snop  }
0x51a: {  	[tilespmem:s26], [sflag:$0x2] =	stream.indirect_vreg.gather [hbm4b:s5+s3], $0x80, v4, vm0, $0xb8;
	[tilespmem:$0x1C680] =	vst v63  }
0x51b: {  	s8 =	simm.s32 $0x11680  }
0x51c: {  	[tilespmem:s8], [sflag:$0x2] =	stream.indirect_vreg.gather [hbm4b:s2+s3], $0x80, v3, vm0, $0xb8;
	[tilespmem:$0x1C680] =	vst v63  }
0x51d: {  	s8 =	simm.s32 $0x11E80  }
0x51e: {  	[tilespmem:s8], [sflag:$0x2] =	stream.indirect_vreg.gather [hbm4b:s5+s3], $0x80, v3, vm0, $0xb8;
	[tilespmem:$0x1C680] =	vst v63  }
0x51f: {  	v3 =	vld [tilespmem:s22+$0x20];
	_ =	sdelay $0x4  }
0x520: {  	v45 =	vshll.u32 v3, $0x2  }
0x521: {  	v3 =	vand.u32 $0x7, v3;
	v4 =	vand.u32 $0xFFFFFFE0, v45  }
0x522: {  	v3 =	vor.u32 v3, v4  }
0x523: {  	v4 =	vperm.xlane v3, v0;
	_ =	sdelay $0x1  }
0x524: {  	v4 =	vadd.s32 v1, v4;
	_ =	sdelay $0x1  }
0x525: {  	v3 =	vperm.xlane v3, v2;
	_ =	sdelay $0x1  }
0x526: {  	s9 =	simm.s32 $0x12680;
	v3 =	vadd.s32 v1, v3  }
0x527: {  	[tilespmem:s9], [sflag:$0x2] =	stream.indirect_vreg.gather [hbm4b:s2+s3], $0x80, v4, vm0, $0xb8;
	[tilespmem:$0x1C680] =	vst v63  }
0x528: {  	s10 =	simm.s32 $0x12E80  }
0x529: {  	[tilespmem:s10], [sflag:$0x2] =	stream.indirect_vreg.gather [hbm4b:s5+s3], $0x80, v4, vm0, $0xb8;
	[tilespmem:$0x1C680] =	vst v63  }
0x52a: {  	s1 =	simm.s32 $0x13680  }
0x52b: {  	[tilespmem:s1], [sflag:$0x2] =	stream.indirect_vreg.gather [hbm4b:s2+s3], $0x80, v3, vm0, $0xb8;
	[tilespmem:$0x1C680] =	vst v63  }
0x52c: {  	s14 =	simm.s32 $0x13E80  }
0x52d: {  	[tilespmem:s14], [sflag:$0x2] =	stream.indirect_vreg.gather [hbm4b:s5+s3], $0x80, v3, vm0, $0xb8;
	[tilespmem:$0x1C680] =	vst v63  }
0x52e: {  	v3 =	vld [tilespmem:s22+$0x30];
	_ =	sdelay $0x4  }
0x52f: {  	v46 =	vshll.u32 v3, $0x2  }
0x530: {  	v3 =	vand.u32 $0x7, v3;
	v4 =	vand.u32 $0xFFFFFFE0, v46  }
0x531: {  	v3 =	vor.u32 v3, v4  }
0x532: {  	v4 =	vperm.xlane v3, v0;
	_ =	sdelay $0x1  }
0x533: {  	v4 =	vadd.s32 v1, v4;
	_ =	sdelay $0x1  }
0x534: {  	v3 =	vperm.xlane v3, v2;
	_ =	sdelay $0x1  }
0x535: {  	v3 =	vadd.s32 v1, v3  }
0x536: {  	[tilespmem:s6], [sflag:$0x2] =	stream.indirect_vreg.gather [hbm4b:s2+s3], $0x80, v4, vm0, $0xb8;
	[tilespmem:$0x1C680] =	vst v63  }
0x537: {  	s11 =	simm.s32 $0x14E80  }
0x538: {  	[tilespmem:s11], [sflag:$0x2] =	stream.indirect_vreg.gather [hbm4b:s5+s3], $0x80, v4, vm0, $0xb8;
	[tilespmem:$0x1C680] =	vst v63  }
0x539: {  	s4 =	simm.s32 $0x15680  }
0x53a: {  	[tilespmem:s4], [sflag:$0x2] =	stream.indirect_vreg.gather [hbm4b:s2+s3], $0x80, v3, vm0, $0xb8;
	[tilespmem:$0x1C680] =	vst v63  }
0x53b: {  	s15 =	simm.s32 $0x15E80  }
0x53c: {  	[tilespmem:s15], [sflag:$0x2] =	stream.indirect_vreg.gather [hbm4b:s5+s3], $0x80, v3, vm0, $0xb8;
	[tilespmem:$0x1C680] =	vst v63  }
0x53d: {  	v3 =	vld [tilespmem:s22+$0x40];
	_ =	sdelay $0x4  }
0x53e: {  	v47 =	vshll.u32 v3, $0x2  }
0x53f: {  	v3 =	vand.u32 $0x7, v3;
	v4 =	vand.u32 $0xFFFFFFE0, v47  }
0x540: {  	v3 =	vor.u32 v3, v4  }
0x541: {  	v4 =	vperm.xlane v3, v0;
	_ =	sdelay $0x1  }
0x542: {  	v4 =	vadd.s32 v1, v4;
	_ =	sdelay $0x1  }
0x543: {  	v3 =	vperm.xlane v3, v2;
	_ =	sdelay $0x1  }
0x544: {  	v3 =	vadd.s32 v1, v3  }
0x545: {  	[tilespmem:s7], [sflag:$0x2] =	stream.indirect_vreg.gather [hbm4b:s2+s3], $0x80, v4, vm0, $0xb8;
	[tilespmem:$0x1C680] =	vst v63  }
0x546: {  	s12 =	simm.s32 $0x16E80  }
0x547: {  	[tilespmem:s12], [sflag:$0x2] =	stream.indirect_vreg.gather [hbm4b:s5+s3], $0x80, v4, vm0, $0xb8;
	[tilespmem:$0x1C680] =	vst v63  }
0x548: {  	s6 =	simm.s32 $0x17680  }
0x549: {  	[tilespmem:s6], [sflag:$0x2] =	stream.indirect_vreg.gather [hbm4b:s2+s3], $0x80, v3, vm0, $0xb8;
	[tilespmem:$0x1C680] =	vst v63  }
0x54a: {  	s13 =	simm.s32 $0x17E80  }
0x54b: {  	[tilespmem:s13], [sflag:$0x2] =	stream.indirect_vreg.gather [hbm4b:s5+s3], $0x80, v3, vm0, $0xb8;
	[tilespmem:$0x1C680] =	vst v63  }
0x54c: {  	v3 =	vld [tilespmem:s22+$0x50];
	_ =	sdelay $0x4  }
0x54d: {  	v48 =	vshll.u32 v3, $0x2  }
0x54e: {  	v3 =	vand.u32 $0x7, v3;
	v4 =	vand.u32 $0xFFFFFFE0, v48  }
0x54f: {  	v3 =	vor.u32 v3, v4  }
0x550: {  	v4 =	vperm.xlane v3, v0;
	_ =	sdelay $0x1  }
0x551: {  	v4 =	vadd.s32 v1, v4;
	_ =	sdelay $0x1  }
0x552: {  	v3 =	vperm.xlane v3, v2;
	_ =	sdelay $0x1  }
0x553: {  	v3 =	vadd.s32 v1, v3  }
0x554: {  	[tilespmem:s0], [sflag:$0x2] =	stream.indirect_vreg.gather [hbm4b:s2+s3], $0x80, v4, vm0, $0xb8;
	[tilespmem:$0x1C680] =	vst v63  }
0x555: {  	s0 =	simm.s32 $0x18E80  }
0x556: {  	[tilespmem:s0], [sflag:$0x2] =	stream.indirect_vreg.gather [hbm4b:s5+s3], $0x80, v4, vm0, $0xb8;
	[tilespmem:$0x1C680] =	vst v63  }
0x557: {  	s8 =	simm.s32 $0x19680  }
0x558: {  	[tilespmem:s8], [sflag:$0x2] =	stream.indirect_vreg.gather [hbm4b:s2+s3], $0x80, v3, vm0, $0xb8;
	[tilespmem:$0x1C680] =	vst v63  }
0x559: {  	s11 =	simm.s32 $0x19E80  }
0x55a: {  	[tilespmem:s11], [sflag:$0x2] =	stream.indirect_vreg.gather [hbm4b:s5+s3], $0x80, v3, vm0, $0xb8;
	[tilespmem:$0x1C680] =	vst v63  }
0x55b: {  	v3 =	vld [tilespmem:s22+$0x60];
	_ =	sdelay $0x4  }
0x55c: {  	v49 =	vshll.u32 v3, $0x2  }
0x55d: {  	v3 =	vand.u32 $0x7, v3;
	v4 =	vand.u32 $0xFFFFFFE0, v49  }
0x55e: {  	v3 =	vor.u32 v3, v4  }
0x55f: {  	v4 =	vperm.xlane v3, v0;
	_ =	sdelay $0x1  }
0x560: {  	v4 =	vadd.s32 v1, v4;
	_ =	sdelay $0x1  }
0x561: {  	v3 =	vperm.xlane v3, v2;
	_ =	sdelay $0x1  }
0x562: {  	s9 =	simm.s32 $0x1A680;
	v3 =	vadd.s32 v1, v3  }
0x563: {  	[tilespmem:s9], [sflag:$0x2] =	stream.indirect_vreg.gather [hbm4b:s2+s3], $0x80, v4, vm0, $0xb8;
	[tilespmem:$0x1C680] =	vst v63  }
0x564: {  	s10 =	simm.s32 $0x1AE80  }
0x565: {  	[tilespmem:s10], [sflag:$0x2] =	stream.indirect_vreg.gather [hbm4b:s5+s3], $0x80, v4, vm0, $0xb8;
	[tilespmem:$0x1C680] =	vst v63  }
0x566: {  	s12 =	simm.s32 $0x1B680  }
0x567: {  	[tilespmem:s12], [sflag:$0x2] =	stream.indirect_vreg.gather [hbm4b:s2+s3], $0x80, v3, vm0, $0xb8;
	[tilespmem:$0x1C680] =	vst v63  }
0x568: {  	s13 =	simm.s32 $0x1BE80  }
0x569: {  	[tilespmem:s13], [sflag:$0x2] =	stream.indirect_vreg.gather [hbm4b:s5+s3], $0x80, v3, vm0, $0xb8;
	[tilespmem:$0x1C680] =	vst v63  }
0x56a: {  	s7 =	simm.s32 $0x680;
	s22 =	rddreg [dreg:$0xf]  }
0x56b: {  	[hbm4b:s22+s3] =	stream.linear.scatter [tilespmem:s7], [sflag:$0x3], $0xE000, $0x38;
	[tilespmem:$0x1C680] =	vst v63  }
0x56c: {  	_ =	swait.ge [sflag:s19], $0xE000  }
0x56d: {  	[sflag:s19] =	ssyncset.done $0x0  }
0x56e: {  	[sflag:s19] =	ssyncadd.s32 $0xFFFF2000  }
0x56f: {  	_ =	swait.ge [sflag:s21], $0xE000  }
0x570: {  	[sflag:s21] =	ssyncset.done $0x0  }
0x571: {  	s22 =	rddreg [dreg:$0x1f];
	[sflag:s21] =	ssyncadd.s32 $0xFFFF2000  }
0x572: {  	v3 =	vld [tilespmem:s22+$0x0];
	_ =	sdelay $0x4  }
0x573: {  	v50 =	vshll.u32 v3, $0x2  }
0x574: {  	v3 =	vand.u32 $0x7, v3;
	v4 =	vand.u32 $0xFFFFFFE0, v50  }
0x575: {  	v3 =	vor.u32 v3, v4  }
0x576: {  	v4 =	vperm.xlane v3, v0;
	_ =	sdelay $0x1  }
0x577: {  	v4 =	vadd.s32 v1, v4;
	_ =	sdelay $0x1  }
0x578: {  	v3 =	vperm.xlane v3, v2;
	_ =	sdelay $0x1  }
0x579: {  	v3 =	vadd.s32 v1, v3  }
0x57a: {  	[tilespmem:s7], [sflag:$0x1] =	stream.indirect_vreg.gather [hbm4b:s2+s3], $0x80, v4, vm0, $0xb8;
	[tilespmem:$0x1C680] =	vst v63  }
0x57b: {  	s25 =	simm.s32 $0xE80  }
0x57c: {  	[tilespmem:s25], [sflag:$0x1] =	stream.indirect_vreg.gather [hbm4b:s5+s3], $0x80, v4, vm0, $0xb8;
	[tilespmem:$0x1C680] =	vst v63  }
0x57d: {  	s18 =	simm.s32 $0x1680  }
0x57e: {  	[tilespmem:s18], [sflag:$0x1] =	stream.indirect_vreg.gather [hbm4b:s2+s3], $0x80, v3, vm0, $0xb8;
	[tilespmem:$0x1C680] =	vst v63  }
0x57f: {  	s25 =	simm.s32 $0x1E80  }
0x580: {  	[tilespmem:s25], [sflag:$0x1] =	stream.indirect_vreg.gather [hbm4b:s5+s3], $0x80, v3, vm0, $0xb8;
	[tilespmem:$0x1C680] =	vst v63  }
0x581: {  	v3 =	vld [tilespmem:s22+$0x10];
	_ =	sdelay $0x4  }
0x582: {  	v51 =	vshll.u32 v3, $0x2  }
0x583: {  	v3 =	vand.u32 $0x7, v3;
	v4 =	vand.u32 $0xFFFFFFE0, v51  }
0x584: {  	v3 =	vor.u32 v3, v4  }
0x585: {  	v4 =	vperm.xlane v3, v0;
	_ =	sdelay $0x1  }
0x586: {  	v4 =	vadd.s32 v1, v4;
	_ =	sdelay $0x1  }
0x587: {  	v3 =	vperm.xlane v3, v2;
	_ =	sdelay $0x1  }
0x588: {  	s29 =	simm.s32 $0x2680;
	v3 =	vadd.s32 v1, v3  }
0x589: {  	[tilespmem:s29], [sflag:$0x1] =	stream.indirect_vreg.gather [hbm4b:s2+s3], $0x80, v4, vm0, $0xb8;
	[tilespmem:$0x1C680] =	vst v63  }
0x58a: {  	s30 =	simm.s32 $0x2E80  }
0x58b: {  	[tilespmem:s30], [sflag:$0x1] =	stream.indirect_vreg.gather [hbm4b:s5+s3], $0x80, v4, vm0, $0xb8;
	[tilespmem:$0x1C680] =	vst v63  }
0x58c: {  	s31 =	simm.s32 $0x3680  }
0x58d: {  	[tilespmem:s31], [sflag:$0x1] =	stream.indirect_vreg.gather [hbm4b:s2+s3], $0x80, v3, vm0, $0xb8;
	[tilespmem:$0x1C680] =	vst v63  }
0x58e: {  	s29 =	simm.s32 $0x3E80  }
0x58f: {  	[tilespmem:s29], [sflag:$0x1] =	stream.indirect_vreg.gather [hbm4b:s5+s3], $0x80, v3, vm0, $0xb8;
	[tilespmem:$0x1C680] =	vst v63  }
0x590: {  	v3 =	vld [tilespmem:s22+$0x20];
	_ =	sdelay $0x4  }
0x591: {  	v52 =	vshll.u32 v3, $0x2  }
0x592: {  	v3 =	vand.u32 $0x7, v3;
	v4 =	vand.u32 $0xFFFFFFE0, v52  }
0x593: {  	v3 =	vor.u32 v3, v4  }
0x594: {  	v4 =	vperm.xlane v3, v0;
	_ =	sdelay $0x1  }
0x595: {  	v4 =	vadd.s32 v1, v4;
	_ =	sdelay $0x1  }
0x596: {  	v3 =	vperm.xlane v3, v2;
	_ =	sdelay $0x1  }
0x597: {  	s30 =	simm.s32 $0x4680;
	v3 =	vadd.s32 v1, v3  }
0x598: {  	[tilespmem:s30], [sflag:$0x1] =	stream.indirect_vreg.gather [hbm4b:s2+s3], $0x80, v4, vm0, $0xb8;
	[tilespmem:$0x1C680] =	vst v63  }
0x599: {  	s31 =	simm.s32 $0x4E80  }
0x59a: {  	[tilespmem:s31], [sflag:$0x1] =	stream.indirect_vreg.gather [hbm4b:s5+s3], $0x80, v4, vm0, $0xb8;
	[tilespmem:$0x1C680] =	vst v63  }
0x59b: {  	s25 =	simm.s32 $0x5680  }
0x59c: {  	[tilespmem:s25], [sflag:$0x1] =	stream.indirect_vreg.gather [hbm4b:s2+s3], $0x80, v3, vm0, $0xb8;
	[tilespmem:$0x1C680] =	vst v63  }
0x59d: {  	s17 =	simm.s32 $0x5E80  }
0x59e: {  	[tilespmem:s17], [sflag:$0x1] =	stream.indirect_vreg.gather [hbm4b:s5+s3], $0x80, v3, vm0, $0xb8;
	[tilespmem:$0x1C680] =	vst v63  }
0x59f: {  	v3 =	vld [tilespmem:s22+$0x30];
	_ =	sdelay $0x4  }
0x5a0: {  	v53 =	vshll.u32 v3, $0x2  }
0x5a1: {  	v3 =	vand.u32 $0x7, v3;
	v4 =	vand.u32 $0xFFFFFFE0, v53  }
0x5a2: {  	v3 =	vor.u32 v3, v4  }
0x5a3: {  	v4 =	vperm.xlane v3, v0;
	_ =	sdelay $0x1  }
0x5a4: {  	v4 =	vadd.s32 v1, v4;
	_ =	sdelay $0x1  }
0x5a5: {  	v3 =	vperm.xlane v3, v2;
	_ =	sdelay $0x1  }
0x5a6: {  	s29 =	simm.s32 $0x6680;
	v3 =	vadd.s32 v1, v3  }
0x5a7: {  	[tilespmem:s29], [sflag:$0x1] =	stream.indirect_vreg.gather [hbm4b:s2+s3], $0x80, v4, vm0, $0xb8;
	[tilespmem:$0x1C680] =	vst v63  }
0x5a8: {  	s30 =	simm.s32 $0x6E80  }
0x5a9: {  	[tilespmem:s30], [sflag:$0x1] =	stream.indirect_vreg.gather [hbm4b:s5+s3], $0x80, v4, vm0, $0xb8;
	[tilespmem:$0x1C680] =	vst v63  }
0x5aa: {  	s31 =	simm.s32 $0x7680  }
0x5ab: {  	[tilespmem:s31], [sflag:$0x1] =	stream.indirect_vreg.gather [hbm4b:s2+s3], $0x80, v3, vm0, $0xb8;
	[tilespmem:$0x1C680] =	vst v63  }
0x5ac: {  	s18 =	simm.s32 $0x7E80  }
0x5ad: {  	[tilespmem:s18], [sflag:$0x1] =	stream.indirect_vreg.gather [hbm4b:s5+s3], $0x80, v3, vm0, $0xb8;
	[tilespmem:$0x1C680] =	vst v63  }
0x5ae: {  	v3 =	vld [tilespmem:s22+$0x40];
	_ =	sdelay $0x4  }
0x5af: {  	v54 =	vshll.u32 v3, $0x2  }
0x5b0: {  	v3 =	vand.u32 $0x7, v3;
	v4 =	vand.u32 $0xFFFFFFE0, v54  }
0x5b1: {  	v3 =	vor.u32 v3, v4  }
0x5b2: {  	v4 =	vperm.xlane v3, v0;
	_ =	sdelay $0x1  }
0x5b3: {  	v4 =	vadd.s32 v1, v4;
	_ =	sdelay $0x1  }
0x5b4: {  	v3 =	vperm.xlane v3, v2;
	_ =	sdelay $0x1  }
0x5b5: {  	s25 =	simm.s32 $0x8680;
	v3 =	vadd.s32 v1, v3  }
0x5b6: {  	[tilespmem:s25], [sflag:$0x1] =	stream.indirect_vreg.gather [hbm4b:s2+s3], $0x80, v4, vm0, $0xb8;
	[tilespmem:$0x1C680] =	vst v63  }
0x5b7: {  	s29 =	simm.s32 $0x8E80  }
0x5b8: {  	[tilespmem:s29], [sflag:$0x1] =	stream.indirect_vreg.gather [hbm4b:s5+s3], $0x80, v4, vm0, $0xb8;
	[tilespmem:$0x1C680] =	vst v63  }
0x5b9: {  	s30 =	simm.s32 $0x9680  }
0x5ba: {  	[tilespmem:s30], [sflag:$0x1] =	stream.indirect_vreg.gather [hbm4b:s2+s3], $0x80, v3, vm0, $0xb8;
	[tilespmem:$0x1C680] =	vst v63  }
0x5bb: {  	s20 =	simm.s32 $0x9E80  }
0x5bc: {  	[tilespmem:s20], [sflag:$0x1] =	stream.indirect_vreg.gather [hbm4b:s5+s3], $0x80, v3, vm0, $0xb8;
	[tilespmem:$0x1C680] =	vst v63  }
0x5bd: {  	v3 =	vld [tilespmem:s22+$0x50];
	_ =	sdelay $0x4  }
0x5be: {  	v55 =	vshll.u32 v3, $0x2  }
0x5bf: {  	v3 =	vand.u32 $0x7, v3;
	v4 =	vand.u32 $0xFFFFFFE0, v55  }
0x5c0: {  	v3 =	vor.u32 v3, v4  }
0x5c1: {  	v4 =	vperm.xlane v3, v0;
	_ =	sdelay $0x1  }
0x5c2: {  	v4 =	vadd.s32 v1, v4;
	_ =	sdelay $0x1  }
0x5c3: {  	v3 =	vperm.xlane v3, v2;
	_ =	sdelay $0x1  }
0x5c4: {  	s31 =	simm.s32 $0xA680;
	v3 =	vadd.s32 v1, v3  }
0x5c5: {  	[tilespmem:s31], [sflag:$0x1] =	stream.indirect_vreg.gather [hbm4b:s2+s3], $0x80, v4, vm0, $0xb8;
	[tilespmem:$0x1C680] =	vst v63  }
0x5c6: {  	s18 =	simm.s32 $0xAE80  }
0x5c7: {  	[tilespmem:s18], [sflag:$0x1] =	stream.indirect_vreg.gather [hbm4b:s5+s3], $0x80, v4, vm0, $0xb8;
	[tilespmem:$0x1C680] =	vst v63  }
0x5c8: {  	s20 =	simm.s32 $0xB680  }
0x5c9: {  	[tilespmem:s20], [sflag:$0x1] =	stream.indirect_vreg.gather [hbm4b:s2+s3], $0x80, v3, vm0, $0xb8;
	[tilespmem:$0x1C680] =	vst v63  }
0x5ca: {  	s25 =	simm.s32 $0xBE80  }
0x5cb: {  	[tilespmem:s25], [sflag:$0x1] =	stream.indirect_vreg.gather [hbm4b:s5+s3], $0x80, v3, vm0, $0xb8;
	[tilespmem:$0x1C680] =	vst v63  }
0x5cc: {  	v3 =	vld [tilespmem:s22+$0x60];
	_ =	sdelay $0x4  }
0x5cd: {  	v56 =	vshll.u32 v3, $0x2  }
0x5ce: {  	v3 =	vand.u32 $0x7, v3;
	v4 =	vand.u32 $0xFFFFFFE0, v56  }
0x5cf: {  	v3 =	vor.u32 v3, v4  }
0x5d0: {  	v4 =	vperm.xlane v3, v0;
	_ =	sdelay $0x1  }
0x5d1: {  	v4 =	vadd.s32 v1, v4;
	_ =	sdelay $0x1  }
0x5d2: {  	v3 =	vperm.xlane v3, v2;
	_ =	sdelay $0x1  }
0x5d3: {  	s29 =	simm.s32 $0xC680;
	v3 =	vadd.s32 v1, v3  }
0x5d4: {  	[tilespmem:s29], [sflag:$0x1] =	stream.indirect_vreg.gather [hbm4b:s2+s3], $0x80, v4, vm0, $0xb8;
	[tilespmem:$0x1C680] =	vst v63  }
0x5d5: {  	s30 =	simm.s32 $0xCE80  }
0x5d6: {  	[tilespmem:s30], [sflag:$0x1] =	stream.indirect_vreg.gather [hbm4b:s5+s3], $0x80, v4, vm0, $0xb8;
	[tilespmem:$0x1C680] =	vst v63  }
0x5d7: {  	s31 =	simm.s32 $0xD680  }
0x5d8: {  	[tilespmem:s31], [sflag:$0x1] =	stream.indirect_vreg.gather [hbm4b:s2+s3], $0x80, v3, vm0, $0xb8;
	[tilespmem:$0x1C680] =	vst v63  }
0x5d9: {  	s20 =	simm.s32 $0xDE80  }
0x5da: {  	[tilespmem:s20], [sflag:$0x1] =	stream.indirect_vreg.gather [hbm4b:s5+s3], $0x80, v3, vm0, $0xb8;
	[tilespmem:$0x1C680] =	vst v63  }
0x5db: {  	s16 =	simm.s32 $0xE680;
	s18 =	rddreg [dreg:$0x10]  }
0x5dc: {  	[hbm4b:s18+s3] =	stream.linear.scatter [tilespmem:s16], [sflag:$0x3], $0xE000, $0x38;
	[tilespmem:$0x1C680] =	vst v63  }
0x5dd: {  	_ =	swait.ge [sflag:s19], $0xE000  }
0x5de: {  	[sflag:s19] =	ssyncset.done $0x0  }
0x5df: {  	[sflag:s19] =	ssyncadd.s32 $0xFFFF2000  }
0x5e0: {  	_ =	swait.ge [sflag:s24], $0xE000  }
0x5e1: {  	[sflag:s24] =	ssyncset.done $0x0  }
0x5e2: {  	[sflag:s24] =	ssyncadd.s32 $0xFFFF2000  }
0x5e3: {  	v3 =	vld [tilespmem:$0x5B0];
	_ =	sdelay $0x4  }
0x5e4: {  	v57 =	vshll.u32 v3, $0x2  }
0x5e5: {  	v3 =	vand.u32 $0x7, v3;
	v4 =	vand.u32 $0xFFFFFFE0, v57  }
0x5e6: {  	v3 =	vor.u32 v3, v4  }
0x5e7: {  	v4 =	vperm.xlane v3, v0;
	_ =	sdelay $0x1  }
0x5e8: {  	v4 =	vadd.s32 v1, v4;
	_ =	sdelay $0x1  }
0x5e9: {  	v3 =	vperm.xlane v3, v2;
	_ =	sdelay $0x1  }
0x5ea: {  	v3 =	vadd.s32 v1, v3  }
0x5eb: {  	[tilespmem:s16], [sflag:$0x2] =	stream.indirect_vreg.gather [hbm4b:s2+s3], $0x80, v4, vm0, $0xb8;
	[tilespmem:$0x1C680] =	vst v63  }
0x5ec: {  	s22 =	simm.s32 $0xEE80  }
0x5ed: {  	[tilespmem:s22], [sflag:$0x2] =	stream.indirect_vreg.gather [hbm4b:s5+s3], $0x80, v4, vm0, $0xb8;
	[tilespmem:$0x1C680] =	vst v63  }
0x5ee: {  	s23 =	simm.s32 $0xF680  }
0x5ef: {  	[tilespmem:s23], [sflag:$0x2] =	stream.indirect_vreg.gather [hbm4b:s2+s3], $0x80, v3, vm0, $0xb8;
	[tilespmem:$0x1C680] =	vst v63  }
0x5f0: {  	s25 =	simm.s32 $0xFE80  }
0x5f1: {  	[tilespmem:s25], [sflag:$0x2] =	stream.indirect_vreg.gather [hbm4b:s5+s3], $0x80, v3, vm0, $0xb8;
	[tilespmem:$0x1C680] =	vst v63  }
0x5f2: {  	v3 =	vld [tilespmem:$0x5C0];
	_ =	sdelay $0x4  }
0x5f3: {  	v58 =	vshll.u32 v3, $0x2  }
0x5f4: {  	v3 =	vand.u32 $0x7, v3;
	v4 =	vand.u32 $0xFFFFFFE0, v58  }
0x5f5: {  	v3 =	vor.u32 v3, v4  }
0x5f6: {  	v4 =	vperm.xlane v3, v0;
	_ =	sdelay $0x1  }
0x5f7: {  	v4 =	vadd.s32 v1, v4;
	_ =	sdelay $0x1  }
0x5f8: {  	v3 =	vperm.xlane v3, v2;
	_ =	sdelay $0x1  }
0x5f9: {  	s29 =	simm.s32 $0x10680;
	v3 =	vadd.s32 v1, v3  }
0x5fa: {  	[tilespmem:s29], [sflag:$0x2] =	stream.indirect_vreg.gather [hbm4b:s2+s3], $0x80, v4, vm0, $0xb8;
	[tilespmem:$0x1C680] =	vst v63  }
0x5fb: {  	s26 =	simm.s32 $0x10E80  }
0x5fc: {  	[tilespmem:s26], [sflag:$0x2] =	stream.indirect_vreg.gather [hbm4b:s5+s3], $0x80, v4, vm0, $0xb8;
	[tilespmem:$0x1C680] =	vst v63  }
0x5fd: {  	s30 =	simm.s32 $0x11680  }
0x5fe: {  	[tilespmem:s30], [sflag:$0x2] =	stream.indirect_vreg.gather [hbm4b:s2+s3], $0x80, v3, vm0, $0xb8;
	[tilespmem:$0x1C680] =	vst v63  }
0x5ff: {  	s31 =	simm.s32 $0x11E80  }
0x600: {  	[tilespmem:s31], [sflag:$0x2] =	stream.indirect_vreg.gather [hbm4b:s5+s3], $0x80, v3, vm0, $0xb8;
	[tilespmem:$0x1C680] =	vst v63  }
0x601: {  	v3 =	vld [tilespmem:$0x5D0];
	_ =	sdelay $0x4  }
0x602: {  	v59 =	vshll.u32 v3, $0x2  }
0x603: {  	v3 =	vand.u32 $0x7, v3;
	v4 =	vand.u32 $0xFFFFFFE0, v59  }
0x604: {  	v3 =	vor.u32 v3, v4  }
0x605: {  	v4 =	vperm.xlane v3, v0;
	_ =	sdelay $0x1  }
0x606: {  	v4 =	vadd.s32 v1, v4;
	_ =	sdelay $0x1  }
0x607: {  	v3 =	vperm.xlane v3, v2;
	_ =	sdelay $0x1  }
0x608: {  	s28 =	simm.s32 $0x12680;
	v3 =	vadd.s32 v1, v3  }
0x609: {  	[tilespmem:s28], [sflag:$0x2] =	stream.indirect_vreg.gather [hbm4b:s2+s3], $0x80, v4, vm0, $0xb8;
	[tilespmem:$0x1C680] =	vst v63  }
0x60a: {  	s18 =	simm.s32 $0x12E80  }
0x60b: {  	[tilespmem:s18], [sflag:$0x2] =	stream.indirect_vreg.gather [hbm4b:s5+s3], $0x80, v4, vm0, $0xb8;
	[tilespmem:$0x1C680] =	vst v63  }
0x60c: {  	_ = 	snop  }
0x60d: {  	[tilespmem:s1], [sflag:$0x2] =	stream.indirect_vreg.gather [hbm4b:s2+s3], $0x80, v3, vm0, $0xb8;
	[tilespmem:$0x1C680] =	vst v63  }
0x60e: {  	_ = 	snop  }
0x60f: {  	[tilespmem:s14], [sflag:$0x2] =	stream.indirect_vreg.gather [hbm4b:s5+s3], $0x80, v3, vm0, $0xb8;
	[tilespmem:$0x1C680] =	vst v63  }
0x610: {  	v3 =	vld [tilespmem:$0x5E0];
	_ =	sdelay $0x4  }
0x611: {  	v60 =	vshll.u32 v3, $0x2  }
0x612: {  	v3 =	vand.u32 $0x7, v3;
	v4 =	vand.u32 $0xFFFFFFE0, v60  }
0x613: {  	v3 =	vor.u32 v3, v4  }
0x614: {  	v4 =	vperm.xlane v3, v0;
	_ =	sdelay $0x1  }
0x615: {  	v4 =	vadd.s32 v1, v4;
	_ =	sdelay $0x1  }
0x616: {  	v3 =	vperm.xlane v3, v2;
	_ =	sdelay $0x1  }
0x617: {  	s20 =	simm.s32 $0x14680;
	v3 =	vadd.s32 v1, v3  }
0x618: {  	[tilespmem:s20], [sflag:$0x2] =	stream.indirect_vreg.gather [hbm4b:s2+s3], $0x80, v4, vm0, $0xb8;
	[tilespmem:$0x1C680] =	vst v63  }
0x619: {  	s22 =	simm.s32 $0x14E80  }
0x61a: {  	[tilespmem:s22], [sflag:$0x2] =	stream.indirect_vreg.gather [hbm4b:s5+s3], $0x80, v4, vm0, $0xb8;
	[tilespmem:$0x1C680] =	vst v63  }
0x61b: {  	_ = 	snop  }
0x61c: {  	[tilespmem:s4], [sflag:$0x2] =	stream.indirect_vreg.gather [hbm4b:s2+s3], $0x80, v3, vm0, $0xb8;
	[tilespmem:$0x1C680] =	vst v63  }
0x61d: {  	_ = 	snop  }
0x61e: {  	[tilespmem:s15], [sflag:$0x2] =	stream.indirect_vreg.gather [hbm4b:s5+s3], $0x80, v3, vm0, $0xb8;
	[tilespmem:$0x1C680] =	vst v63  }
0x61f: {  	v3 =	vld [tilespmem:$0x5F0];
	_ =	sdelay $0x4  }
0x620: {  	v61 =	vshll.u32 v3, $0x2  }
0x621: {  	v3 =	vand.u32 $0x7, v3;
	v4 =	vand.u32 $0xFFFFFFE0, v61  }
0x622: {  	v3 =	vor.u32 v3, v4  }
0x623: {  	v4 =	vperm.xlane v3, v0;
	_ =	sdelay $0x1  }
0x624: {  	v4 =	vadd.s32 v1, v4;
	_ =	sdelay $0x1  }
0x625: {  	v3 =	vperm.xlane v3, v2;
	_ =	sdelay $0x1  }
0x626: {  	s23 =	simm.s32 $0x16680;
	v3 =	vadd.s32 v1, v3  }
0x627: {  	[tilespmem:s23], [sflag:$0x2] =	stream.indirect_vreg.gather [hbm4b:s2+s3], $0x80, v4, vm0, $0xb8;
	[tilespmem:$0x1C680] =	vst v63  }
0x628: {  	s25 =	simm.s32 $0x16E80  }
0x629: {  	[tilespmem:s25], [sflag:$0x2] =	stream.indirect_vreg.gather [hbm4b:s5+s3], $0x80, v4, vm0, $0xb8;
	[tilespmem:$0x1C680] =	vst v63  }
0x62a: {  	_ = 	snop  }
0x62b: {  	[tilespmem:s6], [sflag:$0x2] =	stream.indirect_vreg.gather [hbm4b:s2+s3], $0x80, v3, vm0, $0xb8;
	[tilespmem:$0x1C680] =	vst v63  }
0x62c: {  	s26 =	simm.s32 $0x17E80  }
0x62d: {  	[tilespmem:s26], [sflag:$0x2] =	stream.indirect_vreg.gather [hbm4b:s5+s3], $0x80, v3, vm0, $0xb8;
	[tilespmem:$0x1C680] =	vst v63  }
0x62e: {  	v3 =	vld [tilespmem:$0x600];
	_ =	sdelay $0x4  }
0x62f: {  	v62 =	vshll.u32 v3, $0x2  }
0x630: {  	v3 =	vand.u32 $0x7, v3;
	v4 =	vand.u32 $0xFFFFFFE0, v62  }
0x631: {  	v3 =	vor.u32 v3, v4  }
0x632: {  	v4 =	vperm.xlane v3, v0;
	_ =	sdelay $0x1  }
0x633: {  	v4 =	vadd.s32 v1, v4;
	_ =	sdelay $0x1  }
0x634: {  	v3 =	vperm.xlane v3, v2;
	_ =	sdelay $0x1  }
0x635: {  	s28 =	simm.s32 $0x18680;
	v3 =	vadd.s32 v1, v3  }
0x636: {  	[tilespmem:s28], [sflag:$0x2] =	stream.indirect_vreg.gather [hbm4b:s2+s3], $0x80, v4, vm0, $0xb8;
	[tilespmem:$0x1C680] =	vst v63  }
0x637: {  	_ = 	snop  }
0x638: {  	[tilespmem:s0], [sflag:$0x2] =	stream.indirect_vreg.gather [hbm4b:s5+s3], $0x80, v4, vm0, $0xb8;
	[tilespmem:$0x1C680] =	vst v63  }
0x639: {  	_ = 	snop  }
0x63a: {  	[tilespmem:s8], [sflag:$0x2] =	stream.indirect_vreg.gather [hbm4b:s2+s3], $0x80, v3, vm0, $0xb8;
	[tilespmem:$0x1C680] =	vst v63  }
0x63b: {  	_ = 	snop  }
0x63c: {  	[tilespmem:s11], [sflag:$0x2] =	stream.indirect_vreg.gather [hbm4b:s5+s3], $0x80, v3, vm0, $0xb8;
	[tilespmem:$0x1C680] =	vst v63  }
0x63d: {  	v3 =	vld [tilespmem:$0x610];
	_ =	sdelay $0x4  }
0x63e: {  	v63 =	vshll.u32 v3, $0x2  }
0x63f: {  	v3 =	vand.u32 $0x7, v3;
	v4 =	vand.u32 $0xFFFFFFE0, v63  }
0x640: {  	v3 =	vor.u32 v3, v4  }
0x641: {  	v4 =	vperm.xlane v3, v0;
	_ =	sdelay $0x1  }
0x642: {  	v4 =	vadd.s32 v1, v4;
	_ =	sdelay $0x1  }
0x643: {  	v3 =	vperm.xlane v3, v2;
	_ =	sdelay $0x1  }
0x644: {  	v3 =	vadd.s32 v1, v3  }
0x645: {  	[tilespmem:s9], [sflag:$0x2] =	stream.indirect_vreg.gather [hbm4b:s2+s3], $0x80, v4, vm0, $0xb8;
	[tilespmem:$0x1C680] =	vst v63  }
0x646: {  	_ = 	snop  }
0x647: {  	[tilespmem:s10], [sflag:$0x2] =	stream.indirect_vreg.gather [hbm4b:s5+s3], $0x80, v4, vm0, $0xb8;
	[tilespmem:$0x1C680] =	vst v63  }
0x648: {  	_ = 	snop  }
0x649: {  	[tilespmem:s12], [sflag:$0x2] =	stream.indirect_vreg.gather [hbm4b:s2+s3], $0x80, v3, vm0, $0xb8;
	[tilespmem:$0x1C680] =	vst v63  }
0x64a: {  	_ = 	snop  }
0x64b: {  	[tilespmem:s13], [sflag:$0x2] =	stream.indirect_vreg.gather [hbm4b:s5+s3], $0x80, v3, vm0, $0xb8;
	[tilespmem:$0x1C680] =	vst v63  }
0x64c: {  	s7 =	simm.s32 $0x680;
	s30 =	rddreg [dreg:$0x11]  }
0x64d: {  	[hbm4b:s30+s3] =	stream.linear.scatter [tilespmem:s7], [sflag:$0x3], $0xE000, $0x38;
	[tilespmem:$0x1C680] =	vst v63  }
0x64e: {  	s29 =	sld [smem:$0x7FD];
	_ =	swait.ge [sflag:s19], $0xE000  }
0x64f: {  	[sflag:s19] =	ssyncset.done $0x0  }
0x650: {  	[sflag:s19] =	ssyncadd.s32 $0xFFFF2000  }
0x651: {  	_ =	swait.ge [sflag:s21], $0xE000  }
0x652: {  	p0 =	sne.s32 s29, $0x1;
	[sflag:s21] =	ssyncset.done $0x0  }
.Ltmp0:
0x653: {  	s31 =	rddreg [dreg:$0x12];
	[sflag:s21] =	ssyncadd.s32 $0xFFFF2000;
	(pc) =	sbr.rel @p0 .LBB2_1-.Ltmp0, $4  }
0x654: {  	[hbm4b:s31+s3] =	stream.linear.scatter [tilespmem:s16], [sflag:$0x3], $0xE000, $0x38;
	[tilespmem:$0x1C680] =	vst v63  }
0x655: {  	_ =	swait.ge [sflag:s19], $0xE000  }
0x656: {  	[sflag:s19] =	ssyncset.done $0x0  }
0x657: {  	s0 =	sadd.s32 $0xFFFFFFFF, s29;
	[sflag:s19] =	ssyncadd.s32 $0xFFFF2000  }
0x658: {  	_ =	sfence.sel $0x180000  }
0x659: {  	[bflag:$0x0] =	sbarrier.arrive $0xFFFF  }
0x65a: {  	_ =	strace $0x90000047  }
0x65b: {  	s0 =	stileid.u32;
	[bflag:$0x2] =	sbarrier.arrive $0xFFFF  }
0x65c: {  	p0 =	sne.s32 s0, $0x0;
	s0 =	rddreg [dreg:$0x3]  }
0x65d: {  	s0 =	sadd.s32 @!p0 $0x100000, s0  }
0x65e: {  	[sflag:s0] =	ssyncadd.tile.s32 @!p0 $0x1;
	_ =	shalt  }
.Lfunc_end2:
_tile_overlayer_lowered:
.L_overlay_start_2:
0x65f: {  	(tag) =	ssettag $0x2  }
0x660: {  	s0 =	rddreg [dreg:$0x0];
	s2 =	stileid.u32  }
0x661: {  	s1 =	rddreg [dreg:$0x1];
	p0 =	sne.s32 s2, $0x0  }
0x662: {  	s3 =	rddreg [dreg:$0x2];
	[bflag:$0x3] =	sbarrier.arrive $0xFFFF;
	s2 =	simm.s32 @!p0 $0x1C03  }
0x663: {  	[timem:s3], [sflag:s2] =	dma.local @!p0 [hbm:s0], s1  }
0x664: {  	s0 =	simm.s32 @!p0 $0x3  }
0x665: {  	_ =	swait.ge @!p0 [sflag:s0], s1  }
0x666: {  	s1 =	ssub.s32 @!p0 $0x0, s1;
	[sflag:s0] =	ssyncset.done @!p0 $0x0  }
0x667: {  	[sflag:s0] =	ssyncadd.s32 @!p0 s1  }
0x668: {  	[bflag:$0x3] =	sbarrier.arrive $0xFFFF  }
0x669: {  	_ =	shalt  }

</sc_bundles>
